<compile_context>
chip_gen: v7x
topology: tpu7x:2x2x1
jax: 0.10.2.dev20260603
libtpu: 0.0.44.dev20260713+nightly
codegen_flags: <defaults>
</compile_context>

<pallas_src>
import jax
import jax.numpy as jnp
from jax import lax
from jax.experimental import pallas as pl
from jax.experimental.pallas import tpu as pltpu
from jax.experimental.pallas import tpu_sc as plsc

N_CHANNELS = 4096
N_ENERGIES = 16384
SC_ROWS = 512
TC_ROWS = N_CHANNELS - SC_ROWS
BC = 128

NSC, NSS, LANES = 2, 16, 16
NW = NSC * NSS
RPW = SC_ROWS // NW
CHUNK = 4


def _flux_expr(params_ref, en_ref):
    alpha = params_ref[0] + 1.2
    norm = params_ref[1]
    one_m_a = 1.0 - alpha
    e_low = en_ref[0:1, :]
    e_high = en_ref[1:2, :]
    return norm * (
        jnp.power(e_high, one_m_a) - jnp.power(e_low, one_m_a)
    ) / one_m_a


def _flux_body(params_ref, en_ref, out_ref):
    out_ref[...] = _flux_expr(params_ref, en_ref)


def _tc_body(params_ref, en_ref, tm_ref, out_ref, flux_ref):
    @pl.when(pl.program_id(0) == 0)
    def _():
        flux_ref[...] = _flux_expr(params_ref, en_ref)

    flux = flux_ref[...]
    acc = jnp.sum(tm_ref[...] * flux, axis=1)
    out_ref[...] = jnp.maximum(acc, 1e-6)


def _sc_body(tm_hbm, flux_hbm, out_hbm, flux_v, rows_v, out_v):
    c = lax.axis_index("c")
    s = lax.axis_index("s")
    wid = s * NSC + c
    pltpu.sync_copy(flux_hbm, flux_v)
    row_base = TC_ROWS + wid * RPW
    lane = lax.broadcasted_iota(jnp.int32, (LANES,), 0)
    outvec = jnp.zeros((LANES,), jnp.float32)
    for chunk in range(RPW // CHUNK):
        pltpu.sync_copy(
            tm_hbm.at[pl.ds(row_base + chunk * CHUNK, CHUNK)], rows_v)
        for r in range(CHUNK):
            def kbody(k, acc, _r=r):
                off = k * LANES
                return acc + (rows_v[_r, pl.ds(off, LANES)]
                              * flux_v[pl.ds(off, LANES)])
            acc = lax.fori_loop(0, N_ENERGIES // LANES, kbody,
                                jnp.zeros((LANES,), jnp.float32), unroll=8)
            for sh in (1, 2, 4, 8):
                acc = acc + acc.at[lane ^ sh].get(mode="promise_in_bounds")
            outvec = jnp.where(lane == (chunk * CHUNK + r), acc, outvec)
    out_v[...] = jnp.maximum(outvec, 1e-6)
    pltpu.sync_copy(out_v, out_hbm.at[pl.ds(wid * LANES, LANES)])


def kernel(parameters, energies, transfer_matrix):
    flux2d = pl.pallas_call(
        _flux_body,
        grid=(1,),
        in_specs=[
            pl.BlockSpec(memory_space=pltpu.SMEM),
            pl.BlockSpec((2, N_ENERGIES), lambda i: (0, 0)),
        ],
        out_specs=pl.BlockSpec((1, N_ENERGIES), lambda i: (0, 0)),
        out_shape=jax.ShapeDtypeStruct((1, N_ENERGIES), jnp.float32),
    )(parameters, energies)
    flux1d = flux2d.reshape(N_ENERGIES)

    sc_mv = pl.kernel(
        _sc_body,
        out_type=jax.ShapeDtypeStruct((SC_ROWS,), jnp.float32),
        mesh=plsc.VectorSubcoreMesh(
            core_axis_name="c", subcore_axis_name="s",
            num_cores=NSC, num_subcores=NSS),
        scratch_types=[
            pltpu.VMEM((N_ENERGIES,), jnp.float32),
            pltpu.VMEM((CHUNK, N_ENERGIES), jnp.float32),
            pltpu.VMEM((LANES,), jnp.float32),
        ],
    )
    out_tail = sc_mv(transfer_matrix, flux1d)

    out_head = pl.pallas_call(
        _tc_body,
        grid=(TC_ROWS // BC,),
        in_specs=[
            pl.BlockSpec(memory_space=pltpu.SMEM),
            pl.BlockSpec((2, N_ENERGIES), lambda i: (0, 0)),
            pl.BlockSpec((BC, N_ENERGIES), lambda i: (i, 0)),
        ],
        out_specs=pl.BlockSpec((BC,), lambda i: (i,)),
        out_shape=jax.ShapeDtypeStruct((TC_ROWS,), jnp.float32),
        scratch_shapes=[pltpu.VMEM((1, N_ENERGIES), jnp.float32)],
    )(parameters, energies, transfer_matrix)

    return jnp.concatenate([out_head, out_tail])

# --- scband reference (transcript-rebuilt; emitter-appended) ---
"""Pipeline reference for scband-count-forward-model-56298431316019 (READ-ONLY COPY).

The authoritative reference and input builder live on the scoring server;
editing this copy changes nothing except your own understanding.
"""

import jax, jax.numpy as jnp
import numpy as np

N_CHANNELS = 4096
N_ENERGIES = 16384


def setup_inputs(seed: int = 0) -> dict:
    key = jax.random.key(seed)
    k1, k2 = jax.random.split(key)
    # spectral model parameters: [photon-index offset, normalization]
    parameters = jax.random.uniform(k1, (2,), dtype=jnp.float32, minval=0.1, maxval=1.0)
    # in_energies: stacked (e_low, e_high) bin edges in keV, strictly positive and increasing
    e_grid = jnp.linspace(0.1, 12.0, N_ENERGIES + 1, dtype=jnp.float32)
    energies = jnp.stack([e_grid[:-1], e_grid[1:]])  # [2, N_ENERGIES]
    # dense folded instrument response (RMF * ARF * exposure), non-negative
    transfer_matrix = jax.random.uniform(k2, (N_CHANNELS, N_ENERGIES), dtype=jnp.float32) * 0.01
    return {"parameters": parameters, "energies": energies, "transfer_matrix": transfer_matrix}


def photon_flux(parameters, e_low, e_high):
    # analytic bin-integrated powerlaw: norm * int_{e_low}^{e_high} E^{-alpha} dE
    alpha = parameters[0] + 1.2
    norm = parameters[1]
    one_m_a = 1.0 - alpha
    return norm * (jnp.power(e_high, one_m_a) - jnp.power(e_low, one_m_a)) / one_m_a


def reference(parameters, energies, transfer_matrix):
    # CountForwardModel.__call__: fold model flux through instrument response
    flux = photon_flux(parameters, energies[0], energies[1])  # [N_ENERGIES]
    expected_counts = transfer_matrix @ flux  # [N_CHANNELS]
    return jnp.clip(expected_counts, 1e-06)

if __name__ == "__main__":
    import jax
    _d = setup_inputs()
    print(jax.jit(kernel)(*tuple(_d.values())))

</pallas_src>

<mosaic_0001>
#map = affine_map<(d0, d1) -> (0, 0)>
#map1 = affine_map<(d0, d1) -> (0)>
module attributes {stable_mosaic.version = 14 : i64} {
  func.func @_sc_body(%arg0: i32, %arg1: i32, %arg2: memref<4096x16384xf32, #tpu.memory_space<hbm>>, %arg3: memref<16384xf32, #tpu.memory_space<hbm>>, %arg4: memref<512xf32, #tpu.memory_space<hbm>>, %arg5: memref<16384xf32, #tpu.memory_space<vmem>>, %arg6: memref<4x16384xf32, #tpu.memory_space<vmem>>, %arg7: memref<16xf32, #tpu.memory_space<vmem>>) attributes {dimension_semantics = [#tpu.dimension_semantics<core_parallel>, #tpu.dimension_semantics<subcore_parallel>], iteration_bounds = array<i64: 2, 16>, scalar_prefetch = 0 : i64, scratch_operands = 3 : i64, tpu.core_type = #tpu.core_type<sc_vector_subcore>, window_params = [{transform_indices = #map}, {transform_indices = #map1}, {transform_indices = #map1}]} {
    %mul3A = arith.constant 2 : i32
    %mul3A_0 = arith.muli %arg1, %mul3A : i32
    %add3A = arith.addi %mul3A_0, %arg0 : i32
    "tpu.region"() ({
      %run_scoped3A = tpu.sem_alloc : memref<!tpu.dma_semaphore, #tpu.memory_space<semaphore_mem>>
      tpu.enqueue_dma source(%arg3 : memref<16384xf32, #tpu.memory_space<hbm>>) target(%arg5 : memref<16384xf32, #tpu.memory_space<vmem>>) target_semaphore(%run_scoped3A : memref<!tpu.dma_semaphore, #tpu.memory_space<semaphore_mem>>)
      tpu.wait_dma2 semaphore(%run_scoped3A : memref<!tpu.dma_semaphore, #tpu.memory_space<semaphore_mem>>) src(%arg3 : memref<16384xf32, #tpu.memory_space<hbm>>) dst(%arg5 : memref<16384xf32, #tpu.memory_space<vmem>>)
      tpu.yield
    }) : () -> ()
    %mul3A_1 = arith.constant 16 : i32
    %mul3A_2 = arith.muli %add3A, %mul3A_1 : i32
    %add3A_3 = arith.constant 3584 : i32
    %add3A_4 = arith.addi %add3A_3, %mul3A_2 : i32
    %iota3A = tpu.iota {dimensions = array<i32: 0>} : vector<16xi32>
    %broadcast_in_dim3A = arith.constant 0.000000e+00 : f32
    %broadcast_in_dim3A_5 = vector.broadcast %broadcast_in_dim3A : f32 to vector<16xf32>
    %add3A_6 = arith.constant 0 : i32
    %add3A_7 = arith.addi %add3A_4, %add3A_6 : i32
    "tpu.region"() ({
      %run_scoped3A = tpu.sem_alloc : memref<!tpu.dma_semaphore, #tpu.memory_space<semaphore_mem>>
      %dma_start3A = arith.constant 0 : i32
      %dma_start3A_1103 = tpu.memref_slice %arg2[%add3A_7, %dma_start3A] : memref<4096x16384xf32, #tpu.memory_space<hbm>> -> memref<4x16384xf32, #tpu.memory_space<hbm>>
      %dma_start3A_1104 = arith.constant 0 : i32
      %dma_start3A_1105 = tpu.memref_slice %arg2[%add3A_7, %dma_start3A_1104] : memref<4096x16384xf32, #tpu.memory_space<hbm>> -> memref<4x16384xf32, #tpu.memory_space<hbm>>
      tpu.enqueue_dma source(%dma_start3A_1105 : memref<4x16384xf32, #tpu.memory_space<hbm>>) target(%arg6 : memref<4x16384xf32, #tpu.memory_space<vmem>>) target_semaphore(%run_scoped3A : memref<!tpu.dma_semaphore, #tpu.memory_space<semaphore_mem>>)
      %dma_wait3A = arith.constant 0 : i32
      %dma_wait3A_1106 = tpu.memref_slice %arg2[%add3A_7, %dma_wait3A] : memref<4096x16384xf32, #tpu.memory_space<hbm>> -> memref<4x16384xf32, #tpu.memory_space<hbm>>
      %dma_wait3A_1107 = arith.constant 0 : i32
      %dma_wait3A_1108 = tpu.memref_slice %arg2[%add3A_7, %dma_wait3A_1107] : memref<4096x16384xf32, #tpu.memory_space<hbm>> -> memref<4x16384xf32, #tpu.memory_space<hbm>>
      tpu.wait_dma2 semaphore(%run_scoped3A : memref<!tpu.dma_semaphore, #tpu.memory_space<semaphore_mem>>) src(%dma_wait3A_1108 : memref<4x16384xf32, #tpu.memory_space<hbm>>) dst(%arg6 : memref<4x16384xf32, #tpu.memory_space<vmem>>)
      tpu.yield
    }) : () -> ()
    %broadcast_in_dim3A_8 = arith.constant 0.000000e+00 : f32
    %broadcast_in_dim3A_9 = vector.broadcast %broadcast_in_dim3A_8 : f32 to vector<16xf32>
    %scan3A = arith.constant 0 : i32
    %scan3A_10 = arith.constant 1024 : i32
    %scan3A_11 = arith.addi %scan3A, %scan3A_10 : i32
    %scan3A_12 = arith.constant 8 : i32
    %scan3A_13 = scf.for %scan3A_1103 = %scan3A to %scan3A_11 step %scan3A_12 iter_args(%scan3A_1104 = %broadcast_in_dim3A_9) -> (vector<16xf32>)  : i32 {
      %mul3A_1105 = arith.constant 16 : i32
      %mul3A_1106 = arith.muli %scan3A_1103, %mul3A_1105 : i32
      %get3A = arith.constant 0 : i32
      %get3A_1107 = arith.index_cast %get3A : i32 to index
      %get3A_1108 = arith.index_cast %mul3A_1106 : i32 to index
      %get3A_1109 = tpu.vector_load %arg6[%get3A_1107, %get3A_1108] {strides = array<i32>} : memref<4x16384xf32, #tpu.memory_space<vmem>>, vector<1x16xf32>,
      %get3A_1110 = vector.shape_cast %get3A_1109 : vector<1x16xf32> to vector<16xf32>
      %get3A_1111 = arith.index_cast %mul3A_1106 : i32 to index
      %get3A_1112 = tpu.vector_load %arg5[%get3A_1111] {strides = array<i32>} : memref<16384xf32, #tpu.memory_space<vmem>>, vector<16xf32>,
      %get3A_1113 = vector.shape_cast %get3A_1112 : vector<16xf32> to vector<16xf32>
      %mul3A_1114 = arith.mulf %get3A_1110, %get3A_1113 : vector<16xf32>
      %add3A_1115 = arith.addf %scan3A_1104, %mul3A_1114 : vector<16xf32>
      %scan3A_1116 = arith.constant 1 : i32
      %scan3A_1117 = arith.addi %scan3A_1103, %scan3A_1116 : i32
      %mul3A_1118 = arith.constant 16 : i32
      %mul3A_1119 = arith.muli %scan3A_1117, %mul3A_1118 : i32
      %get3A_1120 = arith.constant 0 : i32
      %get3A_1121 = arith.index_cast %get3A_1120 : i32 to index
      %get3A_1122 = arith.index_cast %mul3A_1119 : i32 to index
      %get3A_1123 = tpu.vector_load %arg6[%get3A_1121, %get3A_1122] {strides = array<i32>} : memref<4x16384xf32, #tpu.memory_space<vmem>>, vector<1x16xf32>,
      %get3A_1124 = vector.shape_cast %get3A_1123 : vector<1x16xf32> to vector<16xf32>
      %get3A_1125 = arith.index_cast %mul3A_1119 : i32 to index
      %get3A_1126 = tpu.vector_load %arg5[%get3A_1125] {strides = array<i32>} : memref<16384xf32, #tpu.memory_space<vmem>>, vector<16xf32>,
      %get3A_1127 = vector.shape_cast %get3A_1126 : vector<16xf32> to vector<16xf32>
      %mul3A_1128 = arith.mulf %get3A_1124, %get3A_1127 : vector<16xf32>
      %add3A_1129 = arith.addf %add3A_1115, %mul3A_1128 : vector<16xf32>
      %scan3A_1130 = arith.constant 2 : i32
      %scan3A_1131 = arith.addi %scan3A_1103, %scan3A_1130 : i32
      %mul3A_1132 = arith.constant 16 : i32
      %mul3A_1133 = arith.muli %scan3A_1131, %mul3A_1132 : i32
      %get3A_1134 = arith.constant 0 : i32
      %get3A_1135 = arith.index_cast %get3A_1134 : i32 to index
      %get3A_1136 = arith.index_cast %mul3A_1133 : i32 to index
      %get3A_1137 = tpu.vector_load %arg6[%get3A_1135, %get3A_1136] {strides = array<i32>} : memref<4x16384xf32, #tpu.memory_space<vmem>>, vector<1x16xf32>,
      %get3A_1138 = vector.shape_cast %get3A_1137 : vector<1x16xf32> to vector<16xf32>
      %get3A_1139 = arith.index_cast %mul3A_1133 : i32 to index
      %get3A_1140 = tpu.vector_load %arg5[%get3A_1139] {strides = array<i32>} : memref<16384xf32, #tpu.memory_space<vmem>>, vector<16xf32>,
      %get3A_1141 = vector.shape_cast %get3A_1140 : vector<16xf32> to vector<16xf32>
      %mul3A_1142 = arith.mulf %get3A_1138, %get3A_1141 : vector<16xf32>
      %add3A_1143 = arith.addf %add3A_1129, %mul3A_1142 : vector<16xf32>
      %scan3A_1144 = arith.constant 3 : i32
      %scan3A_1145 = arith.addi %scan3A_1103, %scan3A_1144 : i32
      %mul3A_1146 = arith.constant 16 : i32
      %mul3A_1147 = arith.muli %scan3A_1145, %mul3A_1146 : i32
      %get3A_1148 = arith.constant 0 : i32
      %get3A_1149 = arith.index_cast %get3A_1148 : i32 to index
      %get3A_1150 = arith.index_cast %mul3A_1147 : i32 to index
      %get3A_1151 = tpu.vector_load %arg6[%get3A_1149, %get3A_1150] {strides = array<i32>} : memref<4x16384xf32, #tpu.memory_space<vmem>>, vector<1x16xf32>,
      %get3A_1152 = vector.shape_cast %get3A_1151 : vector<1x16xf32> to vector<16xf32>
      %get3A_1153 = arith.index_cast %mul3A_1147 : i32 to index
      %get3A_1154 = tpu.vector_load %arg5[%get3A_1153] {strides = array<i32>} : memref<16384xf32, #tpu.memory_space<vmem>>, vector<16xf32>,
      %get3A_1155 = vector.shape_cast %get3A_1154 : vector<16xf32> to vector<16xf32>
      %mul3A_1156 = arith.mulf %get3A_1152, %get3A_1155 : vector<16xf32>
      %add3A_1157 = arith.addf %add3A_1143, %mul3A_1156 : vector<16xf32>
      %scan3A_1158 = arith.constant 4 : i32
      %scan3A_1159 = arith.addi %scan3A_1103, %scan3A_1158 : i32
      %mul3A_1160 = arith.constant 16 : i32
      %mul3A_1161 = arith.muli %scan3A_1159, %mul3A_1160 : i32
      %get3A_1162 = arith.constant 0 : i32
      %get3A_1163 = arith.index_cast %get3A_1162 : i32 to index
      %get3A_1164 = arith.index_cast %mul3A_1161 : i32 to index
      %get3A_1165 = tpu.vector_load %arg6[%get3A_1163, %get3A_1164] {strides = array<i32>} : memref<4x16384xf32, #tpu.memory_space<vmem>>, vector<1x16xf32>,
      %get3A_1166 = vector.shape_cast %get3A_1165 : vector<1x16xf32> to vector<16xf32>
      %get3A_1167 = arith.index_cast %mul3A_1161 : i32 to index
      %get3A_1168 = tpu.vector_load %arg5[%get3A_1167] {strides = array<i32>} : memref<16384xf32, #tpu.memory_space<vmem>>, vector<16xf32>,
      %get3A_1169 = vector.shape_cast %get3A_1168 : vector<16xf32> to vector<16xf32>
      %mul3A_1170 = arith.mulf %get3A_1166, %get3A_1169 : vector<16xf32>
      %add3A_1171 = arith.addf %add3A_1157, %mul3A_1170 : vector<16xf32>
      %scan3A_1172 = arith.constant 5 : i32
      %scan3A_1173 = arith.addi %scan3A_1103, %scan3A_1172 : i32
      %mul3A_1174 = arith.constant 16 : i32
      %mul3A_1175 = arith.muli %scan3A_1173, %mul3A_1174 : i32
      %get3A_1176 = arith.constant 0 : i32
      %get3A_1177 = arith.index_cast %get3A_1176 : i32 to index
      %get3A_1178 = arith.index_cast %mul3A_1175 : i32 to index
      %get3A_1179 = tpu.vector_load %arg6[%get3A_1177, %get3A_1178] {strides = array<i32>} : memref<4x16384xf32, #tpu.memory_space<vmem>>, vector<1x16xf32>,
      %get3A_1180 = vector.shape_cast %get3A_1179 : vector<1x16xf32> to vector<16xf32>
      %get3A_1181 = arith.index_cast %mul3A_1175 : i32 to index
      %get3A_1182 = tpu.vector_load %arg5[%get3A_1181] {strides = array<i32>} : memref<16384xf32, #tpu.memory_space<vmem>>, vector<16xf32>,
      %get3A_1183 = vector.shape_cast %get3A_1182 : vector<16xf32> to vector<16xf32>
      %mul3A_1184 = arith.mulf %get3A_1180, %get3A_1183 : vector<16xf32>
      %add3A_1185 = arith.addf %add3A_1171, %mul3A_1184 : vector<16xf32>
      %scan3A_1186 = arith.constant 6 : i32
      %scan3A_1187 = arith.addi %scan3A_1103, %scan3A_1186 : i32
      %mul3A_1188 = arith.constant 16 : i32
      %mul3A_1189 = arith.muli %scan3A_1187, %mul3A_1188 : i32
      %get3A_1190 = arith.constant 0 : i32
      %get3A_1191 = arith.index_cast %get3A_1190 : i32 to index
      %get3A_1192 = arith.index_cast %mul3A_1189 : i32 to index
      %get3A_1193 = tpu.vector_load %arg6[%get3A_1191, %get3A_1192] {strides = array<i32>} : memref<4x16384xf32, #tpu.memory_space<vmem>>, vector<1x16xf32>,
      %get3A_1194 = vector.shape_cast %get3A_1193 : vector<1x16xf32> to vector<16xf32>
      %get3A_1195 = arith.index_cast %mul3A_1189 : i32 to index
      %get3A_1196 = tpu.vector_load %arg5[%get3A_1195] {strides = array<i32>} : memref<16384xf32, #tpu.memory_space<vmem>>, vector<16xf32>,
      %get3A_1197 = vector.shape_cast %get3A_1196 : vector<16xf32> to vector<16xf32>
      %mul3A_1198 = arith.mulf %get3A_1194, %get3A_1197 : vector<16xf32>
      %add3A_1199 = arith.addf %add3A_1185, %mul3A_1198 : vector<16xf32>
      %scan3A_1200 = arith.constant 7 : i32
      %scan3A_1201 = arith.addi %scan3A_1103, %scan3A_1200 : i32
      %mul3A_1202 = arith.constant 16 : i32
      %mul3A_1203 = arith.muli %scan3A_1201, %mul3A_1202 : i32
      %get3A_1204 = arith.constant 0 : i32
      %get3A_1205 = arith.index_cast %get3A_1204 : i32 to index
      %get3A_1206 = arith.index_cast %mul3A_1203 : i32 to index
      %get3A_1207 = tpu.vector_load %arg6[%get3A_1205, %get3A_1206] {strides = array<i32>} : memref<4x16384xf32, #tpu.memory_space<vmem>>, vector<1x16xf32>,
      %get3A_1208 = vector.shape_cast %get3A_1207 : vector<1x16xf32> to vector<16xf32>
      %get3A_1209 = arith.index_cast %mul3A_1203 : i32 to index
      %get3A_1210 = tpu.vector_load %arg5[%get3A_1209] {strides = array<i32>} : memref<16384xf32, #tpu.memory_space<vmem>>, vector<16xf32>,
      %get3A_1211 = vector.shape_cast %get3A_1210 : vector<16xf32> to vector<16xf32>
      %mul3A_1212 = arith.mulf %get3A_1208, %get3A_1211 : vector<16xf32>
      %add3A_1213 = arith.addf %add3A_1199, %mul3A_1212 : vector<16xf32>
      scf.yield %add3A_1213 : vector<16xf32>
    }
    %scan3A_14 = arith.constant 1024 : i32
    %xor3A = arith.constant 1 : i32
    %xor3A_15 = vector.broadcast %xor3A : i32 to vector<16xi32>
    %xor3A_16 = arith.xori %iota3A, %xor3A_15 : vector<16xi32>
    %lt3A = arith.constant 0 : i32
    %lt3A_17 = vector.broadcast %lt3A : i32 to vector<16xi32>
    %lt3A_18 = arith.cmpi slt, %xor3A_16, %lt3A_17 : vector<16xi32>
    %add3A_19 = arith.constant 16 : i32
    %add3A_20 = vector.broadcast %add3A_19 : i32 to vector<16xi32>
    %add3A_21 = arith.addi %xor3A_16, %add3A_20 : vector<16xi32>
    %select_n3A = arith.select %lt3A_18, %add3A_21, %xor3A_16 : vector<16xi1>, vector<16xi32>
    %broadcast_in_dim3A_22 = vector.shape_cast %select_n3A : vector<16xi32> to vector<16x1xi32>
    %gather3A = vector.shape_cast %broadcast_in_dim3A_22 : vector<16x1xi32> to vector<16xi32>
    %gather3A_23 = tpu.dynamic_gather %scan3A_13[%gather3A] in [0] : vector<16xf32>, vector<16xi32> -> vector<16xf32>
    %add3A_24 = arith.addf %scan3A_13, %gather3A_23 : vector<16xf32>
    %xor3A_25 = arith.constant 2 : i32
    %xor3A_26 = vector.broadcast %xor3A_25 : i32 to vector<16xi32>
    %xor3A_27 = arith.xori %iota3A, %xor3A_26 : vector<16xi32>
    %lt3A_28 = arith.constant 0 : i32
    %lt3A_29 = vector.broadcast %lt3A_28 : i32 to vector<16xi32>
    %lt3A_30 = arith.cmpi slt, %xor3A_27, %lt3A_29 : vector<16xi32>
    %add3A_31 = arith.constant 16 : i32
    %add3A_32 = vector.broadcast %add3A_31 : i32 to vector<16xi32>
    %add3A_33 = arith.addi %xor3A_27, %add3A_32 : vector<16xi32>
    %select_n3A_34 = arith.select %lt3A_30, %add3A_33, %xor3A_27 : vector<16xi1>, vector<16xi32>
    %broadcast_in_dim3A_35 = vector.shape_cast %select_n3A_34 : vector<16xi32> to vector<16x1xi32>
    %gather3A_36 = vector.shape_cast %broadcast_in_dim3A_35 : vector<16x1xi32> to vector<16xi32>
    %gather3A_37 = tpu.dynamic_gather %add3A_24[%gather3A_36] in [0] : vector<16xf32>, vector<16xi32> -> vector<16xf32>
    %add3A_38 = arith.addf %add3A_24, %gather3A_37 : vector<16xf32>
    %xor3A_39 = arith.constant 4 : i32
    %xor3A_40 = vector.broadcast %xor3A_39 : i32 to vector<16xi32>
    %xor3A_41 = arith.xori %iota3A, %xor3A_40 : vector<16xi32>
    %lt3A_42 = arith.constant 0 : i32
    %lt3A_43 = vector.broadcast %lt3A_42 : i32 to vector<16xi32>
    %lt3A_44 = arith.cmpi slt, %xor3A_41, %lt3A_43 : vector<16xi32>
    %add3A_45 = arith.constant 16 : i32
    %add3A_46 = vector.broadcast %add3A_45 : i32 to vector<16xi32>
    %add3A_47 = arith.addi %xor3A_41, %add3A_46 : vector<16xi32>
    %select_n3A_48 = arith.select %lt3A_44, %add3A_47, %xor3A_41 : vector<16xi1>, vector<16xi32>
    %broadcast_in_dim3A_49 = vector.shape_cast %select_n3A_48 : vector<16xi32> to vector<16x1xi32>
    %gather3A_50 = vector.shape_cast %broadcast_in_dim3A_49 : vector<16x1xi32> to vector<16xi32>
    %gather3A_51 = tpu.dynamic_gather %add3A_38[%gather3A_50] in [0] : vector<16xf32>, vector<16xi32> -> vector<16xf32>
    %add3A_52 = arith.addf %add3A_38, %gather3A_51 : vector<16xf32>
    %xor3A_53 = arith.constant 8 : i32
    %xor3A_54 = vector.broadcast %xor3A_53 : i32 to vector<16xi32>
    %xor3A_55 = arith.xori %iota3A, %xor3A_54 : vector<16xi32>
    %lt3A_56 = arith.constant 0 : i32
    %lt3A_57 = vector.broadcast %lt3A_56 : i32 to vector<16xi32>
    %lt3A_58 = arith.cmpi slt, %xor3A_55, %lt3A_57 : vector<16xi32>
    %add3A_59 = arith.constant 16 : i32
    %add3A_60 = vector.broadcast %add3A_59 : i32 to vector<16xi32>
    %add3A_61 = arith.addi %xor3A_55, %add3A_60 : vector<16xi32>
    %select_n3A_62 = arith.select %lt3A_58, %add3A_61, %xor3A_55 : vector<16xi1>, vector<16xi32>
    %broadcast_in_dim3A_63 = vector.shape_cast %select_n3A_62 : vector<16xi32> to vector<16x1xi32>
    %gather3A_64 = vector.shape_cast %broadcast_in_dim3A_63 : vector<16x1xi32> to vector<16xi32>
    %gather3A_65 = tpu.dynamic_gather %add3A_52[%gather3A_64] in [0] : vector<16xf32>, vector<16xi32> -> vector<16xf32>
    %add3A_66 = arith.addf %add3A_52, %gather3A_65 : vector<16xf32>
    %eq3A = arith.constant 0 : i32
    %eq3A_67 = vector.broadcast %eq3A : i32 to vector<16xi32>
    %eq3A_68 = arith.cmpi eq, %iota3A, %eq3A_67 : vector<16xi32>
    %select_n3A_69 = arith.select %eq3A_68, %add3A_66, %broadcast_in_dim3A_5 : vector<16xi1>, vector<16xf32>
    %broadcast_in_dim3A_70 = arith.constant 0.000000e+00 : f32
    %broadcast_in_dim3A_71 = vector.broadcast %broadcast_in_dim3A_70 : f32 to vector<16xf32>
    %scan3A_72 = arith.constant 0 : i32
    %scan3A_73 = arith.constant 1024 : i32
    %scan3A_74 = arith.addi %scan3A_72, %scan3A_73 : i32
    %scan3A_75 = arith.constant 8 : i32
    %scan3A_76 = scf.for %scan3A_1103 = %scan3A_72 to %scan3A_74 step %scan3A_75 iter_args(%scan3A_1104 = %broadcast_in_dim3A_71) -> (vector<16xf32>)  : i32 {
      %mul3A_1105 = arith.constant 16 : i32
      %mul3A_1106 = arith.muli %scan3A_1103, %mul3A_1105 : i32
      %get3A = arith.constant 1 : i32
      %get3A_1107 = arith.index_cast %get3A : i32 to index
      %get3A_1108 = arith.index_cast %mul3A_1106 : i32 to index
      %get3A_1109 = tpu.vector_load %arg6[%get3A_1107, %get3A_1108] {strides = array<i32>} : memref<4x16384xf32, #tpu.memory_space<vmem>>, vector<1x16xf32>,
      %get3A_1110 = vector.shape_cast %get3A_1109 : vector<1x16xf32> to vector<16xf32>
      %get3A_1111 = arith.index_cast %mul3A_1106 : i32 to index
      %get3A_1112 = tpu.vector_load %arg5[%get3A_1111] {strides = array<i32>} : memref<16384xf32, #tpu.memory_space<vmem>>, vector<16xf32>,
      %get3A_1113 = vector.shape_cast %get3A_1112 : vector<16xf32> to vector<16xf32>
      %mul3A_1114 = arith.mulf %get3A_1110, %get3A_1113 : vector<16xf32>
      %add3A_1115 = arith.addf %scan3A_1104, %mul3A_1114 : vector<16xf32>
      %scan3A_1116 = arith.constant 1 : i32
      %scan3A_1117 = arith.addi %scan3A_1103, %scan3A_1116 : i32
      %mul3A_1118 = arith.constant 16 : i32
      %mul3A_1119 = arith.muli %scan3A_1117, %mul3A_1118 : i32
      %get3A_1120 = arith.constant 1 : i32
      %get3A_1121 = arith.index_cast %get3A_1120 : i32 to index
      %get3A_1122 = arith.index_cast %mul3A_1119 : i32 to index
      %get3A_1123 = tpu.vector_load %arg6[%get3A_1121, %get3A_1122] {strides = array<i32>} : memref<4x16384xf32, #tpu.memory_space<vmem>>, vector<1x16xf32>,
      %get3A_1124 = vector.shape_cast %get3A_1123 : vector<1x16xf32> to vector<16xf32>
      %get3A_1125 = arith.index_cast %mul3A_1119 : i32 to index
      %get3A_1126 = tpu.vector_load %arg5[%get3A_1125] {strides = array<i32>} : memref<16384xf32, #tpu.memory_space<vmem>>, vector<16xf32>,
      %get3A_1127 = vector.shape_cast %get3A_1126 : vector<16xf32> to vector<16xf32>
      %mul3A_1128 = arith.mulf %get3A_1124, %get3A_1127 : vector<16xf32>
      %add3A_1129 = arith.addf %add3A_1115, %mul3A_1128 : vector<16xf32>
      %scan3A_1130 = arith.constant 2 : i32
      %scan3A_1131 = arith.addi %scan3A_1103, %scan3A_1130 : i32
      %mul3A_1132 = arith.constant 16 : i32
      %mul3A_1133 = arith.muli %scan3A_1131, %mul3A_1132 : i32
      %get3A_1134 = arith.constant 1 : i32
      %get3A_1135 = arith.index_cast %get3A_1134 : i32 to index
      %get3A_1136 = arith.index_cast %mul3A_1133 : i32 to index
      %get3A_1137 = tpu.vector_load %arg6[%get3A_1135, %get3A_1136] {strides = array<i32>} : memref<4x16384xf32, #tpu.memory_space<vmem>>, vector<1x16xf32>,
      %get3A_1138 = vector.shape_cast %get3A_1137 : vector<1x16xf32> to vector<16xf32>
      %get3A_1139 = arith.index_cast %mul3A_1133 : i32 to index
      %get3A_1140 = tpu.vector_load %arg5[%get3A_1139] {strides = array<i32>} : memref<16384xf32, #tpu.memory_space<vmem>>, vector<16xf32>,
      %get3A_1141 = vector.shape_cast %get3A_1140 : vector<16xf32> to vector<16xf32>
      %mul3A_1142 = arith.mulf %get3A_1138, %get3A_1141 : vector<16xf32>
      %add3A_1143 = arith.addf %add3A_1129, %mul3A_1142 : vector<16xf32>
      %scan3A_1144 = arith.constant 3 : i32
      %scan3A_1145 = arith.addi %scan3A_1103, %scan3A_1144 : i32
      %mul3A_1146 = arith.constant 16 : i32
      %mul3A_1147 = arith.muli %scan3A_1145, %mul3A_1146 : i32
      %get3A_1148 = arith.constant 1 : i32
      %get3A_1149 = arith.index_cast %get3A_1148 : i32 to index
      %get3A_1150 = arith.index_cast %mul3A_1147 : i32 to index
      %get3A_1151 = tpu.vector_load %arg6[%get3A_1149, %get3A_1150] {strides = array<i32>} : memref<4x16384xf32, #tpu.memory_space<vmem>>, vector<1x16xf32>,
      %get3A_1152 = vector.shape_cast %get3A_1151 : vector<1x16xf32> to vector<16xf32>
      %get3A_1153 = arith.index_cast %mul3A_1147 : i32 to index
      %get3A_1154 = tpu.vector_load %arg5[%get3A_1153] {strides = array<i32>} : memref<16384xf32, #tpu.memory_space<vmem>>, vector<16xf32>,
      %get3A_1155 = vector.shape_cast %get3A_1154 : vector<16xf32> to vector<16xf32>
      %mul3A_1156 = arith.mulf %get3A_1152, %get3A_1155 : vector<16xf32>
      %add3A_1157 = arith.addf %add3A_1143, %mul3A_1156 : vector<16xf32>
      %scan3A_1158 = arith.constant 4 : i32
      %scan3A_1159 = arith.addi %scan3A_1103, %scan3A_1158 : i32
      %mul3A_1160 = arith.constant 16 : i32
      %mul3A_1161 = arith.muli %scan3A_1159, %mul3A_1160 : i32
      %get3A_1162 = arith.constant 1 : i32
      %get3A_1163 = arith.index_cast %get3A_1162 : i32 to index
      %get3A_1164 = arith.index_cast %mul3A_1161 : i32 to index
      %get3A_1165 = tpu.vector_load %arg6[%get3A_1163, %get3A_1164] {strides = array<i32>} : memref<4x16384xf32, #tpu.memory_space<vmem>>, vector<1x16xf32>,
      %get3A_1166 = vector.shape_cast %get3A_1165 : vector<1x16xf32> to vector<16xf32>
      %get3A_1167 = arith.index_cast %mul3A_1161 : i32 to index
      %get3A_1168 = tpu.vector_load %arg5[%get3A_1167] {strides = array<i32>} : memref<16384xf32, #tpu.memory_space<vmem>>, vector<16xf32>,
      %get3A_1169 = vector.shape_cast %get3A_1168 : vector<16xf32> to vector<16xf32>
      %mul3A_1170 = arith.mulf %get3A_1166, %get3A_1169 : vector<16xf32>
      %add3A_1171 = arith.addf %add3A_1157, %mul3A_1170 : vector<16xf32>
      %scan3A_1172 = arith.constant 5 : i32
      %scan3A_1173 = arith.addi %scan3A_1103, %scan3A_1172 : i32
      %mul3A_1174 = arith.constant 16 : i32
      %mul3A_1175 = arith.muli %scan3A_1173, %mul3A_1174 : i32
      %get3A_1176 = arith.constant 1 : i32
      %get3A_1177 = arith.index_cast %get3A_1176 : i32 to index
      %get3A_1178 = arith.index_cast %mul3A_1175 : i32 to index
      %get3A_1179 = tpu.vector_load %arg6[%get3A_1177, %get3A_1178] {strides = array<i32>} : memref<4x16384xf32, #tpu.memory_space<vmem>>, vector<1x16xf32>,
      %get3A_1180 = vector.shape_cast %get3A_1179 : vector<1x16xf32> to vector<16xf32>
      %get3A_1181 = arith.index_cast %mul3A_1175 : i32 to index
      %get3A_1182 = tpu.vector_load %arg5[%get3A_1181] {strides = array<i32>} : memref<16384xf32, #tpu.memory_space<vmem>>, vector<16xf32>,
      %get3A_1183 = vector.shape_cast %get3A_1182 : vector<16xf32> to vector<16xf32>
      %mul3A_1184 = arith.mulf %get3A_1180, %get3A_1183 : vector<16xf32>
      %add3A_1185 = arith.addf %add3A_1171, %mul3A_1184 : vector<16xf32>
      %scan3A_1186 = arith.constant 6 : i32
      %scan3A_1187 = arith.addi %scan3A_1103, %scan3A_1186 : i32
      %mul3A_1188 = arith.constant 16 : i32
      %mul3A_1189 = arith.muli %scan3A_1187, %mul3A_1188 : i32
      %get3A_1190 = arith.constant 1 : i32
      %get3A_1191 = arith.index_cast %get3A_1190 : i32 to index
      %get3A_1192 = arith.index_cast %mul3A_1189 : i32 to index
      %get3A_1193 = tpu.vector_load %arg6[%get3A_1191, %get3A_1192] {strides = array<i32>} : memref<4x16384xf32, #tpu.memory_space<vmem>>, vector<1x16xf32>,
      %get3A_1194 = vector.shape_cast %get3A_1193 : vector<1x16xf32> to vector<16xf32>
      %get3A_1195 = arith.index_cast %mul3A_1189 : i32 to index
      %get3A_1196 = tpu.vector_load %arg5[%get3A_1195] {strides = array<i32>} : memref<16384xf32, #tpu.memory_space<vmem>>, vector<16xf32>,
      %get3A_1197 = vector.shape_cast %get3A_1196 : vector<16xf32> to vector<16xf32>
      %mul3A_1198 = arith.mulf %get3A_1194, %get3A_1197 : vector<16xf32>
      %add3A_1199 = arith.addf %add3A_1185, %mul3A_1198 : vector<16xf32>
      %scan3A_1200 = arith.constant 7 : i32
      %scan3A_1201 = arith.addi %scan3A_1103, %scan3A_1200 : i32
      %mul3A_1202 = arith.constant 16 : i32
      %mul3A_1203 = arith.muli %scan3A_1201, %mul3A_1202 : i32
      %get3A_1204 = arith.constant 1 : i32
      %get3A_1205 = arith.index_cast %get3A_1204 : i32 to index
      %get3A_1206 = arith.index_cast %mul3A_1203 : i32 to index
      %get3A_1207 = tpu.vector_load %arg6[%get3A_1205, %get3A_1206] {strides = array<i32>} : memref<4x16384xf32, #tpu.memory_space<vmem>>, vector<1x16xf32>,
      %get3A_1208 = vector.shape_cast %get3A_1207 : vector<1x16xf32> to vector<16xf32>
      %get3A_1209 = arith.index_cast %mul3A_1203 : i32 to index
      %get3A_1210 = tpu.vector_load %arg5[%get3A_1209] {strides = array<i32>} : memref<16384xf32, #tpu.memory_space<vmem>>, vector<16xf32>,
      %get3A_1211 = vector.shape_cast %get3A_1210 : vector<16xf32> to vector<16xf32>
      %mul3A_1212 = arith.mulf %get3A_1208, %get3A_1211 : vector<16xf32>
      %add3A_1213 = arith.addf %add3A_1199, %mul3A_1212 : vector<16xf32>
      scf.yield %add3A_1213 : vector<16xf32>
    }
    %scan3A_77 = arith.constant 1024 : i32
    %xor3A_78 = arith.constant 1 : i32
    %xor3A_79 = vector.broadcast %xor3A_78 : i32 to vector<16xi32>
    %xor3A_80 = arith.xori %iota3A, %xor3A_79 : vector<16xi32>
    %lt3A_81 = arith.constant 0 : i32
    %lt3A_82 = vector.broadcast %lt3A_81 : i32 to vector<16xi32>
    %lt3A_83 = arith.cmpi slt, %xor3A_80, %lt3A_82 : vector<16xi32>
    %add3A_84 = arith.constant 16 : i32
    %add3A_85 = vector.broadcast %add3A_84 : i32 to vector<16xi32>
    %add3A_86 = arith.addi %xor3A_80, %add3A_85 : vector<16xi32>
    %select_n3A_87 = arith.select %lt3A_83, %add3A_86, %xor3A_80 : vector<16xi1>, vector<16xi32>
    %broadcast_in_dim3A_88 = vector.shape_cast %select_n3A_87 : vector<16xi32> to vector<16x1xi32>
    %gather3A_89 = vector.shape_cast %broadcast_in_dim3A_88 : vector<16x1xi32> to vector<16xi32>
    %gather3A_90 = tpu.dynamic_gather %scan3A_76[%gather3A_89] in [0] : vector<16xf32>, vector<16xi32> -> vector<16xf32>
    %add3A_91 = arith.addf %scan3A_76, %gather3A_90 : vector<16xf32>
    %xor3A_92 = arith.constant 2 : i32
    %xor3A_93 = vector.broadcast %xor3A_92 : i32 to vector<16xi32>
    %xor3A_94 = arith.xori %iota3A, %xor3A_93 : vector<16xi32>
    %lt3A_95 = arith.constant 0 : i32
    %lt3A_96 = vector.broadcast %lt3A_95 : i32 to vector<16xi32>
    %lt3A_97 = arith.cmpi slt, %xor3A_94, %lt3A_96 : vector<16xi32>
    %add3A_98 = arith.constant 16 : i32
    %add3A_99 = vector.broadcast %add3A_98 : i32 to vector<16xi32>
    %add3A_100 = arith.addi %xor3A_94, %add3A_99 : vector<16xi32>
    %select_n3A_101 = arith.select %lt3A_97, %add3A_100, %xor3A_94 : vector<16xi1>, vector<16xi32>
    %broadcast_in_dim3A_102 = vector.shape_cast %select_n3A_101 : vector<16xi32> to vector<16x1xi32>
    %gather3A_103 = vector.shape_cast %broadcast_in_dim3A_102 : vector<16x1xi32> to vector<16xi32>
    %gather3A_104 = tpu.dynamic_gather %add3A_91[%gather3A_103] in [0] : vector<16xf32>, vector<16xi32> -> vector<16xf32>
    %add3A_105 = arith.addf %add3A_91, %gather3A_104 : vector<16xf32>
    %xor3A_106 = arith.constant 4 : i32
    %xor3A_107 = vector.broadcast %xor3A_106 : i32 to vector<16xi32>
    %xor3A_108 = arith.xori %iota3A, %xor3A_107 : vector<16xi32>
    %lt3A_109 = arith.constant 0 : i32
    %lt3A_110 = vector.broadcast %lt3A_109 : i32 to vector<16xi32>
    %lt3A_111 = arith.cmpi slt, %xor3A_108, %lt3A_110 : vector<16xi32>
    %add3A_112 = arith.constant 16 : i32
    %add3A_113 = vector.broadcast %add3A_112 : i32 to vector<16xi32>
    %add3A_114 = arith.addi %xor3A_108, %add3A_113 : vector<16xi32>
    %select_n3A_115 = arith.select %lt3A_111, %add3A_114, %xor3A_108 : vector<16xi1>, vector<16xi32>
    %broadcast_in_dim3A_116 = vector.shape_cast %select_n3A_115 : vector<16xi32> to vector<16x1xi32>
    %gather3A_117 = vector.shape_cast %broadcast_in_dim3A_116 : vector<16x1xi32> to vector<16xi32>
    %gather3A_118 = tpu.dynamic_gather %add3A_105[%gather3A_117] in [0] : vector<16xf32>, vector<16xi32> -> vector<16xf32>
    %add3A_119 = arith.addf %add3A_105, %gather3A_118 : vector<16xf32>
    %xor3A_120 = arith.constant 8 : i32
    %xor3A_121 = vector.broadcast %xor3A_120 : i32 to vector<16xi32>
    %xor3A_122 = arith.xori %iota3A, %xor3A_121 : vector<16xi32>
    %lt3A_123 = arith.constant 0 : i32
    %lt3A_124 = vector.broadcast %lt3A_123 : i32 to vector<16xi32>
    %lt3A_125 = arith.cmpi slt, %xor3A_122, %lt3A_124 : vector<16xi32>
    %add3A_126 = arith.constant 16 : i32
    %add3A_127 = vector.broadcast %add3A_126 : i32 to vector<16xi32>
    %add3A_128 = arith.addi %xor3A_122, %add3A_127 : vector<16xi32>
    %select_n3A_129 = arith.select %lt3A_125, %add3A_128, %xor3A_122 : vector<16xi1>, vector<16xi32>
    %broadcast_in_dim3A_130 = vector.shape_cast %select_n3A_129 : vector<16xi32> to vector<16x1xi32>
    %gather3A_131 = vector.shape_cast %broadcast_in_dim3A_130 : vector<16x1xi32> to vector<16xi32>
    %gather3A_132 = tpu.dynamic_gather %add3A_119[%gather3A_131] in [0] : vector<16xf32>, vector<16xi32> -> vector<16xf32>
    %add3A_133 = arith.addf %add3A_119, %gather3A_132 : vector<16xf32>
    %eq3A_134 = arith.constant 1 : i32
    %eq3A_135 = vector.broadcast %eq3A_134 : i32 to vector<16xi32>
    %eq3A_136 = arith.cmpi eq, %iota3A, %eq3A_135 : vector<16xi32>
    %select_n3A_137 = arith.select %eq3A_136, %add3A_133, %select_n3A_69 : vector<16xi1>, vector<16xf32>
    %broadcast_in_dim3A_138 = arith.constant 0.000000e+00 : f32
    %broadcast_in_dim3A_139 = vector.broadcast %broadcast_in_dim3A_138 : f32 to vector<16xf32>
    %scan3A_140 = arith.constant 0 : i32
    %scan3A_141 = arith.constant 1024 : i32
    %scan3A_142 = arith.addi %scan3A_140, %scan3A_141 : i32
    %scan3A_143 = arith.constant 8 : i32
    %scan3A_144 = scf.for %scan3A_1103 = %scan3A_140 to %scan3A_142 step %scan3A_143 iter_args(%scan3A_1104 = %broadcast_in_dim3A_139) -> (vector<16xf32>)  : i32 {
      %mul3A_1105 = arith.constant 16 : i32
      %mul3A_1106 = arith.muli %scan3A_1103, %mul3A_1105 : i32
      %get3A = arith.constant 2 : i32
      %get3A_1107 = arith.index_cast %get3A : i32 to index
      %get3A_1108 = arith.index_cast %mul3A_1106 : i32 to index
      %get3A_1109 = tpu.vector_load %arg6[%get3A_1107, %get3A_1108] {strides = array<i32>} : memref<4x16384xf32, #tpu.memory_space<vmem>>, vector<1x16xf32>,
      %get3A_1110 = vector.shape_cast %get3A_1109 : vector<1x16xf32> to vector<16xf32>
      %get3A_1111 = arith.index_cast %mul3A_1106 : i32 to index
      %get3A_1112 = tpu.vector_load %arg5[%get3A_1111] {strides = array<i32>} : memref<16384xf32, #tpu.memory_space<vmem>>, vector<16xf32>,
      %get3A_1113 = vector.shape_cast %get3A_1112 : vector<16xf32> to vector<16xf32>
      %mul3A_1114 = arith.mulf %get3A_1110, %get3A_1113 : vector<16xf32>
      %add3A_1115 = arith.addf %scan3A_1104, %mul3A_1114 : vector<16xf32>
      %scan3A_1116 = arith.constant 1 : i32
      %scan3A_1117 = arith.addi %scan3A_1103, %scan3A_1116 : i32
      %mul3A_1118 = arith.constant 16 : i32
      %mul3A_1119 = arith.muli %scan3A_1117, %mul3A_1118 : i32
      %get3A_1120 = arith.constant 2 : i32
      %get3A_1121 = arith.index_cast %get3A_1120 : i32 to index
      %get3A_1122 = arith.index_cast %mul3A_1119 : i32 to index
      %get3A_1123 = tpu.vector_load %arg6[%get3A_1121, %get3A_1122] {strides = array<i32>} : memref<4x16384xf32, #tpu.memory_space<vmem>>, vector<1x16xf32>,
      %get3A_1124 = vector.shape_cast %get3A_1123 : vector<1x16xf32> to vector<16xf32>
      %get3A_1125 = arith.index_cast %mul3A_1119 : i32 to index
      %get3A_1126 = tpu.vector_load %arg5[%get3A_1125] {strides = array<i32>} : memref<16384xf32, #tpu.memory_space<vmem>>, vector<16xf32>,
      %get3A_1127 = vector.shape_cast %get3A_1126 : vector<16xf32> to vector<16xf32>
      %mul3A_1128 = arith.mulf %get3A_1124, %get3A_1127 : vector<16xf32>
      %add3A_1129 = arith.addf %add3A_1115, %mul3A_1128 : vector<16xf32>
      %scan3A_1130 = arith.constant 2 : i32
      %scan3A_1131 = arith.addi %scan3A_1103, %scan3A_1130 : i32
      %mul3A_1132 = arith.constant 16 : i32
      %mul3A_1133 = arith.muli %scan3A_1131, %mul3A_1132 : i32
      %get3A_1134 = arith.constant 2 : i32
      %get3A_1135 = arith.index_cast %get3A_1134 : i32 to index
      %get3A_1136 = arith.index_cast %mul3A_1133 : i32 to index
      %get3A_1137 = tpu.vector_load %arg6[%get3A_1135, %get3A_1136] {strides = array<i32>} : memref<4x16384xf32, #tpu.memory_space<vmem>>, vector<1x16xf32>,
      %get3A_1138 = vector.shape_cast %get3A_1137 : vector<1x16xf32> to vector<16xf32>
      %get3A_1139 = arith.index_cast %mul3A_1133 : i32 to index
      %get3A_1140 = tpu.vector_load %arg5[%get3A_1139] {strides = array<i32>} : memref<16384xf32, #tpu.memory_space<vmem>>, vector<16xf32>,
      %get3A_1141 = vector.shape_cast %get3A_1140 : vector<16xf32> to vector<16xf32>
      %mul3A_1142 = arith.mulf %get3A_1138, %get3A_1141 : vector<16xf32>
      %add3A_1143 = arith.addf %add3A_1129, %mul3A_1142 : vector<16xf32>
      %scan3A_1144 = arith.constant 3 : i32
      %scan3A_1145 = arith.addi %scan3A_1103, %scan3A_1144 : i32
      %mul3A_1146 = arith.constant 16 : i32
      %mul3A_1147 = arith.muli %scan3A_1145, %mul3A_1146 : i32
      %get3A_1148 = arith.constant 2 : i32
      %get3A_1149 = arith.index_cast %get3A_1148 : i32 to index
      %get3A_1150 = arith.index_cast %mul3A_1147 : i32 to index
      %get3A_1151 = tpu.vector_load %arg6[%get3A_1149, %get3A_1150] {strides = array<i32>} : memref<4x16384xf32, #tpu.memory_space<vmem>>, vector<1x16xf32>,
      %get3A_1152 = vector.shape_cast %get3A_1151 : vector<1x16xf32> to vector<16xf32>
      %get3A_1153 = arith.index_cast %mul3A_1147 : i32 to index
      %get3A_1154 = tpu.vector_load %arg5[%get3A_1153] {strides = array<i32>} : memref<16384xf32, #tpu.memory_space<vmem>>, vector<16xf32>,
      %get3A_1155 = vector.shape_cast %get3A_1154 : vector<16xf32> to vector<16xf32>
      %mul3A_1156 = arith.mulf %get3A_1152, %get3A_1155 : vector<16xf32>
      %add3A_1157 = arith.addf %add3A_1143, %mul3A_1156 : vector<16xf32>
      %scan3A_1158 = arith.constant 4 : i32
      %scan3A_1159 = arith.addi %scan3A_1103, %scan3A_1158 : i32
      %mul3A_1160 = arith.constant 16 : i32
      %mul3A_1161 = arith.muli %scan3A_1159, %mul3A_1160 : i32
      %get3A_1162 = arith.constant 2 : i32
      %get3A_1163 = arith.index_cast %get3A_1162 : i32 to index
      %get3A_1164 = arith.index_cast %mul3A_1161 : i32 to index
      %get3A_1165 = tpu.vector_load %arg6[%get3A_1163, %get3A_1164] {strides = array<i32>} : memref<4x16384xf32, #tpu.memory_space<vmem>>, vector<1x16xf32>,
      %get3A_1166 = vector.shape_cast %get3A_1165 : vector<1x16xf32> to vector<16xf32>
      %get3A_1167 = arith.index_cast %mul3A_1161 : i32 to index
      %get3A_1168 = tpu.vector_load %arg5[%get3A_1167] {strides = array<i32>} : memref<16384xf32, #tpu.memory_space<vmem>>, vector<16xf32>,
      %get3A_1169 = vector.shape_cast %get3A_1168 : vector<16xf32> to vector<16xf32>
      %mul3A_1170 = arith.mulf %get3A_1166, %get3A_1169 : vector<16xf32>
      %add3A_1171 = arith.addf %add3A_1157, %mul3A_1170 : vector<16xf32>
      %scan3A_1172 = arith.constant 5 : i32
      %scan3A_1173 = arith.addi %scan3A_1103, %scan3A_1172 : i32
      %mul3A_1174 = arith.constant 16 : i32
      %mul3A_1175 = arith.muli %scan3A_1173, %mul3A_1174 : i32
      %get3A_1176 = arith.constant 2 : i32
      %get3A_1177 = arith.index_cast %get3A_1176 : i32 to index
      %get3A_1178 = arith.index_cast %mul3A_1175 : i32 to index
      %get3A_1179 = tpu.vector_load %arg6[%get3A_1177, %get3A_1178] {strides = array<i32>} : memref<4x16384xf32, #tpu.memory_space<vmem>>, vector<1x16xf32>,
      %get3A_1180 = vector.shape_cast %get3A_1179 : vector<1x16xf32> to vector<16xf32>
      %get3A_1181 = arith.index_cast %mul3A_1175 : i32 to index
      %get3A_1182 = tpu.vector_load %arg5[%get3A_1181] {strides = array<i32>} : memref<16384xf32, #tpu.memory_space<vmem>>, vector<16xf32>,
      %get3A_1183 = vector.shape_cast %get3A_1182 : vector<16xf32> to vector<16xf32>
      %mul3A_1184 = arith.mulf %get3A_1180, %get3A_1183 : vector<16xf32>
      %add3A_1185 = arith.addf %add3A_1171, %mul3A_1184 : vector<16xf32>
      %scan3A_1186 = arith.constant 6 : i32
      %scan3A_1187 = arith.addi %scan3A_1103, %scan3A_1186 : i32
      %mul3A_1188 = arith.constant 16 : i32
      %mul3A_1189 = arith.muli %scan3A_1187, %mul3A_1188 : i32
      %get3A_1190 = arith.constant 2 : i32
      %get3A_1191 = arith.index_cast %get3A_1190 : i32 to index
      %get3A_1192 = arith.index_cast %mul3A_1189 : i32 to index
      %get3A_1193 = tpu.vector_load %arg6[%get3A_1191, %get3A_1192] {strides = array<i32>} : memref<4x16384xf32, #tpu.memory_space<vmem>>, vector<1x16xf32>,
      %get3A_1194 = vector.shape_cast %get3A_1193 : vector<1x16xf32> to vector<16xf32>
      %get3A_1195 = arith.index_cast %mul3A_1189 : i32 to index
      %get3A_1196 = tpu.vector_load %arg5[%get3A_1195] {strides = array<i32>} : memref<16384xf32, #tpu.memory_space<vmem>>, vector<16xf32>,
      %get3A_1197 = vector.shape_cast %get3A_1196 : vector<16xf32> to vector<16xf32>
      %mul3A_1198 = arith.mulf %get3A_1194, %get3A_1197 : vector<16xf32>
      %add3A_1199 = arith.addf %add3A_1185, %mul3A_1198 : vector<16xf32>
      %scan3A_1200 = arith.constant 7 : i32
      %scan3A_1201 = arith.addi %scan3A_1103, %scan3A_1200 : i32
      %mul3A_1202 = arith.constant 16 : i32
      %mul3A_1203 = arith.muli %scan3A_1201, %mul3A_1202 : i32
      %get3A_1204 = arith.constant 2 : i32
      %get3A_1205 = arith.index_cast %get3A_1204 : i32 to index
      %get3A_1206 = arith.index_cast %mul3A_1203 : i32 to index
      %get3A_1207 = tpu.vector_load %arg6[%get3A_1205, %get3A_1206] {strides = array<i32>} : memref<4x16384xf32, #tpu.memory_space<vmem>>, vector<1x16xf32>,
      %get3A_1208 = vector.shape_cast %get3A_1207 : vector<1x16xf32> to vector<16xf32>
      %get3A_1209 = arith.index_cast %mul3A_1203 : i32 to index
      %get3A_1210 = tpu.vector_load %arg5[%get3A_1209] {strides = array<i32>} : memref<16384xf32, #tpu.memory_space<vmem>>, vector<16xf32>,
      %get3A_1211 = vector.shape_cast %get3A_1210 : vector<16xf32> to vector<16xf32>
      %mul3A_1212 = arith.mulf %get3A_1208, %get3A_1211 : vector<16xf32>
      %add3A_1213 = arith.addf %add3A_1199, %mul3A_1212 : vector<16xf32>
      scf.yield %add3A_1213 : vector<16xf32>
    }
    %scan3A_145 = arith.constant 1024 : i32
    %xor3A_146 = arith.constant 1 : i32
    %xor3A_147 = vector.broadcast %xor3A_146 : i32 to vector<16xi32>
    %xor3A_148 = arith.xori %iota3A, %xor3A_147 : vector<16xi32>
    %lt3A_149 = arith.constant 0 : i32
    %lt3A_150 = vector.broadcast %lt3A_149 : i32 to vector<16xi32>
    %lt3A_151 = arith.cmpi slt, %xor3A_148, %lt3A_150 : vector<16xi32>
    %add3A_152 = arith.constant 16 : i32
    %add3A_153 = vector.broadcast %add3A_152 : i32 to vector<16xi32>
    %add3A_154 = arith.addi %xor3A_148, %add3A_153 : vector<16xi32>
    %select_n3A_155 = arith.select %lt3A_151, %add3A_154, %xor3A_148 : vector<16xi1>, vector<16xi32>
    %broadcast_in_dim3A_156 = vector.shape_cast %select_n3A_155 : vector<16xi32> to vector<16x1xi32>
    %gather3A_157 = vector.shape_cast %broadcast_in_dim3A_156 : vector<16x1xi32> to vector<16xi32>
    %gather3A_158 = tpu.dynamic_gather %scan3A_144[%gather3A_157] in [0] : vector<16xf32>, vector<16xi32> -> vector<16xf32>
    %add3A_159 = arith.addf %scan3A_144, %gather3A_158 : vector<16xf32>
    %xor3A_160 = arith.constant 2 : i32
    %xor3A_161 = vector.broadcast %xor3A_160 : i32 to vector<16xi32>
    %xor3A_162 = arith.xori %iota3A, %xor3A_161 : vector<16xi32>
    %lt3A_163 = arith.constant 0 : i32
    %lt3A_164 = vector.broadcast %lt3A_163 : i32 to vector<16xi32>
    %lt3A_165 = arith.cmpi slt, %xor3A_162, %lt3A_164 : vector<16xi32>
    %add3A_166 = arith.constant 16 : i32
    %add3A_167 = vector.broadcast %add3A_166 : i32 to vector<16xi32>
    %add3A_168 = arith.addi %xor3A_162, %add3A_167 : vector<16xi32>
    %select_n3A_169 = arith.select %lt3A_165, %add3A_168, %xor3A_162 : vector<16xi1>, vector<16xi32>
    %broadcast_in_dim3A_170 = vector.shape_cast %select_n3A_169 : vector<16xi32> to vector<16x1xi32>
    %gather3A_171 = vector.shape_cast %broadcast_in_dim3A_170 : vector<16x1xi32> to vector<16xi32>
    %gather3A_172 = tpu.dynamic_gather %add3A_159[%gather3A_171] in [0] : vector<16xf32>, vector<16xi32> -> vector<16xf32>
    %add3A_173 = arith.addf %add3A_159, %gather3A_172 : vector<16xf32>
    %xor3A_174 = arith.constant 4 : i32
    %xor3A_175 = vector.broadcast %xor3A_174 : i32 to vector<16xi32>
    %xor3A_176 = arith.xori %iota3A, %xor3A_175 : vector<16xi32>
    %lt3A_177 = arith.constant 0 : i32
    %lt3A_178 = vector.broadcast %lt3A_177 : i32 to vector<16xi32>
    %lt3A_179 = arith.cmpi slt, %xor3A_176, %lt3A_178 : vector<16xi32>
    %add3A_180 = arith.constant 16 : i32
    %add3A_181 = vector.broadcast %add3A_180 : i32 to vector<16xi32>
    %add3A_182 = arith.addi %xor3A_176, %add3A_181 : vector<16xi32>
    %select_n3A_183 = arith.select %lt3A_179, %add3A_182, %xor3A_176 : vector<16xi1>, vector<16xi32>
    %broadcast_in_dim3A_184 = vector.shape_cast %select_n3A_183 : vector<16xi32> to vector<16x1xi32>
    %gather3A_185 = vector.shape_cast %broadcast_in_dim3A_184 : vector<16x1xi32> to vector<16xi32>
    %gather3A_186 = tpu.dynamic_gather %add3A_173[%gather3A_185] in [0] : vector<16xf32>, vector<16xi32> -> vector<16xf32>
    %add3A_187 = arith.addf %add3A_173, %gather3A_186 : vector<16xf32>
    %xor3A_188 = arith.constant 8 : i32
    %xor3A_189 = vector.broadcast %xor3A_188 : i32 to vector<16xi32>
    %xor3A_190 = arith.xori %iota3A, %xor3A_189 : vector<16xi32>
    %lt3A_191 = arith.constant 0 : i32
    %lt3A_192 = vector.broadcast %lt3A_191 : i32 to vector<16xi32>
    %lt3A_193 = arith.cmpi slt, %xor3A_190, %lt3A_192 : vector<16xi32>
    %add3A_194 = arith.constant 16 : i32
    %add3A_195 = vector.broadcast %add3A_194 : i32 to vector<16xi32>
    %add3A_196 = arith.addi %xor3A_190, %add3A_195 : vector<16xi32>
    %select_n3A_197 = arith.select %lt3A_193, %add3A_196, %xor3A_190 : vector<16xi1>, vector<16xi32>
    %broadcast_in_dim3A_198 = vector.shape_cast %select_n3A_197 : vector<16xi32> to vector<16x1xi32>
    %gather3A_199 = vector.shape_cast %broadcast_in_dim3A_198 : vector<16x1xi32> to vector<16xi32>
    %gather3A_200 = tpu.dynamic_gather %add3A_187[%gather3A_199] in [0] : vector<16xf32>, vector<16xi32> -> vector<16xf32>
    %add3A_201 = arith.addf %add3A_187, %gather3A_200 : vector<16xf32>
    %eq3A_202 = arith.constant 2 : i32
    %eq3A_203 = vector.broadcast %eq3A_202 : i32 to vector<16xi32>
    %eq3A_204 = arith.cmpi eq, %iota3A, %eq3A_203 : vector<16xi32>
    %select_n3A_205 = arith.select %eq3A_204, %add3A_201, %select_n3A_137 : vector<16xi1>, vector<16xf32>
    %broadcast_in_dim3A_206 = arith.constant 0.000000e+00 : f32
    %broadcast_in_dim3A_207 = vector.broadcast %broadcast_in_dim3A_206 : f32 to vector<16xf32>
    %scan3A_208 = arith.constant 0 : i32
    %scan3A_209 = arith.constant 1024 : i32
    %scan3A_210 = arith.addi %scan3A_208, %scan3A_209 : i32
    %scan3A_211 = arith.constant 8 : i32
    %scan3A_212 = scf.for %scan3A_1103 = %scan3A_208 to %scan3A_210 step %scan3A_211 iter_args(%scan3A_1104 = %broadcast_in_dim3A_207) -> (vector<16xf32>)  : i32 {
      %mul3A_1105 = arith.constant 16 : i32
      %mul3A_1106 = arith.muli %scan3A_1103, %mul3A_1105 : i32
      %get3A = arith.constant 3 : i32
      %get3A_1107 = arith.index_cast %get3A : i32 to index
      %get3A_1108 = arith.index_cast %mul3A_1106 : i32 to index
      %get3A_1109 = tpu.vector_load %arg6[%get3A_1107, %get3A_1108] {strides = array<i32>} : memref<4x16384xf32, #tpu.memory_space<vmem>>, vector<1x16xf32>,
      %get3A_1110 = vector.shape_cast %get3A_1109 : vector<1x16xf32> to vector<16xf32>
      %get3A_1111 = arith.index_cast %mul3A_1106 : i32 to index
      %get3A_1112 = tpu.vector_load %arg5[%get3A_1111] {strides = array<i32>} : memref<16384xf32, #tpu.memory_space<vmem>>, vector<16xf32>,
      %get3A_1113 = vector.shape_cast %get3A_1112 : vector<16xf32> to vector<16xf32>
      %mul3A_1114 = arith.mulf %get3A_1110, %get3A_1113 : vector<16xf32>
      %add3A_1115 = arith.addf %scan3A_1104, %mul3A_1114 : vector<16xf32>
      %scan3A_1116 = arith.constant 1 : i32
      %scan3A_1117 = arith.addi %scan3A_1103, %scan3A_1116 : i32
      %mul3A_1118 = arith.constant 16 : i32
      %mul3A_1119 = arith.muli %scan3A_1117, %mul3A_1118 : i32
      %get3A_1120 = arith.constant 3 : i32
      %get3A_1121 = arith.index_cast %get3A_1120 : i32 to index
      %get3A_1122 = arith.index_cast %mul3A_1119 : i32 to index
      %get3A_1123 = tpu.vector_load %arg6[%get3A_1121, %get3A_1122] {strides = array<i32>} : memref<4x16384xf32, #tpu.memory_space<vmem>>, vector<1x16xf32>,
      %get3A_1124 = vector.shape_cast %get3A_1123 : vector<1x16xf32> to vector<16xf32>
      %get3A_1125 = arith.index_cast %mul3A_1119 : i32 to index
      %get3A_1126 = tpu.vector_load %arg5[%get3A_1125] {strides = array<i32>} : memref<16384xf32, #tpu.memory_space<vmem>>, vector<16xf32>,
      %get3A_1127 = vector.shape_cast %get3A_1126 : vector<16xf32> to vector<16xf32>
      %mul3A_1128 = arith.mulf %get3A_1124, %get3A_1127 : vector<16xf32>
      %add3A_1129 = arith.addf %add3A_1115, %mul3A_1128 : vector<16xf32>
      %scan3A_1130 = arith.constant 2 : i32
      %scan3A_1131 = arith.addi %scan3A_1103, %scan3A_1130 : i32
      %mul3A_1132 = arith.constant 16 : i32
      %mul3A_1133 = arith.muli %scan3A_1131, %mul3A_1132 : i32
      %get3A_1134 = arith.constant 3 : i32
      %get3A_1135 = arith.index_cast %get3A_1134 : i32 to index
      %get3A_1136 = arith.index_cast %mul3A_1133 : i32 to index
      %get3A_1137 = tpu.vector_load %arg6[%get3A_1135, %get3A_1136] {strides = array<i32>} : memref<4x16384xf32, #tpu.memory_space<vmem>>, vector<1x16xf32>,
      %get3A_1138 = vector.shape_cast %get3A_1137 : vector<1x16xf32> to vector<16xf32>
      %get3A_1139 = arith.index_cast %mul3A_1133 : i32 to index
      %get3A_1140 = tpu.vector_load %arg5[%get3A_1139] {strides = array<i32>} : memref<16384xf32, #tpu.memory_space<vmem>>, vector<16xf32>,
      %get3A_1141 = vector.shape_cast %get3A_1140 : vector<16xf32> to vector<16xf32>
      %mul3A_1142 = arith.mulf %get3A_1138, %get3A_1141 : vector<16xf32>
      %add3A_1143 = arith.addf %add3A_1129, %mul3A_1142 : vector<16xf32>
      %scan3A_1144 = arith.constant 3 : i32
      %scan3A_1145 = arith.addi %scan3A_1103, %scan3A_1144 : i32
      %mul3A_1146 = arith.constant 16 : i32
      %mul3A_1147 = arith.muli %scan3A_1145, %mul3A_1146 : i32
      %get3A_1148 = arith.constant 3 : i32
      %get3A_1149 = arith.index_cast %get3A_1148 : i32 to index
      %get3A_1150 = arith.index_cast %mul3A_1147 : i32 to index
      %get3A_1151 = tpu.vector_load %arg6[%get3A_1149, %get3A_1150] {strides = array<i32>} : memref<4x16384xf32, #tpu.memory_space<vmem>>, vector<1x16xf32>,
      %get3A_1152 = vector.shape_cast %get3A_1151 : vector<1x16xf32> to vector<16xf32>
      %get3A_1153 = arith.index_cast %mul3A_1147 : i32 to index
      %get3A_1154 = tpu.vector_load %arg5[%get3A_1153] {strides = array<i32>} : memref<16384xf32, #tpu.memory_space<vmem>>, vector<16xf32>,
      %get3A_1155 = vector.shape_cast %get3A_1154 : vector<16xf32> to vector<16xf32>
      %mul3A_1156 = arith.mulf %get3A_1152, %get3A_1155 : vector<16xf32>
      %add3A_1157 = arith.addf %add3A_1143, %mul3A_1156 : vector<16xf32>
      %scan3A_1158 = arith.constant 4 : i32
      %scan3A_1159 = arith.addi %scan3A_1103, %scan3A_1158 : i32
      %mul3A_1160 = arith.constant 16 : i32
      %mul3A_1161 = arith.muli %scan3A_1159, %mul3A_1160 : i32
      %get3A_1162 = arith.constant 3 : i32
      %get3A_1163 = arith.index_cast %get3A_1162 : i32 to index
      %get3A_1164 = arith.index_cast %mul3A_1161 : i32 to index
      %get3A_1165 = tpu.vector_load %arg6[%get3A_1163, %get3A_1164] {strides = array<i32>} : memref<4x16384xf32, #tpu.memory_space<vmem>>, vector<1x16xf32>,
      %get3A_1166 = vector.shape_cast %get3A_1165 : vector<1x16xf32> to vector<16xf32>
      %get3A_1167 = arith.index_cast %mul3A_1161 : i32 to index
      %get3A_1168 = tpu.vector_load %arg5[%get3A_1167] {strides = array<i32>} : memref<16384xf32, #tpu.memory_space<vmem>>, vector<16xf32>,
      %get3A_1169 = vector.shape_cast %get3A_1168 : vector<16xf32> to vector<16xf32>
      %mul3A_1170 = arith.mulf %get3A_1166, %get3A_1169 : vector<16xf32>
      %add3A_1171 = arith.addf %add3A_1157, %mul3A_1170 : vector<16xf32>
      %scan3A_1172 = arith.constant 5 : i32
      %scan3A_1173 = arith.addi %scan3A_1103, %scan3A_1172 : i32
      %mul3A_1174 = arith.constant 16 : i32
      %mul3A_1175 = arith.muli %scan3A_1173, %mul3A_1174 : i32
      %get3A_1176 = arith.constant 3 : i32
      %get3A_1177 = arith.index_cast %get3A_1176 : i32 to index
      %get3A_1178 = arith.index_cast %mul3A_1175 : i32 to index
      %get3A_1179 = tpu.vector_load %arg6[%get3A_1177, %get3A_1178] {strides = array<i32>} : memref<4x16384xf32, #tpu.memory_space<vmem>>, vector<1x16xf32>,
      %get3A_1180 = vector.shape_cast %get3A_1179 : vector<1x16xf32> to vector<16xf32>
      %get3A_1181 = arith.index_cast %mul3A_1175 : i32 to index
      %get3A_1182 = tpu.vector_load %arg5[%get3A_1181] {strides = array<i32>} : memref<16384xf32, #tpu.memory_space<vmem>>, vector<16xf32>,
      %get3A_1183 = vector.shape_cast %get3A_1182 : vector<16xf32> to vector<16xf32>
      %mul3A_1184 = arith.mulf %get3A_1180, %get3A_1183 : vector<16xf32>
      %add3A_1185 = arith.addf %add3A_1171, %mul3A_1184 : vector<16xf32>
      %scan3A_1186 = arith.constant 6 : i32
      %scan3A_1187 = arith.addi %scan3A_1103, %scan3A_1186 : i32
      %mul3A_1188 = arith.constant 16 : i32
      %mul3A_1189 = arith.muli %scan3A_1187, %mul3A_1188 : i32
      %get3A_1190 = arith.constant 3 : i32
      %get3A_1191 = arith.index_cast %get3A_1190 : i32 to index
      %get3A_1192 = arith.index_cast %mul3A_1189 : i32 to index
      %get3A_1193 = tpu.vector_load %arg6[%get3A_1191, %get3A_1192] {strides = array<i32>} : memref<4x16384xf32, #tpu.memory_space<vmem>>, vector<1x16xf32>,
      %get3A_1194 = vector.shape_cast %get3A_1193 : vector<1x16xf32> to vector<16xf32>
      %get3A_1195 = arith.index_cast %mul3A_1189 : i32 to index
      %get3A_1196 = tpu.vector_load %arg5[%get3A_1195] {strides = array<i32>} : memref<16384xf32, #tpu.memory_space<vmem>>, vector<16xf32>,
      %get3A_1197 = vector.shape_cast %get3A_1196 : vector<16xf32> to vector<16xf32>
      %mul3A_1198 = arith.mulf %get3A_1194, %get3A_1197 : vector<16xf32>
      %add3A_1199 = arith.addf %add3A_1185, %mul3A_1198 : vector<16xf32>
      %scan3A_1200 = arith.constant 7 : i32
      %scan3A_1201 = arith.addi %scan3A_1103, %scan3A_1200 : i32
      %mul3A_1202 = arith.constant 16 : i32
      %mul3A_1203 = arith.muli %scan3A_1201, %mul3A_1202 : i32
      %get3A_1204 = arith.constant 3 : i32
      %get3A_1205 = arith.index_cast %get3A_1204 : i32 to index
      %get3A_1206 = arith.index_cast %mul3A_1203 : i32 to index
      %get3A_1207 = tpu.vector_load %arg6[%get3A_1205, %get3A_1206] {strides = array<i32>} : memref<4x16384xf32, #tpu.memory_space<vmem>>, vector<1x16xf32>,
      %get3A_1208 = vector.shape_cast %get3A_1207 : vector<1x16xf32> to vector<16xf32>
      %get3A_1209 = arith.index_cast %mul3A_1203 : i32 to index
      %get3A_1210 = tpu.vector_load %arg5[%get3A_1209] {strides = array<i32>} : memref<16384xf32, #tpu.memory_space<vmem>>, vector<16xf32>,
      %get3A_1211 = vector.shape_cast %get3A_1210 : vector<16xf32> to vector<16xf32>
      %mul3A_1212 = arith.mulf %get3A_1208, %get3A_1211 : vector<16xf32>
      %add3A_1213 = arith.addf %add3A_1199, %mul3A_1212 : vector<16xf32>
      scf.yield %add3A_1213 : vector<16xf32>
    }
    %scan3A_213 = arith.constant 1024 : i32
    %xor3A_214 = arith.constant 1 : i32
    %xor3A_215 = vector.broadcast %xor3A_214 : i32 to vector<16xi32>
    %xor3A_216 = arith.xori %iota3A, %xor3A_215 : vector<16xi32>
    %lt3A_217 = arith.constant 0 : i32
    %lt3A_218 = vector.broadcast %lt3A_217 : i32 to vector<16xi32>
    %lt3A_219 = arith.cmpi slt, %xor3A_216, %lt3A_218 : vector<16xi32>
    %add3A_220 = arith.constant 16 : i32
    %add3A_221 = vector.broadcast %add3A_220 : i32 to vector<16xi32>
    %add3A_222 = arith.addi %xor3A_216, %add3A_221 : vector<16xi32>
    %select_n3A_223 = arith.select %lt3A_219, %add3A_222, %xor3A_216 : vector<16xi1>, vector<16xi32>
    %broadcast_in_dim3A_224 = vector.shape_cast %select_n3A_223 : vector<16xi32> to vector<16x1xi32>
    %gather3A_225 = vector.shape_cast %broadcast_in_dim3A_224 : vector<16x1xi32> to vector<16xi32>
    %gather3A_226 = tpu.dynamic_gather %scan3A_212[%gather3A_225] in [0] : vector<16xf32>, vector<16xi32> -> vector<16xf32>
    %add3A_227 = arith.addf %scan3A_212, %gather3A_226 : vector<16xf32>
    %xor3A_228 = arith.constant 2 : i32
    %xor3A_229 = vector.broadcast %xor3A_228 : i32 to vector<16xi32>
    %xor3A_230 = arith.xori %iota3A, %xor3A_229 : vector<16xi32>
    %lt3A_231 = arith.constant 0 : i32
    %lt3A_232 = vector.broadcast %lt3A_231 : i32 to vector<16xi32>
    %lt3A_233 = arith.cmpi slt, %xor3A_230, %lt3A_232 : vector<16xi32>
    %add3A_234 = arith.constant 16 : i32
    %add3A_235 = vector.broadcast %add3A_234 : i32 to vector<16xi32>
    %add3A_236 = arith.addi %xor3A_230, %add3A_235 : vector<16xi32>
    %select_n3A_237 = arith.select %lt3A_233, %add3A_236, %xor3A_230 : vector<16xi1>, vector<16xi32>
    %broadcast_in_dim3A_238 = vector.shape_cast %select_n3A_237 : vector<16xi32> to vector<16x1xi32>
    %gather3A_239 = vector.shape_cast %broadcast_in_dim3A_238 : vector<16x1xi32> to vector<16xi32>
    %gather3A_240 = tpu.dynamic_gather %add3A_227[%gather3A_239] in [0] : vector<16xf32>, vector<16xi32> -> vector<16xf32>
    %add3A_241 = arith.addf %add3A_227, %gather3A_240 : vector<16xf32>
    %xor3A_242 = arith.constant 4 : i32
    %xor3A_243 = vector.broadcast %xor3A_242 : i32 to vector<16xi32>
    %xor3A_244 = arith.xori %iota3A, %xor3A_243 : vector<16xi32>
    %lt3A_245 = arith.constant 0 : i32
    %lt3A_246 = vector.broadcast %lt3A_245 : i32 to vector<16xi32>
    %lt3A_247 = arith.cmpi slt, %xor3A_244, %lt3A_246 : vector<16xi32>
    %add3A_248 = arith.constant 16 : i32
    %add3A_249 = vector.broadcast %add3A_248 : i32 to vector<16xi32>
    %add3A_250 = arith.addi %xor3A_244, %add3A_249 : vector<16xi32>
    %select_n3A_251 = arith.select %lt3A_247, %add3A_250, %xor3A_244 : vector<16xi1>, vector<16xi32>
    %broadcast_in_dim3A_252 = vector.shape_cast %select_n3A_251 : vector<16xi32> to vector<16x1xi32>
    %gather3A_253 = vector.shape_cast %broadcast_in_dim3A_252 : vector<16x1xi32> to vector<16xi32>
    %gather3A_254 = tpu.dynamic_gather %add3A_241[%gather3A_253] in [0] : vector<16xf32>, vector<16xi32> -> vector<16xf32>
    %add3A_255 = arith.addf %add3A_241, %gather3A_254 : vector<16xf32>
    %xor3A_256 = arith.constant 8 : i32
    %xor3A_257 = vector.broadcast %xor3A_256 : i32 to vector<16xi32>
    %xor3A_258 = arith.xori %iota3A, %xor3A_257 : vector<16xi32>
    %lt3A_259 = arith.constant 0 : i32
    %lt3A_260 = vector.broadcast %lt3A_259 : i32 to vector<16xi32>
    %lt3A_261 = arith.cmpi slt, %xor3A_258, %lt3A_260 : vector<16xi32>
    %add3A_262 = arith.constant 16 : i32
    %add3A_263 = vector.broadcast %add3A_262 : i32 to vector<16xi32>
    %add3A_264 = arith.addi %xor3A_258, %add3A_263 : vector<16xi32>
    %select_n3A_265 = arith.select %lt3A_261, %add3A_264, %xor3A_258 : vector<16xi1>, vector<16xi32>
    %broadcast_in_dim3A_266 = vector.shape_cast %select_n3A_265 : vector<16xi32> to vector<16x1xi32>
    %gather3A_267 = vector.shape_cast %broadcast_in_dim3A_266 : vector<16x1xi32> to vector<16xi32>
    %gather3A_268 = tpu.dynamic_gather %add3A_255[%gather3A_267] in [0] : vector<16xf32>, vector<16xi32> -> vector<16xf32>
    %add3A_269 = arith.addf %add3A_255, %gather3A_268 : vector<16xf32>
    %eq3A_270 = arith.constant 3 : i32
    %eq3A_271 = vector.broadcast %eq3A_270 : i32 to vector<16xi32>
    %eq3A_272 = arith.cmpi eq, %iota3A, %eq3A_271 : vector<16xi32>
    %select_n3A_273 = arith.select %eq3A_272, %add3A_269, %select_n3A_205 : vector<16xi1>, vector<16xf32>
    %add3A_274 = arith.constant 4 : i32
    %add3A_275 = arith.addi %add3A_4, %add3A_274 : i32
    "tpu.region"() ({
      %run_scoped3A = tpu.sem_alloc : memref<!tpu.dma_semaphore, #tpu.memory_space<semaphore_mem>>
      %dma_start3A = arith.constant 0 : i32
      %dma_start3A_1103 = tpu.memref_slice %arg2[%add3A_275, %dma_start3A] : memref<4096x16384xf32, #tpu.memory_space<hbm>> -> memref<4x16384xf32, #tpu.memory_space<hbm>>
      %dma_start3A_1104 = arith.constant 0 : i32
      %dma_start3A_1105 = tpu.memref_slice %arg2[%add3A_275, %dma_start3A_1104] : memref<4096x16384xf32, #tpu.memory_space<hbm>> -> memref<4x16384xf32, #tpu.memory_space<hbm>>
      tpu.enqueue_dma source(%dma_start3A_1105 : memref<4x16384xf32, #tpu.memory_space<hbm>>) target(%arg6 : memref<4x16384xf32, #tpu.memory_space<vmem>>) target_semaphore(%run_scoped3A : memref<!tpu.dma_semaphore, #tpu.memory_space<semaphore_mem>>)
      %dma_wait3A = arith.constant 0 : i32
      %dma_wait3A_1106 = tpu.memref_slice %arg2[%add3A_275, %dma_wait3A] : memref<4096x16384xf32, #tpu.memory_space<hbm>> -> memref<4x16384xf32, #tpu.memory_space<hbm>>
      %dma_wait3A_1107 = arith.constant 0 : i32
      %dma_wait3A_1108 = tpu.memref_slice %arg2[%add3A_275, %dma_wait3A_1107] : memref<4096x16384xf32, #tpu.memory_space<hbm>> -> memref<4x16384xf32, #tpu.memory_space<hbm>>
      tpu.wait_dma2 semaphore(%run_scoped3A : memref<!tpu.dma_semaphore, #tpu.memory_space<semaphore_mem>>) src(%dma_wait3A_1108 : memref<4x16384xf32, #tpu.memory_space<hbm>>) dst(%arg6 : memref<4x16384xf32, #tpu.memory_space<vmem>>)
      tpu.yield
    }) : () -> ()
    %broadcast_in_dim3A_276 = arith.constant 0.000000e+00 : f32
    %broadcast_in_dim3A_277 = vector.broadcast %broadcast_in_dim3A_276 : f32 to vector<16xf32>
    %scan3A_278 = arith.constant 0 : i32
    %scan3A_279 = arith.constant 1024 : i32
    %scan3A_280 = arith.addi %scan3A_278, %scan3A_279 : i32
    %scan3A_281 = arith.constant 8 : i32
    %scan3A_282 = scf.for %scan3A_1103 = %scan3A_278 to %scan3A_280 step %scan3A_281 iter_args(%scan3A_1104 = %broadcast_in_dim3A_277) -> (vector<16xf32>)  : i32 {
      %mul3A_1105 = arith.constant 16 : i32
      %mul3A_1106 = arith.muli %scan3A_1103, %mul3A_1105 : i32
      %get3A = arith.constant 0 : i32
      %get3A_1107 = arith.index_cast %get3A : i32 to index
      %get3A_1108 = arith.index_cast %mul3A_1106 : i32 to index
      %get3A_1109 = tpu.vector_load %arg6[%get3A_1107, %get3A_1108] {strides = array<i32>} : memref<4x16384xf32, #tpu.memory_space<vmem>>, vector<1x16xf32>,
      %get3A_1110 = vector.shape_cast %get3A_1109 : vector<1x16xf32> to vector<16xf32>
      %get3A_1111 = arith.index_cast %mul3A_1106 : i32 to index
      %get3A_1112 = tpu.vector_load %arg5[%get3A_1111] {strides = array<i32>} : memref<16384xf32, #tpu.memory_space<vmem>>, vector<16xf32>,
      %get3A_1113 = vector.shape_cast %get3A_1112 : vector<16xf32> to vector<16xf32>
      %mul3A_1114 = arith.mulf %get3A_1110, %get3A_1113 : vector<16xf32>
      %add3A_1115 = arith.addf %scan3A_1104, %mul3A_1114 : vector<16xf32>
      %scan3A_1116 = arith.constant 1 : i32
      %scan3A_1117 = arith.addi %scan3A_1103, %scan3A_1116 : i32
      %mul3A_1118 = arith.constant 16 : i32
      %mul3A_1119 = arith.muli %scan3A_1117, %mul3A_1118 : i32
      %get3A_1120 = arith.constant 0 : i32
      %get3A_1121 = arith.index_cast %get3A_1120 : i32 to index
      %get3A_1122 = arith.index_cast %mul3A_1119 : i32 to index
      %get3A_1123 = tpu.vector_load %arg6[%get3A_1121, %get3A_1122] {strides = array<i32>} : memref<4x16384xf32, #tpu.memory_space<vmem>>, vector<1x16xf32>,
      %get3A_1124 = vector.shape_cast %get3A_1123 : vector<1x16xf32> to vector<16xf32>
      %get3A_1125 = arith.index_cast %mul3A_1119 : i32 to index
      %get3A_1126 = tpu.vector_load %arg5[%get3A_1125] {strides = array<i32>} : memref<16384xf32, #tpu.memory_space<vmem>>, vector<16xf32>,
      %get3A_1127 = vector.shape_cast %get3A_1126 : vector<16xf32> to vector<16xf32>
      %mul3A_1128 = arith.mulf %get3A_1124, %get3A_1127 : vector<16xf32>
      %add3A_1129 = arith.addf %add3A_1115, %mul3A_1128 : vector<16xf32>
      %scan3A_1130 = arith.constant 2 : i32
      %scan3A_1131 = arith.addi %scan3A_1103, %scan3A_1130 : i32
      %mul3A_1132 = arith.constant 16 : i32
      %mul3A_1133 = arith.muli %scan3A_1131, %mul3A_1132 : i32
      %get3A_1134 = arith.constant 0 : i32
      %get3A_1135 = arith.index_cast %get3A_1134 : i32 to index
      %get3A_1136 = arith.index_cast %mul3A_1133 : i32 to index
      %get3A_1137 = tpu.vector_load %arg6[%get3A_1135, %get3A_1136] {strides = array<i32>} : memref<4x16384xf32, #tpu.memory_space<vmem>>, vector<1x16xf32>,
      %get3A_1138 = vector.shape_cast %get3A_1137 : vector<1x16xf32> to vector<16xf32>
      %get3A_1139 = arith.index_cast %mul3A_1133 : i32 to index
      %get3A_1140 = tpu.vector_load %arg5[%get3A_1139] {strides = array<i32>} : memref<16384xf32, #tpu.memory_space<vmem>>, vector<16xf32>,
      %get3A_1141 = vector.shape_cast %get3A_1140 : vector<16xf32> to vector<16xf32>
      %mul3A_1142 = arith.mulf %get3A_1138, %get3A_1141 : vector<16xf32>
      %add3A_1143 = arith.addf %add3A_1129, %mul3A_1142 : vector<16xf32>
      %scan3A_1144 = arith.constant 3 : i32
      %scan3A_1145 = arith.addi %scan3A_1103, %scan3A_1144 : i32
      %mul3A_1146 = arith.constant 16 : i32
      %mul3A_1147 = arith.muli %scan3A_1145, %mul3A_1146 : i32
      %get3A_1148 = arith.constant 0 : i32
      %get3A_1149 = arith.index_cast %get3A_1148 : i32 to index
      %get3A_1150 = arith.index_cast %mul3A_1147 : i32 to index
      %get3A_1151 = tpu.vector_load %arg6[%get3A_1149, %get3A_1150] {strides = array<i32>} : memref<4x16384xf32, #tpu.memory_space<vmem>>, vector<1x16xf32>,
      %get3A_1152 = vector.shape_cast %get3A_1151 : vector<1x16xf32> to vector<16xf32>
      %get3A_1153 = arith.index_cast %mul3A_1147 : i32 to index
      %get3A_1154 = tpu.vector_load %arg5[%get3A_1153] {strides = array<i32>} : memref<16384xf32, #tpu.memory_space<vmem>>, vector<16xf32>,
      %get3A_1155 = vector.shape_cast %get3A_1154 : vector<16xf32> to vector<16xf32>
      %mul3A_1156 = arith.mulf %get3A_1152, %get3A_1155 : vector<16xf32>
      %add3A_1157 = arith.addf %add3A_1143, %mul3A_1156 : vector<16xf32>
      %scan3A_1158 = arith.constant 4 : i32
      %scan3A_1159 = arith.addi %scan3A_1103, %scan3A_1158 : i32
      %mul3A_1160 = arith.constant 16 : i32
      %mul3A_1161 = arith.muli %scan3A_1159, %mul3A_1160 : i32
      %get3A_1162 = arith.constant 0 : i32
      %get3A_1163 = arith.index_cast %get3A_1162 : i32 to index
      %get3A_1164 = arith.index_cast %mul3A_1161 : i32 to index
      %get3A_1165 = tpu.vector_load %arg6[%get3A_1163, %get3A_1164] {strides = array<i32>} : memref<4x16384xf32, #tpu.memory_space<vmem>>, vector<1x16xf32>,
      %get3A_1166 = vector.shape_cast %get3A_1165 : vector<1x16xf32> to vector<16xf32>
      %get3A_1167 = arith.index_cast %mul3A_1161 : i32 to index
      %get3A_1168 = tpu.vector_load %arg5[%get3A_1167] {strides = array<i32>} : memref<16384xf32, #tpu.memory_space<vmem>>, vector<16xf32>,
      %get3A_1169 = vector.shape_cast %get3A_1168 : vector<16xf32> to vector<16xf32>
      %mul3A_1170 = arith.mulf %get3A_1166, %get3A_1169 : vector<16xf32>
      %add3A_1171 = arith.addf %add3A_1157, %mul3A_1170 : vector<16xf32>
      %scan3A_1172 = arith.constant 5 : i32
      %scan3A_1173 = arith.addi %scan3A_1103, %scan3A_1172 : i32
      %mul3A_1174 = arith.constant 16 : i32
      %mul3A_1175 = arith.muli %scan3A_1173, %mul3A_1174 : i32
      %get3A_1176 = arith.constant 0 : i32
      %get3A_1177 = arith.index_cast %get3A_1176 : i32 to index
      %get3A_1178 = arith.index_cast %mul3A_1175 : i32 to index
      %get3A_1179 = tpu.vector_load %arg6[%get3A_1177, %get3A_1178] {strides = array<i32>} : memref<4x16384xf32, #tpu.memory_space<vmem>>, vector<1x16xf32>,
      %get3A_1180 = vector.shape_cast %get3A_1179 : vector<1x16xf32> to vector<16xf32>
      %get3A_1181 = arith.index_cast %mul3A_1175 : i32 to index
      %get3A_1182 = tpu.vector_load %arg5[%get3A_1181] {strides = array<i32>} : memref<16384xf32, #tpu.memory_space<vmem>>, vector<16xf32>,
      %get3A_1183 = vector.shape_cast %get3A_1182 : vector<16xf32> to vector<16xf32>
      %mul3A_1184 = arith.mulf %get3A_1180, %get3A_1183 : vector<16xf32>
      %add3A_1185 = arith.addf %add3A_1171, %mul3A_1184 : vector<16xf32>
      %scan3A_1186 = arith.constant 6 : i32
      %scan3A_1187 = arith.addi %scan3A_1103, %scan3A_1186 : i32
      %mul3A_1188 = arith.constant 16 : i32
      %mul3A_1189 = arith.muli %scan3A_1187, %mul3A_1188 : i32
      %get3A_1190 = arith.constant 0 : i32
      %get3A_1191 = arith.index_cast %get3A_1190 : i32 to index
      %get3A_1192 = arith.index_cast %mul3A_1189 : i32 to index
      %get3A_1193 = tpu.vector_load %arg6[%get3A_1191, %get3A_1192] {strides = array<i32>} : memref<4x16384xf32, #tpu.memory_space<vmem>>, vector<1x16xf32>,
      %get3A_1194 = vector.shape_cast %get3A_1193 : vector<1x16xf32> to vector<16xf32>
      %get3A_1195 = arith.index_cast %mul3A_1189 : i32 to index
      %get3A_1196 = tpu.vector_load %arg5[%get3A_1195] {strides = array<i32>} : memref<16384xf32, #tpu.memory_space<vmem>>, vector<16xf32>,
      %get3A_1197 = vector.shape_cast %get3A_1196 : vector<16xf32> to vector<16xf32>
      %mul3A_1198 = arith.mulf %get3A_1194, %get3A_1197 : vector<16xf32>
      %add3A_1199 = arith.addf %add3A_1185, %mul3A_1198 : vector<16xf32>
      %scan3A_1200 = arith.constant 7 : i32
      %scan3A_1201 = arith.addi %scan3A_1103, %scan3A_1200 : i32
      %mul3A_1202 = arith.constant 16 : i32
      %mul3A_1203 = arith.muli %scan3A_1201, %mul3A_1202 : i32
      %get3A_1204 = arith.constant 0 : i32
      %get3A_1205 = arith.index_cast %get3A_1204 : i32 to index
      %get3A_1206 = arith.index_cast %mul3A_1203 : i32 to index
      %get3A_1207 = tpu.vector_load %arg6[%get3A_1205, %get3A_1206] {strides = array<i32>} : memref<4x16384xf32, #tpu.memory_space<vmem>>, vector<1x16xf32>,
      %get3A_1208 = vector.shape_cast %get3A_1207 : vector<1x16xf32> to vector<16xf32>
      %get3A_1209 = arith.index_cast %mul3A_1203 : i32 to index
      %get3A_1210 = tpu.vector_load %arg5[%get3A_1209] {strides = array<i32>} : memref<16384xf32, #tpu.memory_space<vmem>>, vector<16xf32>,
      %get3A_1211 = vector.shape_cast %get3A_1210 : vector<16xf32> to vector<16xf32>
      %mul3A_1212 = arith.mulf %get3A_1208, %get3A_1211 : vector<16xf32>
      %add3A_1213 = arith.addf %add3A_1199, %mul3A_1212 : vector<16xf32>
      scf.yield %add3A_1213 : vector<16xf32>
    }
    %scan3A_283 = arith.constant 1024 : i32
    %xor3A_284 = arith.constant 1 : i32
    %xor3A_285 = vector.broadcast %xor3A_284 : i32 to vector<16xi32>
    %xor3A_286 = arith.xori %iota3A, %xor3A_285 : vector<16xi32>
    %lt3A_287 = arith.constant 0 : i32
    %lt3A_288 = vector.broadcast %lt3A_287 : i32 to vector<16xi32>
    %lt3A_289 = arith.cmpi slt, %xor3A_286, %lt3A_288 : vector<16xi32>
    %add3A_290 = arith.constant 16 : i32
    %add3A_291 = vector.broadcast %add3A_290 : i32 to vector<16xi32>
    %add3A_292 = arith.addi %xor3A_286, %add3A_291 : vector<16xi32>
    %select_n3A_293 = arith.select %lt3A_289, %add3A_292, %xor3A_286 : vector<16xi1>, vector<16xi32>
    %broadcast_in_dim3A_294 = vector.shape_cast %select_n3A_293 : vector<16xi32> to vector<16x1xi32>
    %gather3A_295 = vector.shape_cast %broadcast_in_dim3A_294 : vector<16x1xi32> to vector<16xi32>
    %gather3A_296 = tpu.dynamic_gather %scan3A_282[%gather3A_295] in [0] : vector<16xf32>, vector<16xi32> -> vector<16xf32>
    %add3A_297 = arith.addf %scan3A_282, %gather3A_296 : vector<16xf32>
    %xor3A_298 = arith.constant 2 : i32
    %xor3A_299 = vector.broadcast %xor3A_298 : i32 to vector<16xi32>
    %xor3A_300 = arith.xori %iota3A, %xor3A_299 : vector<16xi32>
    %lt3A_301 = arith.constant 0 : i32
    %lt3A_302 = vector.broadcast %lt3A_301 : i32 to vector<16xi32>
    %lt3A_303 = arith.cmpi slt, %xor3A_300, %lt3A_302 : vector<16xi32>
    %add3A_304 = arith.constant 16 : i32
    %add3A_305 = vector.broadcast %add3A_304 : i32 to vector<16xi32>
    %add3A_306 = arith.addi %xor3A_300, %add3A_305 : vector<16xi32>
    %select_n3A_307 = arith.select %lt3A_303, %add3A_306, %xor3A_300 : vector<16xi1>, vector<16xi32>
    %broadcast_in_dim3A_308 = vector.shape_cast %select_n3A_307 : vector<16xi32> to vector<16x1xi32>
    %gather3A_309 = vector.shape_cast %broadcast_in_dim3A_308 : vector<16x1xi32> to vector<16xi32>
    %gather3A_310 = tpu.dynamic_gather %add3A_297[%gather3A_309] in [0] : vector<16xf32>, vector<16xi32> -> vector<16xf32>
    %add3A_311 = arith.addf %add3A_297, %gather3A_310 : vector<16xf32>
    %xor3A_312 = arith.constant 4 : i32
    %xor3A_313 = vector.broadcast %xor3A_312 : i32 to vector<16xi32>
    %xor3A_314 = arith.xori %iota3A, %xor3A_313 : vector<16xi32>
    %lt3A_315 = arith.constant 0 : i32
    %lt3A_316 = vector.broadcast %lt3A_315 : i32 to vector<16xi32>
    %lt3A_317 = arith.cmpi slt, %xor3A_314, %lt3A_316 : vector<16xi32>
    %add3A_318 = arith.constant 16 : i32
    %add3A_319 = vector.broadcast %add3A_318 : i32 to vector<16xi32>
    %add3A_320 = arith.addi %xor3A_314, %add3A_319 : vector<16xi32>
    %select_n3A_321 = arith.select %lt3A_317, %add3A_320, %xor3A_314 : vector<16xi1>, vector<16xi32>
    %broadcast_in_dim3A_322 = vector.shape_cast %select_n3A_321 : vector<16xi32> to vector<16x1xi32>
    %gather3A_323 = vector.shape_cast %broadcast_in_dim3A_322 : vector<16x1xi32> to vector<16xi32>
    %gather3A_324 = tpu.dynamic_gather %add3A_311[%gather3A_323] in [0] : vector<16xf32>, vector<16xi32> -> vector<16xf32>
    %add3A_325 = arith.addf %add3A_311, %gather3A_324 : vector<16xf32>
    %xor3A_326 = arith.constant 8 : i32
    %xor3A_327 = vector.broadcast %xor3A_326 : i32 to vector<16xi32>
    %xor3A_328 = arith.xori %iota3A, %xor3A_327 : vector<16xi32>
    %lt3A_329 = arith.constant 0 : i32
    %lt3A_330 = vector.broadcast %lt3A_329 : i32 to vector<16xi32>
    %lt3A_331 = arith.cmpi slt, %xor3A_328, %lt3A_330 : vector<16xi32>
    %add3A_332 = arith.constant 16 : i32
    %add3A_333 = vector.broadcast %add3A_332 : i32 to vector<16xi32>
    %add3A_334 = arith.addi %xor3A_328, %add3A_333 : vector<16xi32>
    %select_n3A_335 = arith.select %lt3A_331, %add3A_334, %xor3A_328 : vector<16xi1>, vector<16xi32>
    %broadcast_in_dim3A_336 = vector.shape_cast %select_n3A_335 : vector<16xi32> to vector<16x1xi32>
    %gather3A_337 = vector.shape_cast %broadcast_in_dim3A_336 : vector<16x1xi32> to vector<16xi32>
    %gather3A_338 = tpu.dynamic_gather %add3A_325[%gather3A_337] in [0] : vector<16xf32>, vector<16xi32> -> vector<16xf32>
    %add3A_339 = arith.addf %add3A_325, %gather3A_338 : vector<16xf32>
    %eq3A_340 = arith.constant 4 : i32
    %eq3A_341 = vector.broadcast %eq3A_340 : i32 to vector<16xi32>
    %eq3A_342 = arith.cmpi eq, %iota3A, %eq3A_341 : vector<16xi32>
    %select_n3A_343 = arith.select %eq3A_342, %add3A_339, %select_n3A_273 : vector<16xi1>, vector<16xf32>
    %broadcast_in_dim3A_344 = arith.constant 0.000000e+00 : f32
    %broadcast_in_dim3A_345 = vector.broadcast %broadcast_in_dim3A_344 : f32 to vector<16xf32>
    %scan3A_346 = arith.constant 0 : i32
    %scan3A_347 = arith.constant 1024 : i32
    %scan3A_348 = arith.addi %scan3A_346, %scan3A_347 : i32
    %scan3A_349 = arith.constant 8 : i32
    %scan3A_350 = scf.for %scan3A_1103 = %scan3A_346 to %scan3A_348 step %scan3A_349 iter_args(%scan3A_1104 = %broadcast_in_dim3A_345) -> (vector<16xf32>)  : i32 {
      %mul3A_1105 = arith.constant 16 : i32
      %mul3A_1106 = arith.muli %scan3A_1103, %mul3A_1105 : i32
      %get3A = arith.constant 1 : i32
      %get3A_1107 = arith.index_cast %get3A : i32 to index
      %get3A_1108 = arith.index_cast %mul3A_1106 : i32 to index
      %get3A_1109 = tpu.vector_load %arg6[%get3A_1107, %get3A_1108] {strides = array<i32>} : memref<4x16384xf32, #tpu.memory_space<vmem>>, vector<1x16xf32>,
      %get3A_1110 = vector.shape_cast %get3A_1109 : vector<1x16xf32> to vector<16xf32>
      %get3A_1111 = arith.index_cast %mul3A_1106 : i32 to index
      %get3A_1112 = tpu.vector_load %arg5[%get3A_1111] {strides = array<i32>} : memref<16384xf32, #tpu.memory_space<vmem>>, vector<16xf32>,
      %get3A_1113 = vector.shape_cast %get3A_1112 : vector<16xf32> to vector<16xf32>
      %mul3A_1114 = arith.mulf %get3A_1110, %get3A_1113 : vector<16xf32>
      %add3A_1115 = arith.addf %scan3A_1104, %mul3A_1114 : vector<16xf32>
      %scan3A_1116 = arith.constant 1 : i32
      %scan3A_1117 = arith.addi %scan3A_1103, %scan3A_1116 : i32
      %mul3A_1118 = arith.constant 16 : i32
      %mul3A_1119 = arith.muli %scan3A_1117, %mul3A_1118 : i32
      %get3A_1120 = arith.constant 1 : i32
      %get3A_1121 = arith.index_cast %get3A_1120 : i32 to index
      %get3A_1122 = arith.index_cast %mul3A_1119 : i32 to index
      %get3A_1123 = tpu.vector_load %arg6[%get3A_1121, %get3A_1122] {strides = array<i32>} : memref<4x16384xf32, #tpu.memory_space<vmem>>, vector<1x16xf32>,
      %get3A_1124 = vector.shape_cast %get3A_1123 : vector<1x16xf32> to vector<16xf32>
      %get3A_1125 = arith.index_cast %mul3A_1119 : i32 to index
      %get3A_1126 = tpu.vector_load %arg5[%get3A_1125] {strides = array<i32>} : memref<16384xf32, #tpu.memory_space<vmem>>, vector<16xf32>,
      %get3A_1127 = vector.shape_cast %get3A_1126 : vector<16xf32> to vector<16xf32>
      %mul3A_1128 = arith.mulf %get3A_1124, %get3A_1127 : vector<16xf32>
      %add3A_1129 = arith.addf %add3A_1115, %mul3A_1128 : vector<16xf32>
      %scan3A_1130 = arith.constant 2 : i32
      %scan3A_1131 = arith.addi %scan3A_1103, %scan3A_1130 : i32
      %mul3A_1132 = arith.constant 16 : i32
      %mul3A_1133 = arith.muli %scan3A_1131, %mul3A_1132 : i32
      %get3A_1134 = arith.constant 1 : i32
      %get3A_1135 = arith.index_cast %get3A_1134 : i32 to index
      %get3A_1136 = arith.index_cast %mul3A_1133 : i32 to index
      %get3A_1137 = tpu.vector_load %arg6[%get3A_1135, %get3A_1136] {strides = array<i32>} : memref<4x16384xf32, #tpu.memory_space<vmem>>, vector<1x16xf32>,
      %get3A_1138 = vector.shape_cast %get3A_1137 : vector<1x16xf32> to vector<16xf32>
      %get3A_1139 = arith.index_cast %mul3A_1133 : i32 to index
      %get3A_1140 = tpu.vector_load %arg5[%get3A_1139] {strides = array<i32>} : memref<16384xf32, #tpu.memory_space<vmem>>, vector<16xf32>,
      %get3A_1141 = vector.shape_cast %get3A_1140 : vector<16xf32> to vector<16xf32>
      %mul3A_1142 = arith.mulf %get3A_1138, %get3A_1141 : vector<16xf32>
      %add3A_1143 = arith.addf %add3A_1129, %mul3A_1142 : vector<16xf32>
      %scan3A_1144 = arith.constant 3 : i32
      %scan3A_1145 = arith.addi %scan3A_1103, %scan3A_1144 : i32
      %mul3A_1146 = arith.constant 16 : i32
      %mul3A_1147 = arith.muli %scan3A_1145, %mul3A_1146 : i32
      %get3A_1148 = arith.constant 1 : i32
      %get3A_1149 = arith.index_cast %get3A_1148 : i32 to index
      %get3A_1150 = arith.index_cast %mul3A_1147 : i32 to index
      %get3A_1151 = tpu.vector_load %arg6[%get3A_1149, %get3A_1150] {strides = array<i32>} : memref<4x16384xf32, #tpu.memory_space<vmem>>, vector<1x16xf32>,
      %get3A_1152 = vector.shape_cast %get3A_1151 : vector<1x16xf32> to vector<16xf32>
      %get3A_1153 = arith.index_cast %mul3A_1147 : i32 to index
      %get3A_1154 = tpu.vector_load %arg5[%get3A_1153] {strides = array<i32>} : memref<16384xf32, #tpu.memory_space<vmem>>, vector<16xf32>,
      %get3A_1155 = vector.shape_cast %get3A_1154 : vector<16xf32> to vector<16xf32>
      %mul3A_1156 = arith.mulf %get3A_1152, %get3A_1155 : vector<16xf32>
      %add3A_1157 = arith.addf %add3A_1143, %mul3A_1156 : vector<16xf32>
      %scan3A_1158 = arith.constant 4 : i32
      %scan3A_1159 = arith.addi %scan3A_1103, %scan3A_1158 : i32
      %mul3A_1160 = arith.constant 16 : i32
      %mul3A_1161 = arith.muli %scan3A_1159, %mul3A_1160 : i32
      %get3A_1162 = arith.constant 1 : i32
      %get3A_1163 = arith.index_cast %get3A_1162 : i32 to index
      %get3A_1164 = arith.index_cast %mul3A_1161 : i32 to index
      %get3A_1165 = tpu.vector_load %arg6[%get3A_1163, %get3A_1164] {strides = array<i32>} : memref<4x16384xf32, #tpu.memory_space<vmem>>, vector<1x16xf32>,
      %get3A_1166 = vector.shape_cast %get3A_1165 : vector<1x16xf32> to vector<16xf32>
      %get3A_1167 = arith.index_cast %mul3A_1161 : i32 to index
      %get3A_1168 = tpu.vector_load %arg5[%get3A_1167] {strides = array<i32>} : memref<16384xf32, #tpu.memory_space<vmem>>, vector<16xf32>,
      %get3A_1169 = vector.shape_cast %get3A_1168 : vector<16xf32> to vector<16xf32>
      %mul3A_1170 = arith.mulf %get3A_1166, %get3A_1169 : vector<16xf32>
      %add3A_1171 = arith.addf %add3A_1157, %mul3A_1170 : vector<16xf32>
      %scan3A_1172 = arith.constant 5 : i32
      %scan3A_1173 = arith.addi %scan3A_1103, %scan3A_1172 : i32
      %mul3A_1174 = arith.constant 16 : i32
      %mul3A_1175 = arith.muli %scan3A_1173, %mul3A_1174 : i32
      %get3A_1176 = arith.constant 1 : i32
      %get3A_1177 = arith.index_cast %get3A_1176 : i32 to index
      %get3A_1178 = arith.index_cast %mul3A_1175 : i32 to index
      %get3A_1179 = tpu.vector_load %arg6[%get3A_1177, %get3A_1178] {strides = array<i32>} : memref<4x16384xf32, #tpu.memory_space<vmem>>, vector<1x16xf32>,
      %get3A_1180 = vector.shape_cast %get3A_1179 : vector<1x16xf32> to vector<16xf32>
      %get3A_1181 = arith.index_cast %mul3A_1175 : i32 to index
      %get3A_1182 = tpu.vector_load %arg5[%get3A_1181] {strides = array<i32>} : memref<16384xf32, #tpu.memory_space<vmem>>, vector<16xf32>,
      %get3A_1183 = vector.shape_cast %get3A_1182 : vector<16xf32> to vector<16xf32>
      %mul3A_1184 = arith.mulf %get3A_1180, %get3A_1183 : vector<16xf32>
      %add3A_1185 = arith.addf %add3A_1171, %mul3A_1184 : vector<16xf32>
      %scan3A_1186 = arith.constant 6 : i32
      %scan3A_1187 = arith.addi %scan3A_1103, %scan3A_1186 : i32
      %mul3A_1188 = arith.constant 16 : i32
      %mul3A_1189 = arith.muli %scan3A_1187, %mul3A_1188 : i32
      %get3A_1190 = arith.constant 1 : i32
      %get3A_1191 = arith.index_cast %get3A_1190 : i32 to index
      %get3A_1192 = arith.index_cast %mul3A_1189 : i32 to index
      %get3A_1193 = tpu.vector_load %arg6[%get3A_1191, %get3A_1192] {strides = array<i32>} : memref<4x16384xf32, #tpu.memory_space<vmem>>, vector<1x16xf32>,
      %get3A_1194 = vector.shape_cast %get3A_1193 : vector<1x16xf32> to vector<16xf32>
      %get3A_1195 = arith.index_cast %mul3A_1189 : i32 to index
      %get3A_1196 = tpu.vector_load %arg5[%get3A_1195] {strides = array<i32>} : memref<16384xf32, #tpu.memory_space<vmem>>, vector<16xf32>,
      %get3A_1197 = vector.shape_cast %get3A_1196 : vector<16xf32> to vector<16xf32>
      %mul3A_1198 = arith.mulf %get3A_1194, %get3A_1197 : vector<16xf32>
      %add3A_1199 = arith.addf %add3A_1185, %mul3A_1198 : vector<16xf32>
      %scan3A_1200 = arith.constant 7 : i32
      %scan3A_1201 = arith.addi %scan3A_1103, %scan3A_1200 : i32
      %mul3A_1202 = arith.constant 16 : i32
      %mul3A_1203 = arith.muli %scan3A_1201, %mul3A_1202 : i32
      %get3A_1204 = arith.constant 1 : i32
      %get3A_1205 = arith.index_cast %get3A_1204 : i32 to index
      %get3A_1206 = arith.index_cast %mul3A_1203 : i32 to index
      %get3A_1207 = tpu.vector_load %arg6[%get3A_1205, %get3A_1206] {strides = array<i32>} : memref<4x16384xf32, #tpu.memory_space<vmem>>, vector<1x16xf32>,
      %get3A_1208 = vector.shape_cast %get3A_1207 : vector<1x16xf32> to vector<16xf32>
      %get3A_1209 = arith.index_cast %mul3A_1203 : i32 to index
      %get3A_1210 = tpu.vector_load %arg5[%get3A_1209] {strides = array<i32>} : memref<16384xf32, #tpu.memory_space<vmem>>, vector<16xf32>,
      %get3A_1211 = vector.shape_cast %get3A_1210 : vector<16xf32> to vector<16xf32>
      %mul3A_1212 = arith.mulf %get3A_1208, %get3A_1211 : vector<16xf32>
      %add3A_1213 = arith.addf %add3A_1199, %mul3A_1212 : vector<16xf32>
      scf.yield %add3A_1213 : vector<16xf32>
    }
    %scan3A_351 = arith.constant 1024 : i32
    %xor3A_352 = arith.constant 1 : i32
    %xor3A_353 = vector.broadcast %xor3A_352 : i32 to vector<16xi32>
    %xor3A_354 = arith.xori %iota3A, %xor3A_353 : vector<16xi32>
    %lt3A_355 = arith.constant 0 : i32
    %lt3A_356 = vector.broadcast %lt3A_355 : i32 to vector<16xi32>
    %lt3A_357 = arith.cmpi slt, %xor3A_354, %lt3A_356 : vector<16xi32>
    %add3A_358 = arith.constant 16 : i32
    %add3A_359 = vector.broadcast %add3A_358 : i32 to vector<16xi32>
    %add3A_360 = arith.addi %xor3A_354, %add3A_359 : vector<16xi32>
    %select_n3A_361 = arith.select %lt3A_357, %add3A_360, %xor3A_354 : vector<16xi1>, vector<16xi32>
    %broadcast_in_dim3A_362 = vector.shape_cast %select_n3A_361 : vector<16xi32> to vector<16x1xi32>
    %gather3A_363 = vector.shape_cast %broadcast_in_dim3A_362 : vector<16x1xi32> to vector<16xi32>
    %gather3A_364 = tpu.dynamic_gather %scan3A_350[%gather3A_363] in [0] : vector<16xf32>, vector<16xi32> -> vector<16xf32>
    %add3A_365 = arith.addf %scan3A_350, %gather3A_364 : vector<16xf32>
    %xor3A_366 = arith.constant 2 : i32
    %xor3A_367 = vector.broadcast %xor3A_366 : i32 to vector<16xi32>
    %xor3A_368 = arith.xori %iota3A, %xor3A_367 : vector<16xi32>
    %lt3A_369 = arith.constant 0 : i32
    %lt3A_370 = vector.broadcast %lt3A_369 : i32 to vector<16xi32>
    %lt3A_371 = arith.cmpi slt, %xor3A_368, %lt3A_370 : vector<16xi32>
    %add3A_372 = arith.constant 16 : i32
    %add3A_373 = vector.broadcast %add3A_372 : i32 to vector<16xi32>
    %add3A_374 = arith.addi %xor3A_368, %add3A_373 : vector<16xi32>
    %select_n3A_375 = arith.select %lt3A_371, %add3A_374, %xor3A_368 : vector<16xi1>, vector<16xi32>
    %broadcast_in_dim3A_376 = vector.shape_cast %select_n3A_375 : vector<16xi32> to vector<16x1xi32>
    %gather3A_377 = vector.shape_cast %broadcast_in_dim3A_376 : vector<16x1xi32> to vector<16xi32>
    %gather3A_378 = tpu.dynamic_gather %add3A_365[%gather3A_377] in [0] : vector<16xf32>, vector<16xi32> -> vector<16xf32>
    %add3A_379 = arith.addf %add3A_365, %gather3A_378 : vector<16xf32>
    %xor3A_380 = arith.constant 4 : i32
    %xor3A_381 = vector.broadcast %xor3A_380 : i32 to vector<16xi32>
    %xor3A_382 = arith.xori %iota3A, %xor3A_381 : vector<16xi32>
    %lt3A_383 = arith.constant 0 : i32
    %lt3A_384 = vector.broadcast %lt3A_383 : i32 to vector<16xi32>
    %lt3A_385 = arith.cmpi slt, %xor3A_382, %lt3A_384 : vector<16xi32>
    %add3A_386 = arith.constant 16 : i32
    %add3A_387 = vector.broadcast %add3A_386 : i32 to vector<16xi32>
    %add3A_388 = arith.addi %xor3A_382, %add3A_387 : vector<16xi32>
    %select_n3A_389 = arith.select %lt3A_385, %add3A_388, %xor3A_382 : vector<16xi1>, vector<16xi32>
    %broadcast_in_dim3A_390 = vector.shape_cast %select_n3A_389 : vector<16xi32> to vector<16x1xi32>
    %gather3A_391 = vector.shape_cast %broadcast_in_dim3A_390 : vector<16x1xi32> to vector<16xi32>
    %gather3A_392 = tpu.dynamic_gather %add3A_379[%gather3A_391] in [0] : vector<16xf32>, vector<16xi32> -> vector<16xf32>
    %add3A_393 = arith.addf %add3A_379, %gather3A_392 : vector<16xf32>
    %xor3A_394 = arith.constant 8 : i32
    %xor3A_395 = vector.broadcast %xor3A_394 : i32 to vector<16xi32>
    %xor3A_396 = arith.xori %iota3A, %xor3A_395 : vector<16xi32>
    %lt3A_397 = arith.constant 0 : i32
    %lt3A_398 = vector.broadcast %lt3A_397 : i32 to vector<16xi32>
    %lt3A_399 = arith.cmpi slt, %xor3A_396, %lt3A_398 : vector<16xi32>
    %add3A_400 = arith.constant 16 : i32
    %add3A_401 = vector.broadcast %add3A_400 : i32 to vector<16xi32>
    %add3A_402 = arith.addi %xor3A_396, %add3A_401 : vector<16xi32>
    %select_n3A_403 = arith.select %lt3A_399, %add3A_402, %xor3A_396 : vector<16xi1>, vector<16xi32>
    %broadcast_in_dim3A_404 = vector.shape_cast %select_n3A_403 : vector<16xi32> to vector<16x1xi32>
    %gather3A_405 = vector.shape_cast %broadcast_in_dim3A_404 : vector<16x1xi32> to vector<16xi32>
    %gather3A_406 = tpu.dynamic_gather %add3A_393[%gather3A_405] in [0] : vector<16xf32>, vector<16xi32> -> vector<16xf32>
    %add3A_407 = arith.addf %add3A_393, %gather3A_406 : vector<16xf32>
    %eq3A_408 = arith.constant 5 : i32
    %eq3A_409 = vector.broadcast %eq3A_408 : i32 to vector<16xi32>
    %eq3A_410 = arith.cmpi eq, %iota3A, %eq3A_409 : vector<16xi32>
    %select_n3A_411 = arith.select %eq3A_410, %add3A_407, %select_n3A_343 : vector<16xi1>, vector<16xf32>
    %broadcast_in_dim3A_412 = arith.constant 0.000000e+00 : f32
    %broadcast_in_dim3A_413 = vector.broadcast %broadcast_in_dim3A_412 : f32 to vector<16xf32>
    %scan3A_414 = arith.constant 0 : i32
    %scan3A_415 = arith.constant 1024 : i32
    %scan3A_416 = arith.addi %scan3A_414, %scan3A_415 : i32
    %scan3A_417 = arith.constant 8 : i32
    %scan3A_418 = scf.for %scan3A_1103 = %scan3A_414 to %scan3A_416 step %scan3A_417 iter_args(%scan3A_1104 = %broadcast_in_dim3A_413) -> (vector<16xf32>)  : i32 {
      %mul3A_1105 = arith.constant 16 : i32
      %mul3A_1106 = arith.muli %scan3A_1103, %mul3A_1105 : i32
      %get3A = arith.constant 2 : i32
      %get3A_1107 = arith.index_cast %get3A : i32 to index
      %get3A_1108 = arith.index_cast %mul3A_1106 : i32 to index
      %get3A_1109 = tpu.vector_load %arg6[%get3A_1107, %get3A_1108] {strides = array<i32>} : memref<4x16384xf32, #tpu.memory_space<vmem>>, vector<1x16xf32>,
      %get3A_1110 = vector.shape_cast %get3A_1109 : vector<1x16xf32> to vector<16xf32>
      %get3A_1111 = arith.index_cast %mul3A_1106 : i32 to index
      %get3A_1112 = tpu.vector_load %arg5[%get3A_1111] {strides = array<i32>} : memref<16384xf32, #tpu.memory_space<vmem>>, vector<16xf32>,
      %get3A_1113 = vector.shape_cast %get3A_1112 : vector<16xf32> to vector<16xf32>
      %mul3A_1114 = arith.mulf %get3A_1110, %get3A_1113 : vector<16xf32>
      %add3A_1115 = arith.addf %scan3A_1104, %mul3A_1114 : vector<16xf32>
      %scan3A_1116 = arith.constant 1 : i32
      %scan3A_1117 = arith.addi %scan3A_1103, %scan3A_1116 : i32
      %mul3A_1118 = arith.constant 16 : i32
      %mul3A_1119 = arith.muli %scan3A_1117, %mul3A_1118 : i32
      %get3A_1120 = arith.constant 2 : i32
      %get3A_1121 = arith.index_cast %get3A_1120 : i32 to index
      %get3A_1122 = arith.index_cast %mul3A_1119 : i32 to index
      %get3A_1123 = tpu.vector_load %arg6[%get3A_1121, %get3A_1122] {strides = array<i32>} : memref<4x16384xf32, #tpu.memory_space<vmem>>, vector<1x16xf32>,
      %get3A_1124 = vector.shape_cast %get3A_1123 : vector<1x16xf32> to vector<16xf32>
      %get3A_1125 = arith.index_cast %mul3A_1119 : i32 to index
      %get3A_1126 = tpu.vector_load %arg5[%get3A_1125] {strides = array<i32>} : memref<16384xf32, #tpu.memory_space<vmem>>, vector<16xf32>,
      %get3A_1127 = vector.shape_cast %get3A_1126 : vector<16xf32> to vector<16xf32>
      %mul3A_1128 = arith.mulf %get3A_1124, %get3A_1127 : vector<16xf32>
      %add3A_1129 = arith.addf %add3A_1115, %mul3A_1128 : vector<16xf32>
      %scan3A_1130 = arith.constant 2 : i32
      %scan3A_1131 = arith.addi %scan3A_1103, %scan3A_1130 : i32
      %mul3A_1132 = arith.constant 16 : i32
      %mul3A_1133 = arith.muli %scan3A_1131, %mul3A_1132 : i32
      %get3A_1134 = arith.constant 2 : i32
      %get3A_1135 = arith.index_cast %get3A_1134 : i32 to index
      %get3A_1136 = arith.index_cast %mul3A_1133 : i32 to index
      %get3A_1137 = tpu.vector_load %arg6[%get3A_1135, %get3A_1136] {strides = array<i32>} : memref<4x16384xf32, #tpu.memory_space<vmem>>, vector<1x16xf32>,
      %get3A_1138 = vector.shape_cast %get3A_1137 : vector<1x16xf32> to vector<16xf32>
      %get3A_1139 = arith.index_cast %mul3A_1133 : i32 to index
      %get3A_1140 = tpu.vector_load %arg5[%get3A_1139] {strides = array<i32>} : memref<16384xf32, #tpu.memory_space<vmem>>, vector<16xf32>,
      %get3A_1141 = vector.shape_cast %get3A_1140 : vector<16xf32> to vector<16xf32>
      %mul3A_1142 = arith.mulf %get3A_1138, %get3A_1141 : vector<16xf32>
      %add3A_1143 = arith.addf %add3A_1129, %mul3A_1142 : vector<16xf32>
      %scan3A_1144 = arith.constant 3 : i32
      %scan3A_1145 = arith.addi %scan3A_1103, %scan3A_1144 : i32
      %mul3A_1146 = arith.constant 16 : i32
      %mul3A_1147 = arith.muli %scan3A_1145, %mul3A_1146 : i32
      %get3A_1148 = arith.constant 2 : i32
      %get3A_1149 = arith.index_cast %get3A_1148 : i32 to index
      %get3A_1150 = arith.index_cast %mul3A_1147 : i32 to index
      %get3A_1151 = tpu.vector_load %arg6[%get3A_1149, %get3A_1150] {strides = array<i32>} : memref<4x16384xf32, #tpu.memory_space<vmem>>, vector<1x16xf32>,
      %get3A_1152 = vector.shape_cast %get3A_1151 : vector<1x16xf32> to vector<16xf32>
      %get3A_1153 = arith.index_cast %mul3A_1147 : i32 to index
      %get3A_1154 = tpu.vector_load %arg5[%get3A_1153] {strides = array<i32>} : memref<16384xf32, #tpu.memory_space<vmem>>, vector<16xf32>,
      %get3A_1155 = vector.shape_cast %get3A_1154 : vector<16xf32> to vector<16xf32>
      %mul3A_1156 = arith.mulf %get3A_1152, %get3A_1155 : vector<16xf32>
      %add3A_1157 = arith.addf %add3A_1143, %mul3A_1156 : vector<16xf32>
      %scan3A_1158 = arith.constant 4 : i32
      %scan3A_1159 = arith.addi %scan3A_1103, %scan3A_1158 : i32
      %mul3A_1160 = arith.constant 16 : i32
      %mul3A_1161 = arith.muli %scan3A_1159, %mul3A_1160 : i32
      %get3A_1162 = arith.constant 2 : i32
      %get3A_1163 = arith.index_cast %get3A_1162 : i32 to index
      %get3A_1164 = arith.index_cast %mul3A_1161 : i32 to index
      %get3A_1165 = tpu.vector_load %arg6[%get3A_1163, %get3A_1164] {strides = array<i32>} : memref<4x16384xf32, #tpu.memory_space<vmem>>, vector<1x16xf32>,
      %get3A_1166 = vector.shape_cast %get3A_1165 : vector<1x16xf32> to vector<16xf32>
      %get3A_1167 = arith.index_cast %mul3A_1161 : i32 to index
      %get3A_1168 = tpu.vector_load %arg5[%get3A_1167] {strides = array<i32>} : memref<16384xf32, #tpu.memory_space<vmem>>, vector<16xf32>,
      %get3A_1169 = vector.shape_cast %get3A_1168 : vector<16xf32> to vector<16xf32>
      %mul3A_1170 = arith.mulf %get3A_1166, %get3A_1169 : vector<16xf32>
      %add3A_1171 = arith.addf %add3A_1157, %mul3A_1170 : vector<16xf32>
      %scan3A_1172 = arith.constant 5 : i32
      %scan3A_1173 = arith.addi %scan3A_1103, %scan3A_1172 : i32
      %mul3A_1174 = arith.constant 16 : i32
      %mul3A_1175 = arith.muli %scan3A_1173, %mul3A_1174 : i32
      %get3A_1176 = arith.constant 2 : i32
      %get3A_1177 = arith.index_cast %get3A_1176 : i32 to index
      %get3A_1178 = arith.index_cast %mul3A_1175 : i32 to index
      %get3A_1179 = tpu.vector_load %arg6[%get3A_1177, %get3A_1178] {strides = array<i32>} : memref<4x16384xf32, #tpu.memory_space<vmem>>, vector<1x16xf32>,
      %get3A_1180 = vector.shape_cast %get3A_1179 : vector<1x16xf32> to vector<16xf32>
      %get3A_1181 = arith.index_cast %mul3A_1175 : i32 to index
      %get3A_1182 = tpu.vector_load %arg5[%get3A_1181] {strides = array<i32>} : memref<16384xf32, #tpu.memory_space<vmem>>, vector<16xf32>,
      %get3A_1183 = vector.shape_cast %get3A_1182 : vector<16xf32> to vector<16xf32>
      %mul3A_1184 = arith.mulf %get3A_1180, %get3A_1183 : vector<16xf32>
      %add3A_1185 = arith.addf %add3A_1171, %mul3A_1184 : vector<16xf32>
      %scan3A_1186 = arith.constant 6 : i32
      %scan3A_1187 = arith.addi %scan3A_1103, %scan3A_1186 : i32
      %mul3A_1188 = arith.constant 16 : i32
      %mul3A_1189 = arith.muli %scan3A_1187, %mul3A_1188 : i32
      %get3A_1190 = arith.constant 2 : i32
      %get3A_1191 = arith.index_cast %get3A_1190 : i32 to index
      %get3A_1192 = arith.index_cast %mul3A_1189 : i32 to index
      %get3A_1193 = tpu.vector_load %arg6[%get3A_1191, %get3A_1192] {strides = array<i32>} : memref<4x16384xf32, #tpu.memory_space<vmem>>, vector<1x16xf32>,
      %get3A_1194 = vector.shape_cast %get3A_1193 : vector<1x16xf32> to vector<16xf32>
      %get3A_1195 = arith.index_cast %mul3A_1189 : i32 to index
      %get3A_1196 = tpu.vector_load %arg5[%get3A_1195] {strides = array<i32>} : memref<16384xf32, #tpu.memory_space<vmem>>, vector<16xf32>,
      %get3A_1197 = vector.shape_cast %get3A_1196 : vector<16xf32> to vector<16xf32>
      %mul3A_1198 = arith.mulf %get3A_1194, %get3A_1197 : vector<16xf32>
      %add3A_1199 = arith.addf %add3A_1185, %mul3A_1198 : vector<16xf32>
      %scan3A_1200 = arith.constant 7 : i32
      %scan3A_1201 = arith.addi %scan3A_1103, %scan3A_1200 : i32
      %mul3A_1202 = arith.constant 16 : i32
      %mul3A_1203 = arith.muli %scan3A_1201, %mul3A_1202 : i32
      %get3A_1204 = arith.constant 2 : i32
      %get3A_1205 = arith.index_cast %get3A_1204 : i32 to index
      %get3A_1206 = arith.index_cast %mul3A_1203 : i32 to index
      %get3A_1207 = tpu.vector_load %arg6[%get3A_1205, %get3A_1206] {strides = array<i32>} : memref<4x16384xf32, #tpu.memory_space<vmem>>, vector<1x16xf32>,
      %get3A_1208 = vector.shape_cast %get3A_1207 : vector<1x16xf32> to vector<16xf32>
      %get3A_1209 = arith.index_cast %mul3A_1203 : i32 to index
      %get3A_1210 = tpu.vector_load %arg5[%get3A_1209] {strides = array<i32>} : memref<16384xf32, #tpu.memory_space<vmem>>, vector<16xf32>,
      %get3A_1211 = vector.shape_cast %get3A_1210 : vector<16xf32> to vector<16xf32>
      %mul3A_1212 = arith.mulf %get3A_1208, %get3A_1211 : vector<16xf32>
      %add3A_1213 = arith.addf %add3A_1199, %mul3A_1212 : vector<16xf32>
      scf.yield %add3A_1213 : vector<16xf32>
    }
    %scan3A_419 = arith.constant 1024 : i32
    %xor3A_420 = arith.constant 1 : i32
    %xor3A_421 = vector.broadcast %xor3A_420 : i32 to vector<16xi32>
    %xor3A_422 = arith.xori %iota3A, %xor3A_421 : vector<16xi32>
    %lt3A_423 = arith.constant 0 : i32
    %lt3A_424 = vector.broadcast %lt3A_423 : i32 to vector<16xi32>
    %lt3A_425 = arith.cmpi slt, %xor3A_422, %lt3A_424 : vector<16xi32>
    %add3A_426 = arith.constant 16 : i32
    %add3A_427 = vector.broadcast %add3A_426 : i32 to vector<16xi32>
    %add3A_428 = arith.addi %xor3A_422, %add3A_427 : vector<16xi32>
    %select_n3A_429 = arith.select %lt3A_425, %add3A_428, %xor3A_422 : vector<16xi1>, vector<16xi32>
    %broadcast_in_dim3A_430 = vector.shape_cast %select_n3A_429 : vector<16xi32> to vector<16x1xi32>
    %gather3A_431 = vector.shape_cast %broadcast_in_dim3A_430 : vector<16x1xi32> to vector<16xi32>
    %gather3A_432 = tpu.dynamic_gather %scan3A_418[%gather3A_431] in [0] : vector<16xf32>, vector<16xi32> -> vector<16xf32>
    %add3A_433 = arith.addf %scan3A_418, %gather3A_432 : vector<16xf32>
    %xor3A_434 = arith.constant 2 : i32
    %xor3A_435 = vector.broadcast %xor3A_434 : i32 to vector<16xi32>
    %xor3A_436 = arith.xori %iota3A, %xor3A_435 : vector<16xi32>
    %lt3A_437 = arith.constant 0 : i32
    %lt3A_438 = vector.broadcast %lt3A_437 : i32 to vector<16xi32>
    %lt3A_439 = arith.cmpi slt, %xor3A_436, %lt3A_438 : vector<16xi32>
    %add3A_440 = arith.constant 16 : i32
    %add3A_441 = vector.broadcast %add3A_440 : i32 to vector<16xi32>
    %add3A_442 = arith.addi %xor3A_436, %add3A_441 : vector<16xi32>
    %select_n3A_443 = arith.select %lt3A_439, %add3A_442, %xor3A_436 : vector<16xi1>, vector<16xi32>
    %broadcast_in_dim3A_444 = vector.shape_cast %select_n3A_443 : vector<16xi32> to vector<16x1xi32>
    %gather3A_445 = vector.shape_cast %broadcast_in_dim3A_444 : vector<16x1xi32> to vector<16xi32>
    %gather3A_446 = tpu.dynamic_gather %add3A_433[%gather3A_445] in [0] : vector<16xf32>, vector<16xi32> -> vector<16xf32>
    %add3A_447 = arith.addf %add3A_433, %gather3A_446 : vector<16xf32>
    %xor3A_448 = arith.constant 4 : i32
    %xor3A_449 = vector.broadcast %xor3A_448 : i32 to vector<16xi32>
    %xor3A_450 = arith.xori %iota3A, %xor3A_449 : vector<16xi32>
    %lt3A_451 = arith.constant 0 : i32
    %lt3A_452 = vector.broadcast %lt3A_451 : i32 to vector<16xi32>
    %lt3A_453 = arith.cmpi slt, %xor3A_450, %lt3A_452 : vector<16xi32>
    %add3A_454 = arith.constant 16 : i32
    %add3A_455 = vector.broadcast %add3A_454 : i32 to vector<16xi32>
    %add3A_456 = arith.addi %xor3A_450, %add3A_455 : vector<16xi32>
    %select_n3A_457 = arith.select %lt3A_453, %add3A_456, %xor3A_450 : vector<16xi1>, vector<16xi32>
    %broadcast_in_dim3A_458 = vector.shape_cast %select_n3A_457 : vector<16xi32> to vector<16x1xi32>
    %gather3A_459 = vector.shape_cast %broadcast_in_dim3A_458 : vector<16x1xi32> to vector<16xi32>
    %gather3A_460 = tpu.dynamic_gather %add3A_447[%gather3A_459] in [0] : vector<16xf32>, vector<16xi32> -> vector<16xf32>
    %add3A_461 = arith.addf %add3A_447, %gather3A_460 : vector<16xf32>
    %xor3A_462 = arith.constant 8 : i32
    %xor3A_463 = vector.broadcast %xor3A_462 : i32 to vector<16xi32>
    %xor3A_464 = arith.xori %iota3A, %xor3A_463 : vector<16xi32>
    %lt3A_465 = arith.constant 0 : i32
    %lt3A_466 = vector.broadcast %lt3A_465 : i32 to vector<16xi32>
    %lt3A_467 = arith.cmpi slt, %xor3A_464, %lt3A_466 : vector<16xi32>
    %add3A_468 = arith.constant 16 : i32
    %add3A_469 = vector.broadcast %add3A_468 : i32 to vector<16xi32>
    %add3A_470 = arith.addi %xor3A_464, %add3A_469 : vector<16xi32>
    %select_n3A_471 = arith.select %lt3A_467, %add3A_470, %xor3A_464 : vector<16xi1>, vector<16xi32>
    %broadcast_in_dim3A_472 = vector.shape_cast %select_n3A_471 : vector<16xi32> to vector<16x1xi32>
    %gather3A_473 = vector.shape_cast %broadcast_in_dim3A_472 : vector<16x1xi32> to vector<16xi32>
    %gather3A_474 = tpu.dynamic_gather %add3A_461[%gather3A_473] in [0] : vector<16xf32>, vector<16xi32> -> vector<16xf32>
    %add3A_475 = arith.addf %add3A_461, %gather3A_474 : vector<16xf32>
    %eq3A_476 = arith.constant 6 : i32
    %eq3A_477 = vector.broadcast %eq3A_476 : i32 to vector<16xi32>
    %eq3A_478 = arith.cmpi eq, %iota3A, %eq3A_477 : vector<16xi32>
    %select_n3A_479 = arith.select %eq3A_478, %add3A_475, %select_n3A_411 : vector<16xi1>, vector<16xf32>
    %broadcast_in_dim3A_480 = arith.constant 0.000000e+00 : f32
    %broadcast_in_dim3A_481 = vector.broadcast %broadcast_in_dim3A_480 : f32 to vector<16xf32>
    %scan3A_482 = arith.constant 0 : i32
    %scan3A_483 = arith.constant 1024 : i32
    %scan3A_484 = arith.addi %scan3A_482, %scan3A_483 : i32
    %scan3A_485 = arith.constant 8 : i32
    %scan3A_486 = scf.for %scan3A_1103 = %scan3A_482 to %scan3A_484 step %scan3A_485 iter_args(%scan3A_1104 = %broadcast_in_dim3A_481) -> (vector<16xf32>)  : i32 {
      %mul3A_1105 = arith.constant 16 : i32
      %mul3A_1106 = arith.muli %scan3A_1103, %mul3A_1105 : i32
      %get3A = arith.constant 3 : i32
      %get3A_1107 = arith.index_cast %get3A : i32 to index
      %get3A_1108 = arith.index_cast %mul3A_1106 : i32 to index
      %get3A_1109 = tpu.vector_load %arg6[%get3A_1107, %get3A_1108] {strides = array<i32>} : memref<4x16384xf32, #tpu.memory_space<vmem>>, vector<1x16xf32>,
      %get3A_1110 = vector.shape_cast %get3A_1109 : vector<1x16xf32> to vector<16xf32>
      %get3A_1111 = arith.index_cast %mul3A_1106 : i32 to index
      %get3A_1112 = tpu.vector_load %arg5[%get3A_1111] {strides = array<i32>} : memref<16384xf32, #tpu.memory_space<vmem>>, vector<16xf32>,
      %get3A_1113 = vector.shape_cast %get3A_1112 : vector<16xf32> to vector<16xf32>
      %mul3A_1114 = arith.mulf %get3A_1110, %get3A_1113 : vector<16xf32>
      %add3A_1115 = arith.addf %scan3A_1104, %mul3A_1114 : vector<16xf32>
      %scan3A_1116 = arith.constant 1 : i32
      %scan3A_1117 = arith.addi %scan3A_1103, %scan3A_1116 : i32
      %mul3A_1118 = arith.constant 16 : i32
      %mul3A_1119 = arith.muli %scan3A_1117, %mul3A_1118 : i32
      %get3A_1120 = arith.constant 3 : i32
      %get3A_1121 = arith.index_cast %get3A_1120 : i32 to index
      %get3A_1122 = arith.index_cast %mul3A_1119 : i32 to index
      %get3A_1123 = tpu.vector_load %arg6[%get3A_1121, %get3A_1122] {strides = array<i32>} : memref<4x16384xf32, #tpu.memory_space<vmem>>, vector<1x16xf32>,
      %get3A_1124 = vector.shape_cast %get3A_1123 : vector<1x16xf32> to vector<16xf32>
      %get3A_1125 = arith.index_cast %mul3A_1119 : i32 to index
      %get3A_1126 = tpu.vector_load %arg5[%get3A_1125] {strides = array<i32>} : memref<16384xf32, #tpu.memory_space<vmem>>, vector<16xf32>,
      %get3A_1127 = vector.shape_cast %get3A_1126 : vector<16xf32> to vector<16xf32>
      %mul3A_1128 = arith.mulf %get3A_1124, %get3A_1127 : vector<16xf32>
      %add3A_1129 = arith.addf %add3A_1115, %mul3A_1128 : vector<16xf32>
      %scan3A_1130 = arith.constant 2 : i32
      %scan3A_1131 = arith.addi %scan3A_1103, %scan3A_1130 : i32
      %mul3A_1132 = arith.constant 16 : i32
      %mul3A_1133 = arith.muli %scan3A_1131, %mul3A_1132 : i32
      %get3A_1134 = arith.constant 3 : i32
      %get3A_1135 = arith.index_cast %get3A_1134 : i32 to index
      %get3A_1136 = arith.index_cast %mul3A_1133 : i32 to index
      %get3A_1137 = tpu.vector_load %arg6[%get3A_1135, %get3A_1136] {strides = array<i32>} : memref<4x16384xf32, #tpu.memory_space<vmem>>, vector<1x16xf32>,
      %get3A_1138 = vector.shape_cast %get3A_1137 : vector<1x16xf32> to vector<16xf32>
      %get3A_1139 = arith.index_cast %mul3A_1133 : i32 to index
      %get3A_1140 = tpu.vector_load %arg5[%get3A_1139] {strides = array<i32>} : memref<16384xf32, #tpu.memory_space<vmem>>, vector<16xf32>,
      %get3A_1141 = vector.shape_cast %get3A_1140 : vector<16xf32> to vector<16xf32>
      %mul3A_1142 = arith.mulf %get3A_1138, %get3A_1141 : vector<16xf32>
      %add3A_1143 = arith.addf %add3A_1129, %mul3A_1142 : vector<16xf32>
      %scan3A_1144 = arith.constant 3 : i32
      %scan3A_1145 = arith.addi %scan3A_1103, %scan3A_1144 : i32
      %mul3A_1146 = arith.constant 16 : i32
      %mul3A_1147 = arith.muli %scan3A_1145, %mul3A_1146 : i32
      %get3A_1148 = arith.constant 3 : i32
      %get3A_1149 = arith.index_cast %get3A_1148 : i32 to index
      %get3A_1150 = arith.index_cast %mul3A_1147 : i32 to index
      %get3A_1151 = tpu.vector_load %arg6[%get3A_1149, %get3A_1150] {strides = array<i32>} : memref<4x16384xf32, #tpu.memory_space<vmem>>, vector<1x16xf32>,
      %get3A_1152 = vector.shape_cast %get3A_1151 : vector<1x16xf32> to vector<16xf32>
      %get3A_1153 = arith.index_cast %mul3A_1147 : i32 to index
      %get3A_1154 = tpu.vector_load %arg5[%get3A_1153] {strides = array<i32>} : memref<16384xf32, #tpu.memory_space<vmem>>, vector<16xf32>,
      %get3A_1155 = vector.shape_cast %get3A_1154 : vector<16xf32> to vector<16xf32>
      %mul3A_1156 = arith.mulf %get3A_1152, %get3A_1155 : vector<16xf32>
      %add3A_1157 = arith.addf %add3A_1143, %mul3A_1156 : vector<16xf32>
      %scan3A_1158 = arith.constant 4 : i32
      %scan3A_1159 = arith.addi %scan3A_1103, %scan3A_1158 : i32
      %mul3A_1160 = arith.constant 16 : i32
      %mul3A_1161 = arith.muli %scan3A_1159, %mul3A_1160 : i32
      %get3A_1162 = arith.constant 3 : i32
      %get3A_1163 = arith.index_cast %get3A_1162 : i32 to index
      %get3A_1164 = arith.index_cast %mul3A_1161 : i32 to index
      %get3A_1165 = tpu.vector_load %arg6[%get3A_1163, %get3A_1164] {strides = array<i32>} : memref<4x16384xf32, #tpu.memory_space<vmem>>, vector<1x16xf32>,
      %get3A_1166 = vector.shape_cast %get3A_1165 : vector<1x16xf32> to vector<16xf32>
      %get3A_1167 = arith.index_cast %mul3A_1161 : i32 to index
      %get3A_1168 = tpu.vector_load %arg5[%get3A_1167] {strides = array<i32>} : memref<16384xf32, #tpu.memory_space<vmem>>, vector<16xf32>,
      %get3A_1169 = vector.shape_cast %get3A_1168 : vector<16xf32> to vector<16xf32>
      %mul3A_1170 = arith.mulf %get3A_1166, %get3A_1169 : vector<16xf32>
      %add3A_1171 = arith.addf %add3A_1157, %mul3A_1170 : vector<16xf32>
      %scan3A_1172 = arith.constant 5 : i32
      %scan3A_1173 = arith.addi %scan3A_1103, %scan3A_1172 : i32
      %mul3A_1174 = arith.constant 16 : i32
      %mul3A_1175 = arith.muli %scan3A_1173, %mul3A_1174 : i32
      %get3A_1176 = arith.constant 3 : i32
      %get3A_1177 = arith.index_cast %get3A_1176 : i32 to index
      %get3A_1178 = arith.index_cast %mul3A_1175 : i32 to index
      %get3A_1179 = tpu.vector_load %arg6[%get3A_1177, %get3A_1178] {strides = array<i32>} : memref<4x16384xf32, #tpu.memory_space<vmem>>, vector<1x16xf32>,
      %get3A_1180 = vector.shape_cast %get3A_1179 : vector<1x16xf32> to vector<16xf32>
      %get3A_1181 = arith.index_cast %mul3A_1175 : i32 to index
      %get3A_1182 = tpu.vector_load %arg5[%get3A_1181] {strides = array<i32>} : memref<16384xf32, #tpu.memory_space<vmem>>, vector<16xf32>,
      %get3A_1183 = vector.shape_cast %get3A_1182 : vector<16xf32> to vector<16xf32>
      %mul3A_1184 = arith.mulf %get3A_1180, %get3A_1183 : vector<16xf32>
      %add3A_1185 = arith.addf %add3A_1171, %mul3A_1184 : vector<16xf32>
      %scan3A_1186 = arith.constant 6 : i32
      %scan3A_1187 = arith.addi %scan3A_1103, %scan3A_1186 : i32
      %mul3A_1188 = arith.constant 16 : i32
      %mul3A_1189 = arith.muli %scan3A_1187, %mul3A_1188 : i32
      %get3A_1190 = arith.constant 3 : i32
      %get3A_1191 = arith.index_cast %get3A_1190 : i32 to index
      %get3A_1192 = arith.index_cast %mul3A_1189 : i32 to index
      %get3A_1193 = tpu.vector_load %arg6[%get3A_1191, %get3A_1192] {strides = array<i32>} : memref<4x16384xf32, #tpu.memory_space<vmem>>, vector<1x16xf32>,
      %get3A_1194 = vector.shape_cast %get3A_1193 : vector<1x16xf32> to vector<16xf32>
      %get3A_1195 = arith.index_cast %mul3A_1189 : i32 to index
      %get3A_1196 = tpu.vector_load %arg5[%get3A_1195] {strides = array<i32>} : memref<16384xf32, #tpu.memory_space<vmem>>, vector<16xf32>,
      %get3A_1197 = vector.shape_cast %get3A_1196 : vector<16xf32> to vector<16xf32>
      %mul3A_1198 = arith.mulf %get3A_1194, %get3A_1197 : vector<16xf32>
      %add3A_1199 = arith.addf %add3A_1185, %mul3A_1198 : vector<16xf32>
      %scan3A_1200 = arith.constant 7 : i32
      %scan3A_1201 = arith.addi %scan3A_1103, %scan3A_1200 : i32
      %mul3A_1202 = arith.constant 16 : i32
      %mul3A_1203 = arith.muli %scan3A_1201, %mul3A_1202 : i32
      %get3A_1204 = arith.constant 3 : i32
      %get3A_1205 = arith.index_cast %get3A_1204 : i32 to index
      %get3A_1206 = arith.index_cast %mul3A_1203 : i32 to index
      %get3A_1207 = tpu.vector_load %arg6[%get3A_1205, %get3A_1206] {strides = array<i32>} : memref<4x16384xf32, #tpu.memory_space<vmem>>, vector<1x16xf32>,
      %get3A_1208 = vector.shape_cast %get3A_1207 : vector<1x16xf32> to vector<16xf32>
      %get3A_1209 = arith.index_cast %mul3A_1203 : i32 to index
      %get3A_1210 = tpu.vector_load %arg5[%get3A_1209] {strides = array<i32>} : memref<16384xf32, #tpu.memory_space<vmem>>, vector<16xf32>,
      %get3A_1211 = vector.shape_cast %get3A_1210 : vector<16xf32> to vector<16xf32>
      %mul3A_1212 = arith.mulf %get3A_1208, %get3A_1211 : vector<16xf32>
      %add3A_1213 = arith.addf %add3A_1199, %mul3A_1212 : vector<16xf32>
      scf.yield %add3A_1213 : vector<16xf32>
    }
    %scan3A_487 = arith.constant 1024 : i32
    %xor3A_488 = arith.constant 1 : i32
    %xor3A_489 = vector.broadcast %xor3A_488 : i32 to vector<16xi32>
    %xor3A_490 = arith.xori %iota3A, %xor3A_489 : vector<16xi32>
    %lt3A_491 = arith.constant 0 : i32
    %lt3A_492 = vector.broadcast %lt3A_491 : i32 to vector<16xi32>
    %lt3A_493 = arith.cmpi slt, %xor3A_490, %lt3A_492 : vector<16xi32>
    %add3A_494 = arith.constant 16 : i32
    %add3A_495 = vector.broadcast %add3A_494 : i32 to vector<16xi32>
    %add3A_496 = arith.addi %xor3A_490, %add3A_495 : vector<16xi32>
    %select_n3A_497 = arith.select %lt3A_493, %add3A_496, %xor3A_490 : vector<16xi1>, vector<16xi32>
    %broadcast_in_dim3A_498 = vector.shape_cast %select_n3A_497 : vector<16xi32> to vector<16x1xi32>
    %gather3A_499 = vector.shape_cast %broadcast_in_dim3A_498 : vector<16x1xi32> to vector<16xi32>
    %gather3A_500 = tpu.dynamic_gather %scan3A_486[%gather3A_499] in [0] : vector<16xf32>, vector<16xi32> -> vector<16xf32>
    %add3A_501 = arith.addf %scan3A_486, %gather3A_500 : vector<16xf32>
    %xor3A_502 = arith.constant 2 : i32
    %xor3A_503 = vector.broadcast %xor3A_502 : i32 to vector<16xi32>
    %xor3A_504 = arith.xori %iota3A, %xor3A_503 : vector<16xi32>
    %lt3A_505 = arith.constant 0 : i32
    %lt3A_506 = vector.broadcast %lt3A_505 : i32 to vector<16xi32>
    %lt3A_507 = arith.cmpi slt, %xor3A_504, %lt3A_506 : vector<16xi32>
    %add3A_508 = arith.constant 16 : i32
    %add3A_509 = vector.broadcast %add3A_508 : i32 to vector<16xi32>
    %add3A_510 = arith.addi %xor3A_504, %add3A_509 : vector<16xi32>
    %select_n3A_511 = arith.select %lt3A_507, %add3A_510, %xor3A_504 : vector<16xi1>, vector<16xi32>
    %broadcast_in_dim3A_512 = vector.shape_cast %select_n3A_511 : vector<16xi32> to vector<16x1xi32>
    %gather3A_513 = vector.shape_cast %broadcast_in_dim3A_512 : vector<16x1xi32> to vector<16xi32>
    %gather3A_514 = tpu.dynamic_gather %add3A_501[%gather3A_513] in [0] : vector<16xf32>, vector<16xi32> -> vector<16xf32>
    %add3A_515 = arith.addf %add3A_501, %gather3A_514 : vector<16xf32>
    %xor3A_516 = arith.constant 4 : i32
    %xor3A_517 = vector.broadcast %xor3A_516 : i32 to vector<16xi32>
    %xor3A_518 = arith.xori %iota3A, %xor3A_517 : vector<16xi32>
    %lt3A_519 = arith.constant 0 : i32
    %lt3A_520 = vector.broadcast %lt3A_519 : i32 to vector<16xi32>
    %lt3A_521 = arith.cmpi slt, %xor3A_518, %lt3A_520 : vector<16xi32>
    %add3A_522 = arith.constant 16 : i32
    %add3A_523 = vector.broadcast %add3A_522 : i32 to vector<16xi32>
    %add3A_524 = arith.addi %xor3A_518, %add3A_523 : vector<16xi32>
    %select_n3A_525 = arith.select %lt3A_521, %add3A_524, %xor3A_518 : vector<16xi1>, vector<16xi32>
    %broadcast_in_dim3A_526 = vector.shape_cast %select_n3A_525 : vector<16xi32> to vector<16x1xi32>
    %gather3A_527 = vector.shape_cast %broadcast_in_dim3A_526 : vector<16x1xi32> to vector<16xi32>
    %gather3A_528 = tpu.dynamic_gather %add3A_515[%gather3A_527] in [0] : vector<16xf32>, vector<16xi32> -> vector<16xf32>
    %add3A_529 = arith.addf %add3A_515, %gather3A_528 : vector<16xf32>
    %xor3A_530 = arith.constant 8 : i32
    %xor3A_531 = vector.broadcast %xor3A_530 : i32 to vector<16xi32>
    %xor3A_532 = arith.xori %iota3A, %xor3A_531 : vector<16xi32>
    %lt3A_533 = arith.constant 0 : i32
    %lt3A_534 = vector.broadcast %lt3A_533 : i32 to vector<16xi32>
    %lt3A_535 = arith.cmpi slt, %xor3A_532, %lt3A_534 : vector<16xi32>
    %add3A_536 = arith.constant 16 : i32
    %add3A_537 = vector.broadcast %add3A_536 : i32 to vector<16xi32>
    %add3A_538 = arith.addi %xor3A_532, %add3A_537 : vector<16xi32>
    %select_n3A_539 = arith.select %lt3A_535, %add3A_538, %xor3A_532 : vector<16xi1>, vector<16xi32>
    %broadcast_in_dim3A_540 = vector.shape_cast %select_n3A_539 : vector<16xi32> to vector<16x1xi32>
    %gather3A_541 = vector.shape_cast %broadcast_in_dim3A_540 : vector<16x1xi32> to vector<16xi32>
    %gather3A_542 = tpu.dynamic_gather %add3A_529[%gather3A_541] in [0] : vector<16xf32>, vector<16xi32> -> vector<16xf32>
    %add3A_543 = arith.addf %add3A_529, %gather3A_542 : vector<16xf32>
    %eq3A_544 = arith.constant 7 : i32
    %eq3A_545 = vector.broadcast %eq3A_544 : i32 to vector<16xi32>
    %eq3A_546 = arith.cmpi eq, %iota3A, %eq3A_545 : vector<16xi32>
    %select_n3A_547 = arith.select %eq3A_546, %add3A_543, %select_n3A_479 : vector<16xi1>, vector<16xf32>
    %add3A_548 = arith.constant 8 : i32
    %add3A_549 = arith.addi %add3A_4, %add3A_548 : i32
    "tpu.region"() ({
      %run_scoped3A = tpu.sem_alloc : memref<!tpu.dma_semaphore, #tpu.memory_space<semaphore_mem>>
      %dma_start3A = arith.constant 0 : i32
      %dma_start3A_1103 = tpu.memref_slice %arg2[%add3A_549, %dma_start3A] : memref<4096x16384xf32, #tpu.memory_space<hbm>> -> memref<4x16384xf32, #tpu.memory_space<hbm>>
      %dma_start3A_1104 = arith.constant 0 : i32
      %dma_start3A_1105 = tpu.memref_slice %arg2[%add3A_549, %dma_start3A_1104] : memref<4096x16384xf32, #tpu.memory_space<hbm>> -> memref<4x16384xf32, #tpu.memory_space<hbm>>
      tpu.enqueue_dma source(%dma_start3A_1105 : memref<4x16384xf32, #tpu.memory_space<hbm>>) target(%arg6 : memref<4x16384xf32, #tpu.memory_space<vmem>>) target_semaphore(%run_scoped3A : memref<!tpu.dma_semaphore, #tpu.memory_space<semaphore_mem>>)
      %dma_wait3A = arith.constant 0 : i32
      %dma_wait3A_1106 = tpu.memref_slice %arg2[%add3A_549, %dma_wait3A] : memref<4096x16384xf32, #tpu.memory_space<hbm>> -> memref<4x16384xf32, #tpu.memory_space<hbm>>
      %dma_wait3A_1107 = arith.constant 0 : i32
      %dma_wait3A_1108 = tpu.memref_slice %arg2[%add3A_549, %dma_wait3A_1107] : memref<4096x16384xf32, #tpu.memory_space<hbm>> -> memref<4x16384xf32, #tpu.memory_space<hbm>>
      tpu.wait_dma2 semaphore(%run_scoped3A : memref<!tpu.dma_semaphore, #tpu.memory_space<semaphore_mem>>) src(%dma_wait3A_1108 : memref<4x16384xf32, #tpu.memory_space<hbm>>) dst(%arg6 : memref<4x16384xf32, #tpu.memory_space<vmem>>)
      tpu.yield
    }) : () -> ()
    %broadcast_in_dim3A_550 = arith.constant 0.000000e+00 : f32
    %broadcast_in_dim3A_551 = vector.broadcast %broadcast_in_dim3A_550 : f32 to vector<16xf32>
    %scan3A_552 = arith.constant 0 : i32
    %scan3A_553 = arith.constant 1024 : i32
    %scan3A_554 = arith.addi %scan3A_552, %scan3A_553 : i32
    %scan3A_555 = arith.constant 8 : i32
    %scan3A_556 = scf.for %scan3A_1103 = %scan3A_552 to %scan3A_554 step %scan3A_555 iter_args(%scan3A_1104 = %broadcast_in_dim3A_551) -> (vector<16xf32>)  : i32 {
      %mul3A_1105 = arith.constant 16 : i32
      %mul3A_1106 = arith.muli %scan3A_1103, %mul3A_1105 : i32
      %get3A = arith.constant 0 : i32
      %get3A_1107 = arith.index_cast %get3A : i32 to index
      %get3A_1108 = arith.index_cast %mul3A_1106 : i32 to index
      %get3A_1109 = tpu.vector_load %arg6[%get3A_1107, %get3A_1108] {strides = array<i32>} : memref<4x16384xf32, #tpu.memory_space<vmem>>, vector<1x16xf32>,
      %get3A_1110 = vector.shape_cast %get3A_1109 : vector<1x16xf32> to vector<16xf32>
      %get3A_1111 = arith.index_cast %mul3A_1106 : i32 to index
      %get3A_1112 = tpu.vector_load %arg5[%get3A_1111] {strides = array<i32>} : memref<16384xf32, #tpu.memory_space<vmem>>, vector<16xf32>,
      %get3A_1113 = vector.shape_cast %get3A_1112 : vector<16xf32> to vector<16xf32>
      %mul3A_1114 = arith.mulf %get3A_1110, %get3A_1113 : vector<16xf32>
      %add3A_1115 = arith.addf %scan3A_1104, %mul3A_1114 : vector<16xf32>
      %scan3A_1116 = arith.constant 1 : i32
      %scan3A_1117 = arith.addi %scan3A_1103, %scan3A_1116 : i32
      %mul3A_1118 = arith.constant 16 : i32
      %mul3A_1119 = arith.muli %scan3A_1117, %mul3A_1118 : i32
      %get3A_1120 = arith.constant 0 : i32
      %get3A_1121 = arith.index_cast %get3A_1120 : i32 to index
      %get3A_1122 = arith.index_cast %mul3A_1119 : i32 to index
      %get3A_1123 = tpu.vector_load %arg6[%get3A_1121, %get3A_1122] {strides = array<i32>} : memref<4x16384xf32, #tpu.memory_space<vmem>>, vector<1x16xf32>,
      %get3A_1124 = vector.shape_cast %get3A_1123 : vector<1x16xf32> to vector<16xf32>
      %get3A_1125 = arith.index_cast %mul3A_1119 : i32 to index
      %get3A_1126 = tpu.vector_load %arg5[%get3A_1125] {strides = array<i32>} : memref<16384xf32, #tpu.memory_space<vmem>>, vector<16xf32>,
      %get3A_1127 = vector.shape_cast %get3A_1126 : vector<16xf32> to vector<16xf32>
      %mul3A_1128 = arith.mulf %get3A_1124, %get3A_1127 : vector<16xf32>
      %add3A_1129 = arith.addf %add3A_1115, %mul3A_1128 : vector<16xf32>
      %scan3A_1130 = arith.constant 2 : i32
      %scan3A_1131 = arith.addi %scan3A_1103, %scan3A_1130 : i32
      %mul3A_1132 = arith.constant 16 : i32
      %mul3A_1133 = arith.muli %scan3A_1131, %mul3A_1132 : i32
      %get3A_1134 = arith.constant 0 : i32
      %get3A_1135 = arith.index_cast %get3A_1134 : i32 to index
      %get3A_1136 = arith.index_cast %mul3A_1133 : i32 to index
      %get3A_1137 = tpu.vector_load %arg6[%get3A_1135, %get3A_1136] {strides = array<i32>} : memref<4x16384xf32, #tpu.memory_space<vmem>>, vector<1x16xf32>,
      %get3A_1138 = vector.shape_cast %get3A_1137 : vector<1x16xf32> to vector<16xf32>
      %get3A_1139 = arith.index_cast %mul3A_1133 : i32 to index
      %get3A_1140 = tpu.vector_load %arg5[%get3A_1139] {strides = array<i32>} : memref<16384xf32, #tpu.memory_space<vmem>>, vector<16xf32>,
      %get3A_1141 = vector.shape_cast %get3A_1140 : vector<16xf32> to vector<16xf32>
      %mul3A_1142 = arith.mulf %get3A_1138, %get3A_1141 : vector<16xf32>
      %add3A_1143 = arith.addf %add3A_1129, %mul3A_1142 : vector<16xf32>
      %scan3A_1144 = arith.constant 3 : i32
      %scan3A_1145 = arith.addi %scan3A_1103, %scan3A_1144 : i32
      %mul3A_1146 = arith.constant 16 : i32
      %mul3A_1147 = arith.muli %scan3A_1145, %mul3A_1146 : i32
      %get3A_1148 = arith.constant 0 : i32
      %get3A_1149 = arith.index_cast %get3A_1148 : i32 to index
      %get3A_1150 = arith.index_cast %mul3A_1147 : i32 to index
      %get3A_1151 = tpu.vector_load %arg6[%get3A_1149, %get3A_1150] {strides = array<i32>} : memref<4x16384xf32, #tpu.memory_space<vmem>>, vector<1x16xf32>,
      %get3A_1152 = vector.shape_cast %get3A_1151 : vector<1x16xf32> to vector<16xf32>
      %get3A_1153 = arith.index_cast %mul3A_1147 : i32 to index
      %get3A_1154 = tpu.vector_load %arg5[%get3A_1153] {strides = array<i32>} : memref<16384xf32, #tpu.memory_space<vmem>>, vector<16xf32>,
      %get3A_1155 = vector.shape_cast %get3A_1154 : vector<16xf32> to vector<16xf32>
      %mul3A_1156 = arith.mulf %get3A_1152, %get3A_1155 : vector<16xf32>
      %add3A_1157 = arith.addf %add3A_1143, %mul3A_1156 : vector<16xf32>
      %scan3A_1158 = arith.constant 4 : i32
      %scan3A_1159 = arith.addi %scan3A_1103, %scan3A_1158 : i32
      %mul3A_1160 = arith.constant 16 : i32
      %mul3A_1161 = arith.muli %scan3A_1159, %mul3A_1160 : i32
      %get3A_1162 = arith.constant 0 : i32
      %get3A_1163 = arith.index_cast %get3A_1162 : i32 to index
      %get3A_1164 = arith.index_cast %mul3A_1161 : i32 to index
      %get3A_1165 = tpu.vector_load %arg6[%get3A_1163, %get3A_1164] {strides = array<i32>} : memref<4x16384xf32, #tpu.memory_space<vmem>>, vector<1x16xf32>,
      %get3A_1166 = vector.shape_cast %get3A_1165 : vector<1x16xf32> to vector<16xf32>
      %get3A_1167 = arith.index_cast %mul3A_1161 : i32 to index
      %get3A_1168 = tpu.vector_load %arg5[%get3A_1167] {strides = array<i32>} : memref<16384xf32, #tpu.memory_space<vmem>>, vector<16xf32>,
      %get3A_1169 = vector.shape_cast %get3A_1168 : vector<16xf32> to vector<16xf32>
      %mul3A_1170 = arith.mulf %get3A_1166, %get3A_1169 : vector<16xf32>
      %add3A_1171 = arith.addf %add3A_1157, %mul3A_1170 : vector<16xf32>
      %scan3A_1172 = arith.constant 5 : i32
      %scan3A_1173 = arith.addi %scan3A_1103, %scan3A_1172 : i32
      %mul3A_1174 = arith.constant 16 : i32
      %mul3A_1175 = arith.muli %scan3A_1173, %mul3A_1174 : i32
      %get3A_1176 = arith.constant 0 : i32
      %get3A_1177 = arith.index_cast %get3A_1176 : i32 to index
      %get3A_1178 = arith.index_cast %mul3A_1175 : i32 to index
      %get3A_1179 = tpu.vector_load %arg6[%get3A_1177, %get3A_1178] {strides = array<i32>} : memref<4x16384xf32, #tpu.memory_space<vmem>>, vector<1x16xf32>,
      %get3A_1180 = vector.shape_cast %get3A_1179 : vector<1x16xf32> to vector<16xf32>
      %get3A_1181 = arith.index_cast %mul3A_1175 : i32 to index
      %get3A_1182 = tpu.vector_load %arg5[%get3A_1181] {strides = array<i32>} : memref<16384xf32, #tpu.memory_space<vmem>>, vector<16xf32>,
      %get3A_1183 = vector.shape_cast %get3A_1182 : vector<16xf32> to vector<16xf32>
      %mul3A_1184 = arith.mulf %get3A_1180, %get3A_1183 : vector<16xf32>
      %add3A_1185 = arith.addf %add3A_1171, %mul3A_1184 : vector<16xf32>
      %scan3A_1186 = arith.constant 6 : i32
      %scan3A_1187 = arith.addi %scan3A_1103, %scan3A_1186 : i32
      %mul3A_1188 = arith.constant 16 : i32
      %mul3A_1189 = arith.muli %scan3A_1187, %mul3A_1188 : i32
      %get3A_1190 = arith.constant 0 : i32
      %get3A_1191 = arith.index_cast %get3A_1190 : i32 to index
      %get3A_1192 = arith.index_cast %mul3A_1189 : i32 to index
      %get3A_1193 = tpu.vector_load %arg6[%get3A_1191, %get3A_1192] {strides = array<i32>} : memref<4x16384xf32, #tpu.memory_space<vmem>>, vector<1x16xf32>,
      %get3A_1194 = vector.shape_cast %get3A_1193 : vector<1x16xf32> to vector<16xf32>
      %get3A_1195 = arith.index_cast %mul3A_1189 : i32 to index
      %get3A_1196 = tpu.vector_load %arg5[%get3A_1195] {strides = array<i32>} : memref<16384xf32, #tpu.memory_space<vmem>>, vector<16xf32>,
      %get3A_1197 = vector.shape_cast %get3A_1196 : vector<16xf32> to vector<16xf32>
      %mul3A_1198 = arith.mulf %get3A_1194, %get3A_1197 : vector<16xf32>
      %add3A_1199 = arith.addf %add3A_1185, %mul3A_1198 : vector<16xf32>
      %scan3A_1200 = arith.constant 7 : i32
      %scan3A_1201 = arith.addi %scan3A_1103, %scan3A_1200 : i32
      %mul3A_1202 = arith.constant 16 : i32
      %mul3A_1203 = arith.muli %scan3A_1201, %mul3A_1202 : i32
      %get3A_1204 = arith.constant 0 : i32
      %get3A_1205 = arith.index_cast %get3A_1204 : i32 to index
      %get3A_1206 = arith.index_cast %mul3A_1203 : i32 to index
      %get3A_1207 = tpu.vector_load %arg6[%get3A_1205, %get3A_1206] {strides = array<i32>} : memref<4x16384xf32, #tpu.memory_space<vmem>>, vector<1x16xf32>,
      %get3A_1208 = vector.shape_cast %get3A_1207 : vector<1x16xf32> to vector<16xf32>
      %get3A_1209 = arith.index_cast %mul3A_1203 : i32 to index
      %get3A_1210 = tpu.vector_load %arg5[%get3A_1209] {strides = array<i32>} : memref<16384xf32, #tpu.memory_space<vmem>>, vector<16xf32>,
      %get3A_1211 = vector.shape_cast %get3A_1210 : vector<16xf32> to vector<16xf32>
      %mul3A_1212 = arith.mulf %get3A_1208, %get3A_1211 : vector<16xf32>
      %add3A_1213 = arith.addf %add3A_1199, %mul3A_1212 : vector<16xf32>
      scf.yield %add3A_1213 : vector<16xf32>
    }
    %scan3A_557 = arith.constant 1024 : i32
    %xor3A_558 = arith.constant 1 : i32
    %xor3A_559 = vector.broadcast %xor3A_558 : i32 to vector<16xi32>
    %xor3A_560 = arith.xori %iota3A, %xor3A_559 : vector<16xi32>
    %lt3A_561 = arith.constant 0 : i32
    %lt3A_562 = vector.broadcast %lt3A_561 : i32 to vector<16xi32>
    %lt3A_563 = arith.cmpi slt, %xor3A_560, %lt3A_562 : vector<16xi32>
    %add3A_564 = arith.constant 16 : i32
    %add3A_565 = vector.broadcast %add3A_564 : i32 to vector<16xi32>
    %add3A_566 = arith.addi %xor3A_560, %add3A_565 : vector<16xi32>
    %select_n3A_567 = arith.select %lt3A_563, %add3A_566, %xor3A_560 : vector<16xi1>, vector<16xi32>
    %broadcast_in_dim3A_568 = vector.shape_cast %select_n3A_567 : vector<16xi32> to vector<16x1xi32>
    %gather3A_569 = vector.shape_cast %broadcast_in_dim3A_568 : vector<16x1xi32> to vector<16xi32>
    %gather3A_570 = tpu.dynamic_gather %scan3A_556[%gather3A_569] in [0] : vector<16xf32>, vector<16xi32> -> vector<16xf32>
    %add3A_571 = arith.addf %scan3A_556, %gather3A_570 : vector<16xf32>
    %xor3A_572 = arith.constant 2 : i32
    %xor3A_573 = vector.broadcast %xor3A_572 : i32 to vector<16xi32>
    %xor3A_574 = arith.xori %iota3A, %xor3A_573 : vector<16xi32>
    %lt3A_575 = arith.constant 0 : i32
    %lt3A_576 = vector.broadcast %lt3A_575 : i32 to vector<16xi32>
    %lt3A_577 = arith.cmpi slt, %xor3A_574, %lt3A_576 : vector<16xi32>
    %add3A_578 = arith.constant 16 : i32
    %add3A_579 = vector.broadcast %add3A_578 : i32 to vector<16xi32>
    %add3A_580 = arith.addi %xor3A_574, %add3A_579 : vector<16xi32>
    %select_n3A_581 = arith.select %lt3A_577, %add3A_580, %xor3A_574 : vector<16xi1>, vector<16xi32>
    %broadcast_in_dim3A_582 = vector.shape_cast %select_n3A_581 : vector<16xi32> to vector<16x1xi32>
    %gather3A_583 = vector.shape_cast %broadcast_in_dim3A_582 : vector<16x1xi32> to vector<16xi32>
    %gather3A_584 = tpu.dynamic_gather %add3A_571[%gather3A_583] in [0] : vector<16xf32>, vector<16xi32> -> vector<16xf32>
    %add3A_585 = arith.addf %add3A_571, %gather3A_584 : vector<16xf32>
    %xor3A_586 = arith.constant 4 : i32
    %xor3A_587 = vector.broadcast %xor3A_586 : i32 to vector<16xi32>
    %xor3A_588 = arith.xori %iota3A, %xor3A_587 : vector<16xi32>
    %lt3A_589 = arith.constant 0 : i32
    %lt3A_590 = vector.broadcast %lt3A_589 : i32 to vector<16xi32>
    %lt3A_591 = arith.cmpi slt, %xor3A_588, %lt3A_590 : vector<16xi32>
    %add3A_592 = arith.constant 16 : i32
    %add3A_593 = vector.broadcast %add3A_592 : i32 to vector<16xi32>
    %add3A_594 = arith.addi %xor3A_588, %add3A_593 : vector<16xi32>
    %select_n3A_595 = arith.select %lt3A_591, %add3A_594, %xor3A_588 : vector<16xi1>, vector<16xi32>
    %broadcast_in_dim3A_596 = vector.shape_cast %select_n3A_595 : vector<16xi32> to vector<16x1xi32>
    %gather3A_597 = vector.shape_cast %broadcast_in_dim3A_596 : vector<16x1xi32> to vector<16xi32>
    %gather3A_598 = tpu.dynamic_gather %add3A_585[%gather3A_597] in [0] : vector<16xf32>, vector<16xi32> -> vector<16xf32>
    %add3A_599 = arith.addf %add3A_585, %gather3A_598 : vector<16xf32>
    %xor3A_600 = arith.constant 8 : i32
    %xor3A_601 = vector.broadcast %xor3A_600 : i32 to vector<16xi32>
    %xor3A_602 = arith.xori %iota3A, %xor3A_601 : vector<16xi32>
    %lt3A_603 = arith.constant 0 : i32
    %lt3A_604 = vector.broadcast %lt3A_603 : i32 to vector<16xi32>
    %lt3A_605 = arith.cmpi slt, %xor3A_602, %lt3A_604 : vector<16xi32>
    %add3A_606 = arith.constant 16 : i32
    %add3A_607 = vector.broadcast %add3A_606 : i32 to vector<16xi32>
    %add3A_608 = arith.addi %xor3A_602, %add3A_607 : vector<16xi32>
    %select_n3A_609 = arith.select %lt3A_605, %add3A_608, %xor3A_602 : vector<16xi1>, vector<16xi32>
    %broadcast_in_dim3A_610 = vector.shape_cast %select_n3A_609 : vector<16xi32> to vector<16x1xi32>
    %gather3A_611 = vector.shape_cast %broadcast_in_dim3A_610 : vector<16x1xi32> to vector<16xi32>
    %gather3A_612 = tpu.dynamic_gather %add3A_599[%gather3A_611] in [0] : vector<16xf32>, vector<16xi32> -> vector<16xf32>
    %add3A_613 = arith.addf %add3A_599, %gather3A_612 : vector<16xf32>
    %eq3A_614 = arith.constant 8 : i32
    %eq3A_615 = vector.broadcast %eq3A_614 : i32 to vector<16xi32>
    %eq3A_616 = arith.cmpi eq, %iota3A, %eq3A_615 : vector<16xi32>
    %select_n3A_617 = arith.select %eq3A_616, %add3A_613, %select_n3A_547 : vector<16xi1>, vector<16xf32>
    %broadcast_in_dim3A_618 = arith.constant 0.000000e+00 : f32
    %broadcast_in_dim3A_619 = vector.broadcast %broadcast_in_dim3A_618 : f32 to vector<16xf32>
    %scan3A_620 = arith.constant 0 : i32
    %scan3A_621 = arith.constant 1024 : i32
    %scan3A_622 = arith.addi %scan3A_620, %scan3A_621 : i32
    %scan3A_623 = arith.constant 8 : i32
    %scan3A_624 = scf.for %scan3A_1103 = %scan3A_620 to %scan3A_622 step %scan3A_623 iter_args(%scan3A_1104 = %broadcast_in_dim3A_619) -> (vector<16xf32>)  : i32 {
      %mul3A_1105 = arith.constant 16 : i32
      %mul3A_1106 = arith.muli %scan3A_1103, %mul3A_1105 : i32
      %get3A = arith.constant 1 : i32
      %get3A_1107 = arith.index_cast %get3A : i32 to index
      %get3A_1108 = arith.index_cast %mul3A_1106 : i32 to index
      %get3A_1109 = tpu.vector_load %arg6[%get3A_1107, %get3A_1108] {strides = array<i32>} : memref<4x16384xf32, #tpu.memory_space<vmem>>, vector<1x16xf32>,
      %get3A_1110 = vector.shape_cast %get3A_1109 : vector<1x16xf32> to vector<16xf32>
      %get3A_1111 = arith.index_cast %mul3A_1106 : i32 to index
      %get3A_1112 = tpu.vector_load %arg5[%get3A_1111] {strides = array<i32>} : memref<16384xf32, #tpu.memory_space<vmem>>, vector<16xf32>,
      %get3A_1113 = vector.shape_cast %get3A_1112 : vector<16xf32> to vector<16xf32>
      %mul3A_1114 = arith.mulf %get3A_1110, %get3A_1113 : vector<16xf32>
      %add3A_1115 = arith.addf %scan3A_1104, %mul3A_1114 : vector<16xf32>
      %scan3A_1116 = arith.constant 1 : i32
      %scan3A_1117 = arith.addi %scan3A_1103, %scan3A_1116 : i32
      %mul3A_1118 = arith.constant 16 : i32
      %mul3A_1119 = arith.muli %scan3A_1117, %mul3A_1118 : i32
      %get3A_1120 = arith.constant 1 : i32
      %get3A_1121 = arith.index_cast %get3A_1120 : i32 to index
      %get3A_1122 = arith.index_cast %mul3A_1119 : i32 to index
      %get3A_1123 = tpu.vector_load %arg6[%get3A_1121, %get3A_1122] {strides = array<i32>} : memref<4x16384xf32, #tpu.memory_space<vmem>>, vector<1x16xf32>,
      %get3A_1124 = vector.shape_cast %get3A_1123 : vector<1x16xf32> to vector<16xf32>
      %get3A_1125 = arith.index_cast %mul3A_1119 : i32 to index
      %get3A_1126 = tpu.vector_load %arg5[%get3A_1125] {strides = array<i32>} : memref<16384xf32, #tpu.memory_space<vmem>>, vector<16xf32>,
      %get3A_1127 = vector.shape_cast %get3A_1126 : vector<16xf32> to vector<16xf32>
      %mul3A_1128 = arith.mulf %get3A_1124, %get3A_1127 : vector<16xf32>
      %add3A_1129 = arith.addf %add3A_1115, %mul3A_1128 : vector<16xf32>
      %scan3A_1130 = arith.constant 2 : i32
      %scan3A_1131 = arith.addi %scan3A_1103, %scan3A_1130 : i32
      %mul3A_1132 = arith.constant 16 : i32
      %mul3A_1133 = arith.muli %scan3A_1131, %mul3A_1132 : i32
      %get3A_1134 = arith.constant 1 : i32
      %get3A_1135 = arith.index_cast %get3A_1134 : i32 to index
      %get3A_1136 = arith.index_cast %mul3A_1133 : i32 to index
      %get3A_1137 = tpu.vector_load %arg6[%get3A_1135, %get3A_1136] {strides = array<i32>} : memref<4x16384xf32, #tpu.memory_space<vmem>>, vector<1x16xf32>,
      %get3A_1138 = vector.shape_cast %get3A_1137 : vector<1x16xf32> to vector<16xf32>
      %get3A_1139 = arith.index_cast %mul3A_1133 : i32 to index
      %get3A_1140 = tpu.vector_load %arg5[%get3A_1139] {strides = array<i32>} : memref<16384xf32, #tpu.memory_space<vmem>>, vector<16xf32>,
      %get3A_1141 = vector.shape_cast %get3A_1140 : vector<16xf32> to vector<16xf32>
      %mul3A_1142 = arith.mulf %get3A_1138, %get3A_1141 : vector<16xf32>
      %add3A_1143 = arith.addf %add3A_1129, %mul3A_1142 : vector<16xf32>
      %scan3A_1144 = arith.constant 3 : i32
      %scan3A_1145 = arith.addi %scan3A_1103, %scan3A_1144 : i32
      %mul3A_1146 = arith.constant 16 : i32
      %mul3A_1147 = arith.muli %scan3A_1145, %mul3A_1146 : i32
      %get3A_1148 = arith.constant 1 : i32
      %get3A_1149 = arith.index_cast %get3A_1148 : i32 to index
      %get3A_1150 = arith.index_cast %mul3A_1147 : i32 to index
      %get3A_1151 = tpu.vector_load %arg6[%get3A_1149, %get3A_1150] {strides = array<i32>} : memref<4x16384xf32, #tpu.memory_space<vmem>>, vector<1x16xf32>,
      %get3A_1152 = vector.shape_cast %get3A_1151 : vector<1x16xf32> to vector<16xf32>
      %get3A_1153 = arith.index_cast %mul3A_1147 : i32 to index
      %get3A_1154 = tpu.vector_load %arg5[%get3A_1153] {strides = array<i32>} : memref<16384xf32, #tpu.memory_space<vmem>>, vector<16xf32>,
      %get3A_1155 = vector.shape_cast %get3A_1154 : vector<16xf32> to vector<16xf32>
      %mul3A_1156 = arith.mulf %get3A_1152, %get3A_1155 : vector<16xf32>
      %add3A_1157 = arith.addf %add3A_1143, %mul3A_1156 : vector<16xf32>
      %scan3A_1158 = arith.constant 4 : i32
      %scan3A_1159 = arith.addi %scan3A_1103, %scan3A_1158 : i32
      %mul3A_1160 = arith.constant 16 : i32
      %mul3A_1161 = arith.muli %scan3A_1159, %mul3A_1160 : i32
      %get3A_1162 = arith.constant 1 : i32
      %get3A_1163 = arith.index_cast %get3A_1162 : i32 to index
      %get3A_1164 = arith.index_cast %mul3A_1161 : i32 to index
      %get3A_1165 = tpu.vector_load %arg6[%get3A_1163, %get3A_1164] {strides = array<i32>} : memref<4x16384xf32, #tpu.memory_space<vmem>>, vector<1x16xf32>,
      %get3A_1166 = vector.shape_cast %get3A_1165 : vector<1x16xf32> to vector<16xf32>
      %get3A_1167 = arith.index_cast %mul3A_1161 : i32 to index
      %get3A_1168 = tpu.vector_load %arg5[%get3A_1167] {strides = array<i32>} : memref<16384xf32, #tpu.memory_space<vmem>>, vector<16xf32>,
      %get3A_1169 = vector.shape_cast %get3A_1168 : vector<16xf32> to vector<16xf32>
      %mul3A_1170 = arith.mulf %get3A_1166, %get3A_1169 : vector<16xf32>
      %add3A_1171 = arith.addf %add3A_1157, %mul3A_1170 : vector<16xf32>
      %scan3A_1172 = arith.constant 5 : i32
      %scan3A_1173 = arith.addi %scan3A_1103, %scan3A_1172 : i32
      %mul3A_1174 = arith.constant 16 : i32
      %mul3A_1175 = arith.muli %scan3A_1173, %mul3A_1174 : i32
      %get3A_1176 = arith.constant 1 : i32
      %get3A_1177 = arith.index_cast %get3A_1176 : i32 to index
      %get3A_1178 = arith.index_cast %mul3A_1175 : i32 to index
      %get3A_1179 = tpu.vector_load %arg6[%get3A_1177, %get3A_1178] {strides = array<i32>} : memref<4x16384xf32, #tpu.memory_space<vmem>>, vector<1x16xf32>,
      %get3A_1180 = vector.shape_cast %get3A_1179 : vector<1x16xf32> to vector<16xf32>
      %get3A_1181 = arith.index_cast %mul3A_1175 : i32 to index
      %get3A_1182 = tpu.vector_load %arg5[%get3A_1181] {strides = array<i32>} : memref<16384xf32, #tpu.memory_space<vmem>>, vector<16xf32>,
      %get3A_1183 = vector.shape_cast %get3A_1182 : vector<16xf32> to vector<16xf32>
      %mul3A_1184 = arith.mulf %get3A_1180, %get3A_1183 : vector<16xf32>
      %add3A_1185 = arith.addf %add3A_1171, %mul3A_1184 : vector<16xf32>
      %scan3A_1186 = arith.constant 6 : i32
      %scan3A_1187 = arith.addi %scan3A_1103, %scan3A_1186 : i32
      %mul3A_1188 = arith.constant 16 : i32
      %mul3A_1189 = arith.muli %scan3A_1187, %mul3A_1188 : i32
      %get3A_1190 = arith.constant 1 : i32
      %get3A_1191 = arith.index_cast %get3A_1190 : i32 to index
      %get3A_1192 = arith.index_cast %mul3A_1189 : i32 to index
      %get3A_1193 = tpu.vector_load %arg6[%get3A_1191, %get3A_1192] {strides = array<i32>} : memref<4x16384xf32, #tpu.memory_space<vmem>>, vector<1x16xf32>,
      %get3A_1194 = vector.shape_cast %get3A_1193 : vector<1x16xf32> to vector<16xf32>
      %get3A_1195 = arith.index_cast %mul3A_1189 : i32 to index
      %get3A_1196 = tpu.vector_load %arg5[%get3A_1195] {strides = array<i32>} : memref<16384xf32, #tpu.memory_space<vmem>>, vector<16xf32>,
      %get3A_1197 = vector.shape_cast %get3A_1196 : vector<16xf32> to vector<16xf32>
      %mul3A_1198 = arith.mulf %get3A_1194, %get3A_1197 : vector<16xf32>
      %add3A_1199 = arith.addf %add3A_1185, %mul3A_1198 : vector<16xf32>
      %scan3A_1200 = arith.constant 7 : i32
      %scan3A_1201 = arith.addi %scan3A_1103, %scan3A_1200 : i32
      %mul3A_1202 = arith.constant 16 : i32
      %mul3A_1203 = arith.muli %scan3A_1201, %mul3A_1202 : i32
      %get3A_1204 = arith.constant 1 : i32
      %get3A_1205 = arith.index_cast %get3A_1204 : i32 to index
      %get3A_1206 = arith.index_cast %mul3A_1203 : i32 to index
      %get3A_1207 = tpu.vector_load %arg6[%get3A_1205, %get3A_1206] {strides = array<i32>} : memref<4x16384xf32, #tpu.memory_space<vmem>>, vector<1x16xf32>,
      %get3A_1208 = vector.shape_cast %get3A_1207 : vector<1x16xf32> to vector<16xf32>
      %get3A_1209 = arith.index_cast %mul3A_1203 : i32 to index
      %get3A_1210 = tpu.vector_load %arg5[%get3A_1209] {strides = array<i32>} : memref<16384xf32, #tpu.memory_space<vmem>>, vector<16xf32>,
      %get3A_1211 = vector.shape_cast %get3A_1210 : vector<16xf32> to vector<16xf32>
      %mul3A_1212 = arith.mulf %get3A_1208, %get3A_1211 : vector<16xf32>
      %add3A_1213 = arith.addf %add3A_1199, %mul3A_1212 : vector<16xf32>
      scf.yield %add3A_1213 : vector<16xf32>
    }
    %scan3A_625 = arith.constant 1024 : i32
    %xor3A_626 = arith.constant 1 : i32
    %xor3A_627 = vector.broadcast %xor3A_626 : i32 to vector<16xi32>
    %xor3A_628 = arith.xori %iota3A, %xor3A_627 : vector<16xi32>
    %lt3A_629 = arith.constant 0 : i32
    %lt3A_630 = vector.broadcast %lt3A_629 : i32 to vector<16xi32>
    %lt3A_631 = arith.cmpi slt, %xor3A_628, %lt3A_630 : vector<16xi32>
    %add3A_632 = arith.constant 16 : i32
    %add3A_633 = vector.broadcast %add3A_632 : i32 to vector<16xi32>
    %add3A_634 = arith.addi %xor3A_628, %add3A_633 : vector<16xi32>
    %select_n3A_635 = arith.select %lt3A_631, %add3A_634, %xor3A_628 : vector<16xi1>, vector<16xi32>
    %broadcast_in_dim3A_636 = vector.shape_cast %select_n3A_635 : vector<16xi32> to vector<16x1xi32>
    %gather3A_637 = vector.shape_cast %broadcast_in_dim3A_636 : vector<16x1xi32> to vector<16xi32>
    %gather3A_638 = tpu.dynamic_gather %scan3A_624[%gather3A_637] in [0] : vector<16xf32>, vector<16xi32> -> vector<16xf32>
    %add3A_639 = arith.addf %scan3A_624, %gather3A_638 : vector<16xf32>
    %xor3A_640 = arith.constant 2 : i32
    %xor3A_641 = vector.broadcast %xor3A_640 : i32 to vector<16xi32>
    %xor3A_642 = arith.xori %iota3A, %xor3A_641 : vector<16xi32>
    %lt3A_643 = arith.constant 0 : i32
    %lt3A_644 = vector.broadcast %lt3A_643 : i32 to vector<16xi32>
    %lt3A_645 = arith.cmpi slt, %xor3A_642, %lt3A_644 : vector<16xi32>
    %add3A_646 = arith.constant 16 : i32
    %add3A_647 = vector.broadcast %add3A_646 : i32 to vector<16xi32>
    %add3A_648 = arith.addi %xor3A_642, %add3A_647 : vector<16xi32>
    %select_n3A_649 = arith.select %lt3A_645, %add3A_648, %xor3A_642 : vector<16xi1>, vector<16xi32>
    %broadcast_in_dim3A_650 = vector.shape_cast %select_n3A_649 : vector<16xi32> to vector<16x1xi32>
    %gather3A_651 = vector.shape_cast %broadcast_in_dim3A_650 : vector<16x1xi32> to vector<16xi32>
    %gather3A_652 = tpu.dynamic_gather %add3A_639[%gather3A_651] in [0] : vector<16xf32>, vector<16xi32> -> vector<16xf32>
    %add3A_653 = arith.addf %add3A_639, %gather3A_652 : vector<16xf32>
    %xor3A_654 = arith.constant 4 : i32
    %xor3A_655 = vector.broadcast %xor3A_654 : i32 to vector<16xi32>
    %xor3A_656 = arith.xori %iota3A, %xor3A_655 : vector<16xi32>
    %lt3A_657 = arith.constant 0 : i32
    %lt3A_658 = vector.broadcast %lt3A_657 : i32 to vector<16xi32>
    %lt3A_659 = arith.cmpi slt, %xor3A_656, %lt3A_658 : vector<16xi32>
    %add3A_660 = arith.constant 16 : i32
    %add3A_661 = vector.broadcast %add3A_660 : i32 to vector<16xi32>
    %add3A_662 = arith.addi %xor3A_656, %add3A_661 : vector<16xi32>
    %select_n3A_663 = arith.select %lt3A_659, %add3A_662, %xor3A_656 : vector<16xi1>, vector<16xi32>
    %broadcast_in_dim3A_664 = vector.shape_cast %select_n3A_663 : vector<16xi32> to vector<16x1xi32>
    %gather3A_665 = vector.shape_cast %broadcast_in_dim3A_664 : vector<16x1xi32> to vector<16xi32>
    %gather3A_666 = tpu.dynamic_gather %add3A_653[%gather3A_665] in [0] : vector<16xf32>, vector<16xi32> -> vector<16xf32>
    %add3A_667 = arith.addf %add3A_653, %gather3A_666 : vector<16xf32>
    %xor3A_668 = arith.constant 8 : i32
    %xor3A_669 = vector.broadcast %xor3A_668 : i32 to vector<16xi32>
    %xor3A_670 = arith.xori %iota3A, %xor3A_669 : vector<16xi32>
    %lt3A_671 = arith.constant 0 : i32
    %lt3A_672 = vector.broadcast %lt3A_671 : i32 to vector<16xi32>
    %lt3A_673 = arith.cmpi slt, %xor3A_670, %lt3A_672 : vector<16xi32>
    %add3A_674 = arith.constant 16 : i32
    %add3A_675 = vector.broadcast %add3A_674 : i32 to vector<16xi32>
    %add3A_676 = arith.addi %xor3A_670, %add3A_675 : vector<16xi32>
    %select_n3A_677 = arith.select %lt3A_673, %add3A_676, %xor3A_670 : vector<16xi1>, vector<16xi32>
    %broadcast_in_dim3A_678 = vector.shape_cast %select_n3A_677 : vector<16xi32> to vector<16x1xi32>
    %gather3A_679 = vector.shape_cast %broadcast_in_dim3A_678 : vector<16x1xi32> to vector<16xi32>
    %gather3A_680 = tpu.dynamic_gather %add3A_667[%gather3A_679] in [0] : vector<16xf32>, vector<16xi32> -> vector<16xf32>
    %add3A_681 = arith.addf %add3A_667, %gather3A_680 : vector<16xf32>
    %eq3A_682 = arith.constant 9 : i32
    %eq3A_683 = vector.broadcast %eq3A_682 : i32 to vector<16xi32>
    %eq3A_684 = arith.cmpi eq, %iota3A, %eq3A_683 : vector<16xi32>
    %select_n3A_685 = arith.select %eq3A_684, %add3A_681, %select_n3A_617 : vector<16xi1>, vector<16xf32>
    %broadcast_in_dim3A_686 = arith.constant 0.000000e+00 : f32
    %broadcast_in_dim3A_687 = vector.broadcast %broadcast_in_dim3A_686 : f32 to vector<16xf32>
    %scan3A_688 = arith.constant 0 : i32
    %scan3A_689 = arith.constant 1024 : i32
    %scan3A_690 = arith.addi %scan3A_688, %scan3A_689 : i32
    %scan3A_691 = arith.constant 8 : i32
    %scan3A_692 = scf.for %scan3A_1103 = %scan3A_688 to %scan3A_690 step %scan3A_691 iter_args(%scan3A_1104 = %broadcast_in_dim3A_687) -> (vector<16xf32>)  : i32 {
      %mul3A_1105 = arith.constant 16 : i32
      %mul3A_1106 = arith.muli %scan3A_1103, %mul3A_1105 : i32
      %get3A = arith.constant 2 : i32
      %get3A_1107 = arith.index_cast %get3A : i32 to index
      %get3A_1108 = arith.index_cast %mul3A_1106 : i32 to index
      %get3A_1109 = tpu.vector_load %arg6[%get3A_1107, %get3A_1108] {strides = array<i32>} : memref<4x16384xf32, #tpu.memory_space<vmem>>, vector<1x16xf32>,
      %get3A_1110 = vector.shape_cast %get3A_1109 : vector<1x16xf32> to vector<16xf32>
      %get3A_1111 = arith.index_cast %mul3A_1106 : i32 to index
      %get3A_1112 = tpu.vector_load %arg5[%get3A_1111] {strides = array<i32>} : memref<16384xf32, #tpu.memory_space<vmem>>, vector<16xf32>,
      %get3A_1113 = vector.shape_cast %get3A_1112 : vector<16xf32> to vector<16xf32>
      %mul3A_1114 = arith.mulf %get3A_1110, %get3A_1113 : vector<16xf32>
      %add3A_1115 = arith.addf %scan3A_1104, %mul3A_1114 : vector<16xf32>
      %scan3A_1116 = arith.constant 1 : i32
      %scan3A_1117 = arith.addi %scan3A_1103, %scan3A_1116 : i32
      %mul3A_1118 = arith.constant 16 : i32
      %mul3A_1119 = arith.muli %scan3A_1117, %mul3A_1118 : i32
      %get3A_1120 = arith.constant 2 : i32
      %get3A_1121 = arith.index_cast %get3A_1120 : i32 to index
      %get3A_1122 = arith.index_cast %mul3A_1119 : i32 to index
      %get3A_1123 = tpu.vector_load %arg6[%get3A_1121, %get3A_1122] {strides = array<i32>} : memref<4x16384xf32, #tpu.memory_space<vmem>>, vector<1x16xf32>,
      %get3A_1124 = vector.shape_cast %get3A_1123 : vector<1x16xf32> to vector<16xf32>
      %get3A_1125 = arith.index_cast %mul3A_1119 : i32 to index
      %get3A_1126 = tpu.vector_load %arg5[%get3A_1125] {strides = array<i32>} : memref<16384xf32, #tpu.memory_space<vmem>>, vector<16xf32>,
      %get3A_1127 = vector.shape_cast %get3A_1126 : vector<16xf32> to vector<16xf32>
      %mul3A_1128 = arith.mulf %get3A_1124, %get3A_1127 : vector<16xf32>
      %add3A_1129 = arith.addf %add3A_1115, %mul3A_1128 : vector<16xf32>
      %scan3A_1130 = arith.constant 2 : i32
      %scan3A_1131 = arith.addi %scan3A_1103, %scan3A_1130 : i32
      %mul3A_1132 = arith.constant 16 : i32
      %mul3A_1133 = arith.muli %scan3A_1131, %mul3A_1132 : i32
      %get3A_1134 = arith.constant 2 : i32
      %get3A_1135 = arith.index_cast %get3A_1134 : i32 to index
      %get3A_1136 = arith.index_cast %mul3A_1133 : i32 to index
      %get3A_1137 = tpu.vector_load %arg6[%get3A_1135, %get3A_1136] {strides = array<i32>} : memref<4x16384xf32, #tpu.memory_space<vmem>>, vector<1x16xf32>,
      %get3A_1138 = vector.shape_cast %get3A_1137 : vector<1x16xf32> to vector<16xf32>
      %get3A_1139 = arith.index_cast %mul3A_1133 : i32 to index
      %get3A_1140 = tpu.vector_load %arg5[%get3A_1139] {strides = array<i32>} : memref<16384xf32, #tpu.memory_space<vmem>>, vector<16xf32>,
      %get3A_1141 = vector.shape_cast %get3A_1140 : vector<16xf32> to vector<16xf32>
      %mul3A_1142 = arith.mulf %get3A_1138, %get3A_1141 : vector<16xf32>
      %add3A_1143 = arith.addf %add3A_1129, %mul3A_1142 : vector<16xf32>
      %scan3A_1144 = arith.constant 3 : i32
      %scan3A_1145 = arith.addi %scan3A_1103, %scan3A_1144 : i32
      %mul3A_1146 = arith.constant 16 : i32
      %mul3A_1147 = arith.muli %scan3A_1145, %mul3A_1146 : i32
      %get3A_1148 = arith.constant 2 : i32
      %get3A_1149 = arith.index_cast %get3A_1148 : i32 to index
      %get3A_1150 = arith.index_cast %mul3A_1147 : i32 to index
      %get3A_1151 = tpu.vector_load %arg6[%get3A_1149, %get3A_1150] {strides = array<i32>} : memref<4x16384xf32, #tpu.memory_space<vmem>>, vector<1x16xf32>,
      %get3A_1152 = vector.shape_cast %get3A_1151 : vector<1x16xf32> to vector<16xf32>
      %get3A_1153 = arith.index_cast %mul3A_1147 : i32 to index
      %get3A_1154 = tpu.vector_load %arg5[%get3A_1153] {strides = array<i32>} : memref<16384xf32, #tpu.memory_space<vmem>>, vector<16xf32>,
      %get3A_1155 = vector.shape_cast %get3A_1154 : vector<16xf32> to vector<16xf32>
      %mul3A_1156 = arith.mulf %get3A_1152, %get3A_1155 : vector<16xf32>
      %add3A_1157 = arith.addf %add3A_1143, %mul3A_1156 : vector<16xf32>
      %scan3A_1158 = arith.constant 4 : i32
      %scan3A_1159 = arith.addi %scan3A_1103, %scan3A_1158 : i32
      %mul3A_1160 = arith.constant 16 : i32
      %mul3A_1161 = arith.muli %scan3A_1159, %mul3A_1160 : i32
      %get3A_1162 = arith.constant 2 : i32
      %get3A_1163 = arith.index_cast %get3A_1162 : i32 to index
      %get3A_1164 = arith.index_cast %mul3A_1161 : i32 to index
      %get3A_1165 = tpu.vector_load %arg6[%get3A_1163, %get3A_1164] {strides = array<i32>} : memref<4x16384xf32, #tpu.memory_space<vmem>>, vector<1x16xf32>,
      %get3A_1166 = vector.shape_cast %get3A_1165 : vector<1x16xf32> to vector<16xf32>
      %get3A_1167 = arith.index_cast %mul3A_1161 : i32 to index
      %get3A_1168 = tpu.vector_load %arg5[%get3A_1167] {strides = array<i32>} : memref<16384xf32, #tpu.memory_space<vmem>>, vector<16xf32>,
      %get3A_1169 = vector.shape_cast %get3A_1168 : vector<16xf32> to vector<16xf32>
      %mul3A_1170 = arith.mulf %get3A_1166, %get3A_1169 : vector<16xf32>
      %add3A_1171 = arith.addf %add3A_1157, %mul3A_1170 : vector<16xf32>
      %scan3A_1172 = arith.constant 5 : i32
      %scan3A_1173 = arith.addi %scan3A_1103, %scan3A_1172 : i32
      %mul3A_1174 = arith.constant 16 : i32
      %mul3A_1175 = arith.muli %scan3A_1173, %mul3A_1174 : i32
      %get3A_1176 = arith.constant 2 : i32
      %get3A_1177 = arith.index_cast %get3A_1176 : i32 to index
      %get3A_1178 = arith.index_cast %mul3A_1175 : i32 to index
      %get3A_1179 = tpu.vector_load %arg6[%get3A_1177, %get3A_1178] {strides = array<i32>} : memref<4x16384xf32, #tpu.memory_space<vmem>>, vector<1x16xf32>,
      %get3A_1180 = vector.shape_cast %get3A_1179 : vector<1x16xf32> to vector<16xf32>
      %get3A_1181 = arith.index_cast %mul3A_1175 : i32 to index
      %get3A_1182 = tpu.vector_load %arg5[%get3A_1181] {strides = array<i32>} : memref<16384xf32, #tpu.memory_space<vmem>>, vector<16xf32>,
      %get3A_1183 = vector.shape_cast %get3A_1182 : vector<16xf32> to vector<16xf32>
      %mul3A_1184 = arith.mulf %get3A_1180, %get3A_1183 : vector<16xf32>
      %add3A_1185 = arith.addf %add3A_1171, %mul3A_1184 : vector<16xf32>
      %scan3A_1186 = arith.constant 6 : i32
      %scan3A_1187 = arith.addi %scan3A_1103, %scan3A_1186 : i32
      %mul3A_1188 = arith.constant 16 : i32
      %mul3A_1189 = arith.muli %scan3A_1187, %mul3A_1188 : i32
      %get3A_1190 = arith.constant 2 : i32
      %get3A_1191 = arith.index_cast %get3A_1190 : i32 to index
      %get3A_1192 = arith.index_cast %mul3A_1189 : i32 to index
      %get3A_1193 = tpu.vector_load %arg6[%get3A_1191, %get3A_1192] {strides = array<i32>} : memref<4x16384xf32, #tpu.memory_space<vmem>>, vector<1x16xf32>,
      %get3A_1194 = vector.shape_cast %get3A_1193 : vector<1x16xf32> to vector<16xf32>
      %get3A_1195 = arith.index_cast %mul3A_1189 : i32 to index
      %get3A_1196 = tpu.vector_load %arg5[%get3A_1195] {strides = array<i32>} : memref<16384xf32, #tpu.memory_space<vmem>>, vector<16xf32>,
      %get3A_1197 = vector.shape_cast %get3A_1196 : vector<16xf32> to vector<16xf32>
      %mul3A_1198 = arith.mulf %get3A_1194, %get3A_1197 : vector<16xf32>
      %add3A_1199 = arith.addf %add3A_1185, %mul3A_1198 : vector<16xf32>
      %scan3A_1200 = arith.constant 7 : i32
      %scan3A_1201 = arith.addi %scan3A_1103, %scan3A_1200 : i32
      %mul3A_1202 = arith.constant 16 : i32
      %mul3A_1203 = arith.muli %scan3A_1201, %mul3A_1202 : i32
      %get3A_1204 = arith.constant 2 : i32
      %get3A_1205 = arith.index_cast %get3A_1204 : i32 to index
      %get3A_1206 = arith.index_cast %mul3A_1203 : i32 to index
      %get3A_1207 = tpu.vector_load %arg6[%get3A_1205, %get3A_1206] {strides = array<i32>} : memref<4x16384xf32, #tpu.memory_space<vmem>>, vector<1x16xf32>,
      %get3A_1208 = vector.shape_cast %get3A_1207 : vector<1x16xf32> to vector<16xf32>
      %get3A_1209 = arith.index_cast %mul3A_1203 : i32 to index
      %get3A_1210 = tpu.vector_load %arg5[%get3A_1209] {strides = array<i32>} : memref<16384xf32, #tpu.memory_space<vmem>>, vector<16xf32>,
      %get3A_1211 = vector.shape_cast %get3A_1210 : vector<16xf32> to vector<16xf32>
      %mul3A_1212 = arith.mulf %get3A_1208, %get3A_1211 : vector<16xf32>
      %add3A_1213 = arith.addf %add3A_1199, %mul3A_1212 : vector<16xf32>
      scf.yield %add3A_1213 : vector<16xf32>
    }
    %scan3A_693 = arith.constant 1024 : i32
    %xor3A_694 = arith.constant 1 : i32
    %xor3A_695 = vector.broadcast %xor3A_694 : i32 to vector<16xi32>
    %xor3A_696 = arith.xori %iota3A, %xor3A_695 : vector<16xi32>
    %lt3A_697 = arith.constant 0 : i32
    %lt3A_698 = vector.broadcast %lt3A_697 : i32 to vector<16xi32>
    %lt3A_699 = arith.cmpi slt, %xor3A_696, %lt3A_698 : vector<16xi32>
    %add3A_700 = arith.constant 16 : i32
    %add3A_701 = vector.broadcast %add3A_700 : i32 to vector<16xi32>
    %add3A_702 = arith.addi %xor3A_696, %add3A_701 : vector<16xi32>
    %select_n3A_703 = arith.select %lt3A_699, %add3A_702, %xor3A_696 : vector<16xi1>, vector<16xi32>
    %broadcast_in_dim3A_704 = vector.shape_cast %select_n3A_703 : vector<16xi32> to vector<16x1xi32>
    %gather3A_705 = vector.shape_cast %broadcast_in_dim3A_704 : vector<16x1xi32> to vector<16xi32>
    %gather3A_706 = tpu.dynamic_gather %scan3A_692[%gather3A_705] in [0] : vector<16xf32>, vector<16xi32> -> vector<16xf32>
    %add3A_707 = arith.addf %scan3A_692, %gather3A_706 : vector<16xf32>
    %xor3A_708 = arith.constant 2 : i32
    %xor3A_709 = vector.broadcast %xor3A_708 : i32 to vector<16xi32>
    %xor3A_710 = arith.xori %iota3A, %xor3A_709 : vector<16xi32>
    %lt3A_711 = arith.constant 0 : i32
    %lt3A_712 = vector.broadcast %lt3A_711 : i32 to vector<16xi32>
    %lt3A_713 = arith.cmpi slt, %xor3A_710, %lt3A_712 : vector<16xi32>
    %add3A_714 = arith.constant 16 : i32
    %add3A_715 = vector.broadcast %add3A_714 : i32 to vector<16xi32>
    %add3A_716 = arith.addi %xor3A_710, %add3A_715 : vector<16xi32>
    %select_n3A_717 = arith.select %lt3A_713, %add3A_716, %xor3A_710 : vector<16xi1>, vector<16xi32>
    %broadcast_in_dim3A_718 = vector.shape_cast %select_n3A_717 : vector<16xi32> to vector<16x1xi32>
    %gather3A_719 = vector.shape_cast %broadcast_in_dim3A_718 : vector<16x1xi32> to vector<16xi32>
    %gather3A_720 = tpu.dynamic_gather %add3A_707[%gather3A_719] in [0] : vector<16xf32>, vector<16xi32> -> vector<16xf32>
    %add3A_721 = arith.addf %add3A_707, %gather3A_720 : vector<16xf32>
    %xor3A_722 = arith.constant 4 : i32
    %xor3A_723 = vector.broadcast %xor3A_722 : i32 to vector<16xi32>
    %xor3A_724 = arith.xori %iota3A, %xor3A_723 : vector<16xi32>
    %lt3A_725 = arith.constant 0 : i32
    %lt3A_726 = vector.broadcast %lt3A_725 : i32 to vector<16xi32>
    %lt3A_727 = arith.cmpi slt, %xor3A_724, %lt3A_726 : vector<16xi32>
    %add3A_728 = arith.constant 16 : i32
    %add3A_729 = vector.broadcast %add3A_728 : i32 to vector<16xi32>
    %add3A_730 = arith.addi %xor3A_724, %add3A_729 : vector<16xi32>
    %select_n3A_731 = arith.select %lt3A_727, %add3A_730, %xor3A_724 : vector<16xi1>, vector<16xi32>
    %broadcast_in_dim3A_732 = vector.shape_cast %select_n3A_731 : vector<16xi32> to vector<16x1xi32>
    %gather3A_733 = vector.shape_cast %broadcast_in_dim3A_732 : vector<16x1xi32> to vector<16xi32>
    %gather3A_734 = tpu.dynamic_gather %add3A_721[%gather3A_733] in [0] : vector<16xf32>, vector<16xi32> -> vector<16xf32>
    %add3A_735 = arith.addf %add3A_721, %gather3A_734 : vector<16xf32>
    %xor3A_736 = arith.constant 8 : i32
    %xor3A_737 = vector.broadcast %xor3A_736 : i32 to vector<16xi32>
    %xor3A_738 = arith.xori %iota3A, %xor3A_737 : vector<16xi32>
    %lt3A_739 = arith.constant 0 : i32
    %lt3A_740 = vector.broadcast %lt3A_739 : i32 to vector<16xi32>
    %lt3A_741 = arith.cmpi slt, %xor3A_738, %lt3A_740 : vector<16xi32>
    %add3A_742 = arith.constant 16 : i32
    %add3A_743 = vector.broadcast %add3A_742 : i32 to vector<16xi32>
    %add3A_744 = arith.addi %xor3A_738, %add3A_743 : vector<16xi32>
    %select_n3A_745 = arith.select %lt3A_741, %add3A_744, %xor3A_738 : vector<16xi1>, vector<16xi32>
    %broadcast_in_dim3A_746 = vector.shape_cast %select_n3A_745 : vector<16xi32> to vector<16x1xi32>
    %gather3A_747 = vector.shape_cast %broadcast_in_dim3A_746 : vector<16x1xi32> to vector<16xi32>
    %gather3A_748 = tpu.dynamic_gather %add3A_735[%gather3A_747] in [0] : vector<16xf32>, vector<16xi32> -> vector<16xf32>
    %add3A_749 = arith.addf %add3A_735, %gather3A_748 : vector<16xf32>
    %eq3A_750 = arith.constant 10 : i32
    %eq3A_751 = vector.broadcast %eq3A_750 : i32 to vector<16xi32>
    %eq3A_752 = arith.cmpi eq, %iota3A, %eq3A_751 : vector<16xi32>
    %select_n3A_753 = arith.select %eq3A_752, %add3A_749, %select_n3A_685 : vector<16xi1>, vector<16xf32>
    %broadcast_in_dim3A_754 = arith.constant 0.000000e+00 : f32
    %broadcast_in_dim3A_755 = vector.broadcast %broadcast_in_dim3A_754 : f32 to vector<16xf32>
    %scan3A_756 = arith.constant 0 : i32
    %scan3A_757 = arith.constant 1024 : i32
    %scan3A_758 = arith.addi %scan3A_756, %scan3A_757 : i32
    %scan3A_759 = arith.constant 8 : i32
    %scan3A_760 = scf.for %scan3A_1103 = %scan3A_756 to %scan3A_758 step %scan3A_759 iter_args(%scan3A_1104 = %broadcast_in_dim3A_755) -> (vector<16xf32>)  : i32 {
      %mul3A_1105 = arith.constant 16 : i32
      %mul3A_1106 = arith.muli %scan3A_1103, %mul3A_1105 : i32
      %get3A = arith.constant 3 : i32
      %get3A_1107 = arith.index_cast %get3A : i32 to index
      %get3A_1108 = arith.index_cast %mul3A_1106 : i32 to index
      %get3A_1109 = tpu.vector_load %arg6[%get3A_1107, %get3A_1108] {strides = array<i32>} : memref<4x16384xf32, #tpu.memory_space<vmem>>, vector<1x16xf32>,
      %get3A_1110 = vector.shape_cast %get3A_1109 : vector<1x16xf32> to vector<16xf32>
      %get3A_1111 = arith.index_cast %mul3A_1106 : i32 to index
      %get3A_1112 = tpu.vector_load %arg5[%get3A_1111] {strides = array<i32>} : memref<16384xf32, #tpu.memory_space<vmem>>, vector<16xf32>,
      %get3A_1113 = vector.shape_cast %get3A_1112 : vector<16xf32> to vector<16xf32>
      %mul3A_1114 = arith.mulf %get3A_1110, %get3A_1113 : vector<16xf32>
      %add3A_1115 = arith.addf %scan3A_1104, %mul3A_1114 : vector<16xf32>
      %scan3A_1116 = arith.constant 1 : i32
      %scan3A_1117 = arith.addi %scan3A_1103, %scan3A_1116 : i32
      %mul3A_1118 = arith.constant 16 : i32
      %mul3A_1119 = arith.muli %scan3A_1117, %mul3A_1118 : i32
      %get3A_1120 = arith.constant 3 : i32
      %get3A_1121 = arith.index_cast %get3A_1120 : i32 to index
      %get3A_1122 = arith.index_cast %mul3A_1119 : i32 to index
      %get3A_1123 = tpu.vector_load %arg6[%get3A_1121, %get3A_1122] {strides = array<i32>} : memref<4x16384xf32, #tpu.memory_space<vmem>>, vector<1x16xf32>,
      %get3A_1124 = vector.shape_cast %get3A_1123 : vector<1x16xf32> to vector<16xf32>
      %get3A_1125 = arith.index_cast %mul3A_1119 : i32 to index
      %get3A_1126 = tpu.vector_load %arg5[%get3A_1125] {strides = array<i32>} : memref<16384xf32, #tpu.memory_space<vmem>>, vector<16xf32>,
      %get3A_1127 = vector.shape_cast %get3A_1126 : vector<16xf32> to vector<16xf32>
      %mul3A_1128 = arith.mulf %get3A_1124, %get3A_1127 : vector<16xf32>
      %add3A_1129 = arith.addf %add3A_1115, %mul3A_1128 : vector<16xf32>
      %scan3A_1130 = arith.constant 2 : i32
      %scan3A_1131 = arith.addi %scan3A_1103, %scan3A_1130 : i32
      %mul3A_1132 = arith.constant 16 : i32
      %mul3A_1133 = arith.muli %scan3A_1131, %mul3A_1132 : i32
      %get3A_1134 = arith.constant 3 : i32
      %get3A_1135 = arith.index_cast %get3A_1134 : i32 to index
      %get3A_1136 = arith.index_cast %mul3A_1133 : i32 to index
      %get3A_1137 = tpu.vector_load %arg6[%get3A_1135, %get3A_1136] {strides = array<i32>} : memref<4x16384xf32, #tpu.memory_space<vmem>>, vector<1x16xf32>,
      %get3A_1138 = vector.shape_cast %get3A_1137 : vector<1x16xf32> to vector<16xf32>
      %get3A_1139 = arith.index_cast %mul3A_1133 : i32 to index
      %get3A_1140 = tpu.vector_load %arg5[%get3A_1139] {strides = array<i32>} : memref<16384xf32, #tpu.memory_space<vmem>>, vector<16xf32>,
      %get3A_1141 = vector.shape_cast %get3A_1140 : vector<16xf32> to vector<16xf32>
      %mul3A_1142 = arith.mulf %get3A_1138, %get3A_1141 : vector<16xf32>
      %add3A_1143 = arith.addf %add3A_1129, %mul3A_1142 : vector<16xf32>
      %scan3A_1144 = arith.constant 3 : i32
      %scan3A_1145 = arith.addi %scan3A_1103, %scan3A_1144 : i32
      %mul3A_1146 = arith.constant 16 : i32
      %mul3A_1147 = arith.muli %scan3A_1145, %mul3A_1146 : i32
      %get3A_1148 = arith.constant 3 : i32
      %get3A_1149 = arith.index_cast %get3A_1148 : i32 to index
      %get3A_1150 = arith.index_cast %mul3A_1147 : i32 to index
      %get3A_1151 = tpu.vector_load %arg6[%get3A_1149, %get3A_1150] {strides = array<i32>} : memref<4x16384xf32, #tpu.memory_space<vmem>>, vector<1x16xf32>,
      %get3A_1152 = vector.shape_cast %get3A_1151 : vector<1x16xf32> to vector<16xf32>
      %get3A_1153 = arith.index_cast %mul3A_1147 : i32 to index
      %get3A_1154 = tpu.vector_load %arg5[%get3A_1153] {strides = array<i32>} : memref<16384xf32, #tpu.memory_space<vmem>>, vector<16xf32>,
      %get3A_1155 = vector.shape_cast %get3A_1154 : vector<16xf32> to vector<16xf32>
      %mul3A_1156 = arith.mulf %get3A_1152, %get3A_1155 : vector<16xf32>
      %add3A_1157 = arith.addf %add3A_1143, %mul3A_1156 : vector<16xf32>
      %scan3A_1158 = arith.constant 4 : i32
      %scan3A_1159 = arith.addi %scan3A_1103, %scan3A_1158 : i32
      %mul3A_1160 = arith.constant 16 : i32
      %mul3A_1161 = arith.muli %scan3A_1159, %mul3A_1160 : i32
      %get3A_1162 = arith.constant 3 : i32
      %get3A_1163 = arith.index_cast %get3A_1162 : i32 to index
      %get3A_1164 = arith.index_cast %mul3A_1161 : i32 to index
      %get3A_1165 = tpu.vector_load %arg6[%get3A_1163, %get3A_1164] {strides = array<i32>} : memref<4x16384xf32, #tpu.memory_space<vmem>>, vector<1x16xf32>,
      %get3A_1166 = vector.shape_cast %get3A_1165 : vector<1x16xf32> to vector<16xf32>
      %get3A_1167 = arith.index_cast %mul3A_1161 : i32 to index
      %get3A_1168 = tpu.vector_load %arg5[%get3A_1167] {strides = array<i32>} : memref<16384xf32, #tpu.memory_space<vmem>>, vector<16xf32>,
      %get3A_1169 = vector.shape_cast %get3A_1168 : vector<16xf32> to vector<16xf32>
      %mul3A_1170 = arith.mulf %get3A_1166, %get3A_1169 : vector<16xf32>
      %add3A_1171 = arith.addf %add3A_1157, %mul3A_1170 : vector<16xf32>
      %scan3A_1172 = arith.constant 5 : i32
      %scan3A_1173 = arith.addi %scan3A_1103, %scan3A_1172 : i32
      %mul3A_1174 = arith.constant 16 : i32
      %mul3A_1175 = arith.muli %scan3A_1173, %mul3A_1174 : i32
      %get3A_1176 = arith.constant 3 : i32
      %get3A_1177 = arith.index_cast %get3A_1176 : i32 to index
      %get3A_1178 = arith.index_cast %mul3A_1175 : i32 to index
      %get3A_1179 = tpu.vector_load %arg6[%get3A_1177, %get3A_1178] {strides = array<i32>} : memref<4x16384xf32, #tpu.memory_space<vmem>>, vector<1x16xf32>,
      %get3A_1180 = vector.shape_cast %get3A_1179 : vector<1x16xf32> to vector<16xf32>
      %get3A_1181 = arith.index_cast %mul3A_1175 : i32 to index
      %get3A_1182 = tpu.vector_load %arg5[%get3A_1181] {strides = array<i32>} : memref<16384xf32, #tpu.memory_space<vmem>>, vector<16xf32>,
      %get3A_1183 = vector.shape_cast %get3A_1182 : vector<16xf32> to vector<16xf32>
      %mul3A_1184 = arith.mulf %get3A_1180, %get3A_1183 : vector<16xf32>
      %add3A_1185 = arith.addf %add3A_1171, %mul3A_1184 : vector<16xf32>
      %scan3A_1186 = arith.constant 6 : i32
      %scan3A_1187 = arith.addi %scan3A_1103, %scan3A_1186 : i32
      %mul3A_1188 = arith.constant 16 : i32
      %mul3A_1189 = arith.muli %scan3A_1187, %mul3A_1188 : i32
      %get3A_1190 = arith.constant 3 : i32
      %get3A_1191 = arith.index_cast %get3A_1190 : i32 to index
      %get3A_1192 = arith.index_cast %mul3A_1189 : i32 to index
      %get3A_1193 = tpu.vector_load %arg6[%get3A_1191, %get3A_1192] {strides = array<i32>} : memref<4x16384xf32, #tpu.memory_space<vmem>>, vector<1x16xf32>,
      %get3A_1194 = vector.shape_cast %get3A_1193 : vector<1x16xf32> to vector<16xf32>
      %get3A_1195 = arith.index_cast %mul3A_1189 : i32 to index
      %get3A_1196 = tpu.vector_load %arg5[%get3A_1195] {strides = array<i32>} : memref<16384xf32, #tpu.memory_space<vmem>>, vector<16xf32>,
      %get3A_1197 = vector.shape_cast %get3A_1196 : vector<16xf32> to vector<16xf32>
      %mul3A_1198 = arith.mulf %get3A_1194, %get3A_1197 : vector<16xf32>
      %add3A_1199 = arith.addf %add3A_1185, %mul3A_1198 : vector<16xf32>
      %scan3A_1200 = arith.constant 7 : i32
      %scan3A_1201 = arith.addi %scan3A_1103, %scan3A_1200 : i32
      %mul3A_1202 = arith.constant 16 : i32
      %mul3A_1203 = arith.muli %scan3A_1201, %mul3A_1202 : i32
      %get3A_1204 = arith.constant 3 : i32
      %get3A_1205 = arith.index_cast %get3A_1204 : i32 to index
      %get3A_1206 = arith.index_cast %mul3A_1203 : i32 to index
      %get3A_1207 = tpu.vector_load %arg6[%get3A_1205, %get3A_1206] {strides = array<i32>} : memref<4x16384xf32, #tpu.memory_space<vmem>>, vector<1x16xf32>,
      %get3A_1208 = vector.shape_cast %get3A_1207 : vector<1x16xf32> to vector<16xf32>
      %get3A_1209 = arith.index_cast %mul3A_1203 : i32 to index
      %get3A_1210 = tpu.vector_load %arg5[%get3A_1209] {strides = array<i32>} : memref<16384xf32, #tpu.memory_space<vmem>>, vector<16xf32>,
      %get3A_1211 = vector.shape_cast %get3A_1210 : vector<16xf32> to vector<16xf32>
      %mul3A_1212 = arith.mulf %get3A_1208, %get3A_1211 : vector<16xf32>
      %add3A_1213 = arith.addf %add3A_1199, %mul3A_1212 : vector<16xf32>
      scf.yield %add3A_1213 : vector<16xf32>
    }
    %scan3A_761 = arith.constant 1024 : i32
    %xor3A_762 = arith.constant 1 : i32
    %xor3A_763 = vector.broadcast %xor3A_762 : i32 to vector<16xi32>
    %xor3A_764 = arith.xori %iota3A, %xor3A_763 : vector<16xi32>
    %lt3A_765 = arith.constant 0 : i32
    %lt3A_766 = vector.broadcast %lt3A_765 : i32 to vector<16xi32>
    %lt3A_767 = arith.cmpi slt, %xor3A_764, %lt3A_766 : vector<16xi32>
    %add3A_768 = arith.constant 16 : i32
    %add3A_769 = vector.broadcast %add3A_768 : i32 to vector<16xi32>
    %add3A_770 = arith.addi %xor3A_764, %add3A_769 : vector<16xi32>
    %select_n3A_771 = arith.select %lt3A_767, %add3A_770, %xor3A_764 : vector<16xi1>, vector<16xi32>
    %broadcast_in_dim3A_772 = vector.shape_cast %select_n3A_771 : vector<16xi32> to vector<16x1xi32>
    %gather3A_773 = vector.shape_cast %broadcast_in_dim3A_772 : vector<16x1xi32> to vector<16xi32>
    %gather3A_774 = tpu.dynamic_gather %scan3A_760[%gather3A_773] in [0] : vector<16xf32>, vector<16xi32> -> vector<16xf32>
    %add3A_775 = arith.addf %scan3A_760, %gather3A_774 : vector<16xf32>
    %xor3A_776 = arith.constant 2 : i32
    %xor3A_777 = vector.broadcast %xor3A_776 : i32 to vector<16xi32>
    %xor3A_778 = arith.xori %iota3A, %xor3A_777 : vector<16xi32>
    %lt3A_779 = arith.constant 0 : i32
    %lt3A_780 = vector.broadcast %lt3A_779 : i32 to vector<16xi32>
    %lt3A_781 = arith.cmpi slt, %xor3A_778, %lt3A_780 : vector<16xi32>
    %add3A_782 = arith.constant 16 : i32
    %add3A_783 = vector.broadcast %add3A_782 : i32 to vector<16xi32>
    %add3A_784 = arith.addi %xor3A_778, %add3A_783 : vector<16xi32>
    %select_n3A_785 = arith.select %lt3A_781, %add3A_784, %xor3A_778 : vector<16xi1>, vector<16xi32>
    %broadcast_in_dim3A_786 = vector.shape_cast %select_n3A_785 : vector<16xi32> to vector<16x1xi32>
    %gather3A_787 = vector.shape_cast %broadcast_in_dim3A_786 : vector<16x1xi32> to vector<16xi32>
    %gather3A_788 = tpu.dynamic_gather %add3A_775[%gather3A_787] in [0] : vector<16xf32>, vector<16xi32> -> vector<16xf32>
    %add3A_789 = arith.addf %add3A_775, %gather3A_788 : vector<16xf32>
    %xor3A_790 = arith.constant 4 : i32
    %xor3A_791 = vector.broadcast %xor3A_790 : i32 to vector<16xi32>
    %xor3A_792 = arith.xori %iota3A, %xor3A_791 : vector<16xi32>
    %lt3A_793 = arith.constant 0 : i32
    %lt3A_794 = vector.broadcast %lt3A_793 : i32 to vector<16xi32>
    %lt3A_795 = arith.cmpi slt, %xor3A_792, %lt3A_794 : vector<16xi32>
    %add3A_796 = arith.constant 16 : i32
    %add3A_797 = vector.broadcast %add3A_796 : i32 to vector<16xi32>
    %add3A_798 = arith.addi %xor3A_792, %add3A_797 : vector<16xi32>
    %select_n3A_799 = arith.select %lt3A_795, %add3A_798, %xor3A_792 : vector<16xi1>, vector<16xi32>
    %broadcast_in_dim3A_800 = vector.shape_cast %select_n3A_799 : vector<16xi32> to vector<16x1xi32>
    %gather3A_801 = vector.shape_cast %broadcast_in_dim3A_800 : vector<16x1xi32> to vector<16xi32>
    %gather3A_802 = tpu.dynamic_gather %add3A_789[%gather3A_801] in [0] : vector<16xf32>, vector<16xi32> -> vector<16xf32>
    %add3A_803 = arith.addf %add3A_789, %gather3A_802 : vector<16xf32>
    %xor3A_804 = arith.constant 8 : i32
    %xor3A_805 = vector.broadcast %xor3A_804 : i32 to vector<16xi32>
    %xor3A_806 = arith.xori %iota3A, %xor3A_805 : vector<16xi32>
    %lt3A_807 = arith.constant 0 : i32
    %lt3A_808 = vector.broadcast %lt3A_807 : i32 to vector<16xi32>
    %lt3A_809 = arith.cmpi slt, %xor3A_806, %lt3A_808 : vector<16xi32>
    %add3A_810 = arith.constant 16 : i32
    %add3A_811 = vector.broadcast %add3A_810 : i32 to vector<16xi32>
    %add3A_812 = arith.addi %xor3A_806, %add3A_811 : vector<16xi32>
    %select_n3A_813 = arith.select %lt3A_809, %add3A_812, %xor3A_806 : vector<16xi1>, vector<16xi32>
    %broadcast_in_dim3A_814 = vector.shape_cast %select_n3A_813 : vector<16xi32> to vector<16x1xi32>
    %gather3A_815 = vector.shape_cast %broadcast_in_dim3A_814 : vector<16x1xi32> to vector<16xi32>
    %gather3A_816 = tpu.dynamic_gather %add3A_803[%gather3A_815] in [0] : vector<16xf32>, vector<16xi32> -> vector<16xf32>
    %add3A_817 = arith.addf %add3A_803, %gather3A_816 : vector<16xf32>
    %eq3A_818 = arith.constant 11 : i32
    %eq3A_819 = vector.broadcast %eq3A_818 : i32 to vector<16xi32>
    %eq3A_820 = arith.cmpi eq, %iota3A, %eq3A_819 : vector<16xi32>
    %select_n3A_821 = arith.select %eq3A_820, %add3A_817, %select_n3A_753 : vector<16xi1>, vector<16xf32>
    %add3A_822 = arith.constant 12 : i32
    %add3A_823 = arith.addi %add3A_4, %add3A_822 : i32
    "tpu.region"() ({
      %run_scoped3A = tpu.sem_alloc : memref<!tpu.dma_semaphore, #tpu.memory_space<semaphore_mem>>
      %dma_start3A = arith.constant 0 : i32
      %dma_start3A_1103 = tpu.memref_slice %arg2[%add3A_823, %dma_start3A] : memref<4096x16384xf32, #tpu.memory_space<hbm>> -> memref<4x16384xf32, #tpu.memory_space<hbm>>
      %dma_start3A_1104 = arith.constant 0 : i32
      %dma_start3A_1105 = tpu.memref_slice %arg2[%add3A_823, %dma_start3A_1104] : memref<4096x16384xf32, #tpu.memory_space<hbm>> -> memref<4x16384xf32, #tpu.memory_space<hbm>>
      tpu.enqueue_dma source(%dma_start3A_1105 : memref<4x16384xf32, #tpu.memory_space<hbm>>) target(%arg6 : memref<4x16384xf32, #tpu.memory_space<vmem>>) target_semaphore(%run_scoped3A : memref<!tpu.dma_semaphore, #tpu.memory_space<semaphore_mem>>)
      %dma_wait3A = arith.constant 0 : i32
      %dma_wait3A_1106 = tpu.memref_slice %arg2[%add3A_823, %dma_wait3A] : memref<4096x16384xf32, #tpu.memory_space<hbm>> -> memref<4x16384xf32, #tpu.memory_space<hbm>>
      %dma_wait3A_1107 = arith.constant 0 : i32
      %dma_wait3A_1108 = tpu.memref_slice %arg2[%add3A_823, %dma_wait3A_1107] : memref<4096x16384xf32, #tpu.memory_space<hbm>> -> memref<4x16384xf32, #tpu.memory_space<hbm>>
      tpu.wait_dma2 semaphore(%run_scoped3A : memref<!tpu.dma_semaphore, #tpu.memory_space<semaphore_mem>>) src(%dma_wait3A_1108 : memref<4x16384xf32, #tpu.memory_space<hbm>>) dst(%arg6 : memref<4x16384xf32, #tpu.memory_space<vmem>>)
      tpu.yield
    }) : () -> ()
    %broadcast_in_dim3A_824 = arith.constant 0.000000e+00 : f32
    %broadcast_in_dim3A_825 = vector.broadcast %broadcast_in_dim3A_824 : f32 to vector<16xf32>
    %scan3A_826 = arith.constant 0 : i32
    %scan3A_827 = arith.constant 1024 : i32
    %scan3A_828 = arith.addi %scan3A_826, %scan3A_827 : i32
    %scan3A_829 = arith.constant 8 : i32
    %scan3A_830 = scf.for %scan3A_1103 = %scan3A_826 to %scan3A_828 step %scan3A_829 iter_args(%scan3A_1104 = %broadcast_in_dim3A_825) -> (vector<16xf32>)  : i32 {
      %mul3A_1105 = arith.constant 16 : i32
      %mul3A_1106 = arith.muli %scan3A_1103, %mul3A_1105 : i32
      %get3A = arith.constant 0 : i32
      %get3A_1107 = arith.index_cast %get3A : i32 to index
      %get3A_1108 = arith.index_cast %mul3A_1106 : i32 to index
      %get3A_1109 = tpu.vector_load %arg6[%get3A_1107, %get3A_1108] {strides = array<i32>} : memref<4x16384xf32, #tpu.memory_space<vmem>>, vector<1x16xf32>,
      %get3A_1110 = vector.shape_cast %get3A_1109 : vector<1x16xf32> to vector<16xf32>
      %get3A_1111 = arith.index_cast %mul3A_1106 : i32 to index
      %get3A_1112 = tpu.vector_load %arg5[%get3A_1111] {strides = array<i32>} : memref<16384xf32, #tpu.memory_space<vmem>>, vector<16xf32>,
      %get3A_1113 = vector.shape_cast %get3A_1112 : vector<16xf32> to vector<16xf32>
      %mul3A_1114 = arith.mulf %get3A_1110, %get3A_1113 : vector<16xf32>
      %add3A_1115 = arith.addf %scan3A_1104, %mul3A_1114 : vector<16xf32>
      %scan3A_1116 = arith.constant 1 : i32
      %scan3A_1117 = arith.addi %scan3A_1103, %scan3A_1116 : i32
      %mul3A_1118 = arith.constant 16 : i32
      %mul3A_1119 = arith.muli %scan3A_1117, %mul3A_1118 : i32
      %get3A_1120 = arith.constant 0 : i32
      %get3A_1121 = arith.index_cast %get3A_1120 : i32 to index
      %get3A_1122 = arith.index_cast %mul3A_1119 : i32 to index
      %get3A_1123 = tpu.vector_load %arg6[%get3A_1121, %get3A_1122] {strides = array<i32>} : memref<4x16384xf32, #tpu.memory_space<vmem>>, vector<1x16xf32>,
      %get3A_1124 = vector.shape_cast %get3A_1123 : vector<1x16xf32> to vector<16xf32>
      %get3A_1125 = arith.index_cast %mul3A_1119 : i32 to index
      %get3A_1126 = tpu.vector_load %arg5[%get3A_1125] {strides = array<i32>} : memref<16384xf32, #tpu.memory_space<vmem>>, vector<16xf32>,
      %get3A_1127 = vector.shape_cast %get3A_1126 : vector<16xf32> to vector<16xf32>
      %mul3A_1128 = arith.mulf %get3A_1124, %get3A_1127 : vector<16xf32>
      %add3A_1129 = arith.addf %add3A_1115, %mul3A_1128 : vector<16xf32>
      %scan3A_1130 = arith.constant 2 : i32
      %scan3A_1131 = arith.addi %scan3A_1103, %scan3A_1130 : i32
      %mul3A_1132 = arith.constant 16 : i32
      %mul3A_1133 = arith.muli %scan3A_1131, %mul3A_1132 : i32
      %get3A_1134 = arith.constant 0 : i32
      %get3A_1135 = arith.index_cast %get3A_1134 : i32 to index
      %get3A_1136 = arith.index_cast %mul3A_1133 : i32 to index
      %get3A_1137 = tpu.vector_load %arg6[%get3A_1135, %get3A_1136] {strides = array<i32>} : memref<4x16384xf32, #tpu.memory_space<vmem>>, vector<1x16xf32>,
      %get3A_1138 = vector.shape_cast %get3A_1137 : vector<1x16xf32> to vector<16xf32>
      %get3A_1139 = arith.index_cast %mul3A_1133 : i32 to index
      %get3A_1140 = tpu.vector_load %arg5[%get3A_1139] {strides = array<i32>} : memref<16384xf32, #tpu.memory_space<vmem>>, vector<16xf32>,
      %get3A_1141 = vector.shape_cast %get3A_1140 : vector<16xf32> to vector<16xf32>
      %mul3A_1142 = arith.mulf %get3A_1138, %get3A_1141 : vector<16xf32>
      %add3A_1143 = arith.addf %add3A_1129, %mul3A_1142 : vector<16xf32>
      %scan3A_1144 = arith.constant 3 : i32
      %scan3A_1145 = arith.addi %scan3A_1103, %scan3A_1144 : i32
      %mul3A_1146 = arith.constant 16 : i32
      %mul3A_1147 = arith.muli %scan3A_1145, %mul3A_1146 : i32
      %get3A_1148 = arith.constant 0 : i32
      %get3A_1149 = arith.index_cast %get3A_1148 : i32 to index
      %get3A_1150 = arith.index_cast %mul3A_1147 : i32 to index
      %get3A_1151 = tpu.vector_load %arg6[%get3A_1149, %get3A_1150] {strides = array<i32>} : memref<4x16384xf32, #tpu.memory_space<vmem>>, vector<1x16xf32>,
      %get3A_1152 = vector.shape_cast %get3A_1151 : vector<1x16xf32> to vector<16xf32>
      %get3A_1153 = arith.index_cast %mul3A_1147 : i32 to index
      %get3A_1154 = tpu.vector_load %arg5[%get3A_1153] {strides = array<i32>} : memref<16384xf32, #tpu.memory_space<vmem>>, vector<16xf32>,
      %get3A_1155 = vector.shape_cast %get3A_1154 : vector<16xf32> to vector<16xf32>
      %mul3A_1156 = arith.mulf %get3A_1152, %get3A_1155 : vector<16xf32>
      %add3A_1157 = arith.addf %add3A_1143, %mul3A_1156 : vector<16xf32>
      %scan3A_1158 = arith.constant 4 : i32
      %scan3A_1159 = arith.addi %scan3A_1103, %scan3A_1158 : i32
      %mul3A_1160 = arith.constant 16 : i32
      %mul3A_1161 = arith.muli %scan3A_1159, %mul3A_1160 : i32
      %get3A_1162 = arith.constant 0 : i32
      %get3A_1163 = arith.index_cast %get3A_1162 : i32 to index
      %get3A_1164 = arith.index_cast %mul3A_1161 : i32 to index
      %get3A_1165 = tpu.vector_load %arg6[%get3A_1163, %get3A_1164] {strides = array<i32>} : memref<4x16384xf32, #tpu.memory_space<vmem>>, vector<1x16xf32>,
      %get3A_1166 = vector.shape_cast %get3A_1165 : vector<1x16xf32> to vector<16xf32>
      %get3A_1167 = arith.index_cast %mul3A_1161 : i32 to index
      %get3A_1168 = tpu.vector_load %arg5[%get3A_1167] {strides = array<i32>} : memref<16384xf32, #tpu.memory_space<vmem>>, vector<16xf32>,
      %get3A_1169 = vector.shape_cast %get3A_1168 : vector<16xf32> to vector<16xf32>
      %mul3A_1170 = arith.mulf %get3A_1166, %get3A_1169 : vector<16xf32>
      %add3A_1171 = arith.addf %add3A_1157, %mul3A_1170 : vector<16xf32>
      %scan3A_1172 = arith.constant 5 : i32
      %scan3A_1173 = arith.addi %scan3A_1103, %scan3A_1172 : i32
      %mul3A_1174 = arith.constant 16 : i32
      %mul3A_1175 = arith.muli %scan3A_1173, %mul3A_1174 : i32
      %get3A_1176 = arith.constant 0 : i32
      %get3A_1177 = arith.index_cast %get3A_1176 : i32 to index
      %get3A_1178 = arith.index_cast %mul3A_1175 : i32 to index
      %get3A_1179 = tpu.vector_load %arg6[%get3A_1177, %get3A_1178] {strides = array<i32>} : memref<4x16384xf32, #tpu.memory_space<vmem>>, vector<1x16xf32>,
      %get3A_1180 = vector.shape_cast %get3A_1179 : vector<1x16xf32> to vector<16xf32>
      %get3A_1181 = arith.index_cast %mul3A_1175 : i32 to index
      %get3A_1182 = tpu.vector_load %arg5[%get3A_1181] {strides = array<i32>} : memref<16384xf32, #tpu.memory_space<vmem>>, vector<16xf32>,
      %get3A_1183 = vector.shape_cast %get3A_1182 : vector<16xf32> to vector<16xf32>
      %mul3A_1184 = arith.mulf %get3A_1180, %get3A_1183 : vector<16xf32>
      %add3A_1185 = arith.addf %add3A_1171, %mul3A_1184 : vector<16xf32>
      %scan3A_1186 = arith.constant 6 : i32
      %scan3A_1187 = arith.addi %scan3A_1103, %scan3A_1186 : i32
      %mul3A_1188 = arith.constant 16 : i32
      %mul3A_1189 = arith.muli %scan3A_1187, %mul3A_1188 : i32
      %get3A_1190 = arith.constant 0 : i32
      %get3A_1191 = arith.index_cast %get3A_1190 : i32 to index
      %get3A_1192 = arith.index_cast %mul3A_1189 : i32 to index
      %get3A_1193 = tpu.vector_load %arg6[%get3A_1191, %get3A_1192] {strides = array<i32>} : memref<4x16384xf32, #tpu.memory_space<vmem>>, vector<1x16xf32>,
      %get3A_1194 = vector.shape_cast %get3A_1193 : vector<1x16xf32> to vector<16xf32>
      %get3A_1195 = arith.index_cast %mul3A_1189 : i32 to index
      %get3A_1196 = tpu.vector_load %arg5[%get3A_1195] {strides = array<i32>} : memref<16384xf32, #tpu.memory_space<vmem>>, vector<16xf32>,
      %get3A_1197 = vector.shape_cast %get3A_1196 : vector<16xf32> to vector<16xf32>
      %mul3A_1198 = arith.mulf %get3A_1194, %get3A_1197 : vector<16xf32>
      %add3A_1199 = arith.addf %add3A_1185, %mul3A_1198 : vector<16xf32>
      %scan3A_1200 = arith.constant 7 : i32
      %scan3A_1201 = arith.addi %scan3A_1103, %scan3A_1200 : i32
      %mul3A_1202 = arith.constant 16 : i32
      %mul3A_1203 = arith.muli %scan3A_1201, %mul3A_1202 : i32
      %get3A_1204 = arith.constant 0 : i32
      %get3A_1205 = arith.index_cast %get3A_1204 : i32 to index
      %get3A_1206 = arith.index_cast %mul3A_1203 : i32 to index
      %get3A_1207 = tpu.vector_load %arg6[%get3A_1205, %get3A_1206] {strides = array<i32>} : memref<4x16384xf32, #tpu.memory_space<vmem>>, vector<1x16xf32>,
      %get3A_1208 = vector.shape_cast %get3A_1207 : vector<1x16xf32> to vector<16xf32>
      %get3A_1209 = arith.index_cast %mul3A_1203 : i32 to index
      %get3A_1210 = tpu.vector_load %arg5[%get3A_1209] {strides = array<i32>} : memref<16384xf32, #tpu.memory_space<vmem>>, vector<16xf32>,
      %get3A_1211 = vector.shape_cast %get3A_1210 : vector<16xf32> to vector<16xf32>
      %mul3A_1212 = arith.mulf %get3A_1208, %get3A_1211 : vector<16xf32>
      %add3A_1213 = arith.addf %add3A_1199, %mul3A_1212 : vector<16xf32>
      scf.yield %add3A_1213 : vector<16xf32>
    }
    %scan3A_831 = arith.constant 1024 : i32
    %xor3A_832 = arith.constant 1 : i32
    %xor3A_833 = vector.broadcast %xor3A_832 : i32 to vector<16xi32>
    %xor3A_834 = arith.xori %iota3A, %xor3A_833 : vector<16xi32>
    %lt3A_835 = arith.constant 0 : i32
    %lt3A_836 = vector.broadcast %lt3A_835 : i32 to vector<16xi32>
    %lt3A_837 = arith.cmpi slt, %xor3A_834, %lt3A_836 : vector<16xi32>
    %add3A_838 = arith.constant 16 : i32
    %add3A_839 = vector.broadcast %add3A_838 : i32 to vector<16xi32>
    %add3A_840 = arith.addi %xor3A_834, %add3A_839 : vector<16xi32>
    %select_n3A_841 = arith.select %lt3A_837, %add3A_840, %xor3A_834 : vector<16xi1>, vector<16xi32>
    %broadcast_in_dim3A_842 = vector.shape_cast %select_n3A_841 : vector<16xi32> to vector<16x1xi32>
    %gather3A_843 = vector.shape_cast %broadcast_in_dim3A_842 : vector<16x1xi32> to vector<16xi32>
    %gather3A_844 = tpu.dynamic_gather %scan3A_830[%gather3A_843] in [0] : vector<16xf32>, vector<16xi32> -> vector<16xf32>
    %add3A_845 = arith.addf %scan3A_830, %gather3A_844 : vector<16xf32>
    %xor3A_846 = arith.constant 2 : i32
    %xor3A_847 = vector.broadcast %xor3A_846 : i32 to vector<16xi32>
    %xor3A_848 = arith.xori %iota3A, %xor3A_847 : vector<16xi32>
    %lt3A_849 = arith.constant 0 : i32
    %lt3A_850 = vector.broadcast %lt3A_849 : i32 to vector<16xi32>
    %lt3A_851 = arith.cmpi slt, %xor3A_848, %lt3A_850 : vector<16xi32>
    %add3A_852 = arith.constant 16 : i32
    %add3A_853 = vector.broadcast %add3A_852 : i32 to vector<16xi32>
    %add3A_854 = arith.addi %xor3A_848, %add3A_853 : vector<16xi32>
    %select_n3A_855 = arith.select %lt3A_851, %add3A_854, %xor3A_848 : vector<16xi1>, vector<16xi32>
    %broadcast_in_dim3A_856 = vector.shape_cast %select_n3A_855 : vector<16xi32> to vector<16x1xi32>
    %gather3A_857 = vector.shape_cast %broadcast_in_dim3A_856 : vector<16x1xi32> to vector<16xi32>
    %gather3A_858 = tpu.dynamic_gather %add3A_845[%gather3A_857] in [0] : vector<16xf32>, vector<16xi32> -> vector<16xf32>
    %add3A_859 = arith.addf %add3A_845, %gather3A_858 : vector<16xf32>
    %xor3A_860 = arith.constant 4 : i32
    %xor3A_861 = vector.broadcast %xor3A_860 : i32 to vector<16xi32>
    %xor3A_862 = arith.xori %iota3A, %xor3A_861 : vector<16xi32>
    %lt3A_863 = arith.constant 0 : i32
    %lt3A_864 = vector.broadcast %lt3A_863 : i32 to vector<16xi32>
    %lt3A_865 = arith.cmpi slt, %xor3A_862, %lt3A_864 : vector<16xi32>
    %add3A_866 = arith.constant 16 : i32
    %add3A_867 = vector.broadcast %add3A_866 : i32 to vector<16xi32>
    %add3A_868 = arith.addi %xor3A_862, %add3A_867 : vector<16xi32>
    %select_n3A_869 = arith.select %lt3A_865, %add3A_868, %xor3A_862 : vector<16xi1>, vector<16xi32>
    %broadcast_in_dim3A_870 = vector.shape_cast %select_n3A_869 : vector<16xi32> to vector<16x1xi32>
    %gather3A_871 = vector.shape_cast %broadcast_in_dim3A_870 : vector<16x1xi32> to vector<16xi32>
    %gather3A_872 = tpu.dynamic_gather %add3A_859[%gather3A_871] in [0] : vector<16xf32>, vector<16xi32> -> vector<16xf32>
    %add3A_873 = arith.addf %add3A_859, %gather3A_872 : vector<16xf32>
    %xor3A_874 = arith.constant 8 : i32
    %xor3A_875 = vector.broadcast %xor3A_874 : i32 to vector<16xi32>
    %xor3A_876 = arith.xori %iota3A, %xor3A_875 : vector<16xi32>
    %lt3A_877 = arith.constant 0 : i32
    %lt3A_878 = vector.broadcast %lt3A_877 : i32 to vector<16xi32>
    %lt3A_879 = arith.cmpi slt, %xor3A_876, %lt3A_878 : vector<16xi32>
    %add3A_880 = arith.constant 16 : i32
    %add3A_881 = vector.broadcast %add3A_880 : i32 to vector<16xi32>
    %add3A_882 = arith.addi %xor3A_876, %add3A_881 : vector<16xi32>
    %select_n3A_883 = arith.select %lt3A_879, %add3A_882, %xor3A_876 : vector<16xi1>, vector<16xi32>
    %broadcast_in_dim3A_884 = vector.shape_cast %select_n3A_883 : vector<16xi32> to vector<16x1xi32>
    %gather3A_885 = vector.shape_cast %broadcast_in_dim3A_884 : vector<16x1xi32> to vector<16xi32>
    %gather3A_886 = tpu.dynamic_gather %add3A_873[%gather3A_885] in [0] : vector<16xf32>, vector<16xi32> -> vector<16xf32>
    %add3A_887 = arith.addf %add3A_873, %gather3A_886 : vector<16xf32>
    %eq3A_888 = arith.constant 12 : i32
    %eq3A_889 = vector.broadcast %eq3A_888 : i32 to vector<16xi32>
    %eq3A_890 = arith.cmpi eq, %iota3A, %eq3A_889 : vector<16xi32>
    %select_n3A_891 = arith.select %eq3A_890, %add3A_887, %select_n3A_821 : vector<16xi1>, vector<16xf32>
    %broadcast_in_dim3A_892 = arith.constant 0.000000e+00 : f32
    %broadcast_in_dim3A_893 = vector.broadcast %broadcast_in_dim3A_892 : f32 to vector<16xf32>
    %scan3A_894 = arith.constant 0 : i32
    %scan3A_895 = arith.constant 1024 : i32
    %scan3A_896 = arith.addi %scan3A_894, %scan3A_895 : i32
    %scan3A_897 = arith.constant 8 : i32
    %scan3A_898 = scf.for %scan3A_1103 = %scan3A_894 to %scan3A_896 step %scan3A_897 iter_args(%scan3A_1104 = %broadcast_in_dim3A_893) -> (vector<16xf32>)  : i32 {
      %mul3A_1105 = arith.constant 16 : i32
      %mul3A_1106 = arith.muli %scan3A_1103, %mul3A_1105 : i32
      %get3A = arith.constant 1 : i32
      %get3A_1107 = arith.index_cast %get3A : i32 to index
      %get3A_1108 = arith.index_cast %mul3A_1106 : i32 to index
      %get3A_1109 = tpu.vector_load %arg6[%get3A_1107, %get3A_1108] {strides = array<i32>} : memref<4x16384xf32, #tpu.memory_space<vmem>>, vector<1x16xf32>,
      %get3A_1110 = vector.shape_cast %get3A_1109 : vector<1x16xf32> to vector<16xf32>
      %get3A_1111 = arith.index_cast %mul3A_1106 : i32 to index
      %get3A_1112 = tpu.vector_load %arg5[%get3A_1111] {strides = array<i32>} : memref<16384xf32, #tpu.memory_space<vmem>>, vector<16xf32>,
      %get3A_1113 = vector.shape_cast %get3A_1112 : vector<16xf32> to vector<16xf32>
      %mul3A_1114 = arith.mulf %get3A_1110, %get3A_1113 : vector<16xf32>
      %add3A_1115 = arith.addf %scan3A_1104, %mul3A_1114 : vector<16xf32>
      %scan3A_1116 = arith.constant 1 : i32
      %scan3A_1117 = arith.addi %scan3A_1103, %scan3A_1116 : i32
      %mul3A_1118 = arith.constant 16 : i32
      %mul3A_1119 = arith.muli %scan3A_1117, %mul3A_1118 : i32
      %get3A_1120 = arith.constant 1 : i32
      %get3A_1121 = arith.index_cast %get3A_1120 : i32 to index
      %get3A_1122 = arith.index_cast %mul3A_1119 : i32 to index
      %get3A_1123 = tpu.vector_load %arg6[%get3A_1121, %get3A_1122] {strides = array<i32>} : memref<4x16384xf32, #tpu.memory_space<vmem>>, vector<1x16xf32>,
      %get3A_1124 = vector.shape_cast %get3A_1123 : vector<1x16xf32> to vector<16xf32>
      %get3A_1125 = arith.index_cast %mul3A_1119 : i32 to index
      %get3A_1126 = tpu.vector_load %arg5[%get3A_1125] {strides = array<i32>} : memref<16384xf32, #tpu.memory_space<vmem>>, vector<16xf32>,
      %get3A_1127 = vector.shape_cast %get3A_1126 : vector<16xf32> to vector<16xf32>
      %mul3A_1128 = arith.mulf %get3A_1124, %get3A_1127 : vector<16xf32>
      %add3A_1129 = arith.addf %add3A_1115, %mul3A_1128 : vector<16xf32>
      %scan3A_1130 = arith.constant 2 : i32
      %scan3A_1131 = arith.addi %scan3A_1103, %scan3A_1130 : i32
      %mul3A_1132 = arith.constant 16 : i32
      %mul3A_1133 = arith.muli %scan3A_1131, %mul3A_1132 : i32
      %get3A_1134 = arith.constant 1 : i32
      %get3A_1135 = arith.index_cast %get3A_1134 : i32 to index
      %get3A_1136 = arith.index_cast %mul3A_1133 : i32 to index
      %get3A_1137 = tpu.vector_load %arg6[%get3A_1135, %get3A_1136] {strides = array<i32>} : memref<4x16384xf32, #tpu.memory_space<vmem>>, vector<1x16xf32>,
      %get3A_1138 = vector.shape_cast %get3A_1137 : vector<1x16xf32> to vector<16xf32>
      %get3A_1139 = arith.index_cast %mul3A_1133 : i32 to index
      %get3A_1140 = tpu.vector_load %arg5[%get3A_1139] {strides = array<i32>} : memref<16384xf32, #tpu.memory_space<vmem>>, vector<16xf32>,
      %get3A_1141 = vector.shape_cast %get3A_1140 : vector<16xf32> to vector<16xf32>
      %mul3A_1142 = arith.mulf %get3A_1138, %get3A_1141 : vector<16xf32>
      %add3A_1143 = arith.addf %add3A_1129, %mul3A_1142 : vector<16xf32>
      %scan3A_1144 = arith.constant 3 : i32
      %scan3A_1145 = arith.addi %scan3A_1103, %scan3A_1144 : i32
      %mul3A_1146 = arith.constant 16 : i32
      %mul3A_1147 = arith.muli %scan3A_1145, %mul3A_1146 : i32
      %get3A_1148 = arith.constant 1 : i32
      %get3A_1149 = arith.index_cast %get3A_1148 : i32 to index
      %get3A_1150 = arith.index_cast %mul3A_1147 : i32 to index
      %get3A_1151 = tpu.vector_load %arg6[%get3A_1149, %get3A_1150] {strides = array<i32>} : memref<4x16384xf32, #tpu.memory_space<vmem>>, vector<1x16xf32>,
      %get3A_1152 = vector.shape_cast %get3A_1151 : vector<1x16xf32> to vector<16xf32>
      %get3A_1153 = arith.index_cast %mul3A_1147 : i32 to index
      %get3A_1154 = tpu.vector_load %arg5[%get3A_1153] {strides = array<i32>} : memref<16384xf32, #tpu.memory_space<vmem>>, vector<16xf32>,
      %get3A_1155 = vector.shape_cast %get3A_1154 : vector<16xf32> to vector<16xf32>
      %mul3A_1156 = arith.mulf %get3A_1152, %get3A_1155 : vector<16xf32>
      %add3A_1157 = arith.addf %add3A_1143, %mul3A_1156 : vector<16xf32>
      %scan3A_1158 = arith.constant 4 : i32
      %scan3A_1159 = arith.addi %scan3A_1103, %scan3A_1158 : i32
      %mul3A_1160 = arith.constant 16 : i32
      %mul3A_1161 = arith.muli %scan3A_1159, %mul3A_1160 : i32
      %get3A_1162 = arith.constant 1 : i32
      %get3A_1163 = arith.index_cast %get3A_1162 : i32 to index
      %get3A_1164 = arith.index_cast %mul3A_1161 : i32 to index
      %get3A_1165 = tpu.vector_load %arg6[%get3A_1163, %get3A_1164] {strides = array<i32>} : memref<4x16384xf32, #tpu.memory_space<vmem>>, vector<1x16xf32>,
      %get3A_1166 = vector.shape_cast %get3A_1165 : vector<1x16xf32> to vector<16xf32>
      %get3A_1167 = arith.index_cast %mul3A_1161 : i32 to index
      %get3A_1168 = tpu.vector_load %arg5[%get3A_1167] {strides = array<i32>} : memref<16384xf32, #tpu.memory_space<vmem>>, vector<16xf32>,
      %get3A_1169 = vector.shape_cast %get3A_1168 : vector<16xf32> to vector<16xf32>
      %mul3A_1170 = arith.mulf %get3A_1166, %get3A_1169 : vector<16xf32>
      %add3A_1171 = arith.addf %add3A_1157, %mul3A_1170 : vector<16xf32>
      %scan3A_1172 = arith.constant 5 : i32
      %scan3A_1173 = arith.addi %scan3A_1103, %scan3A_1172 : i32
      %mul3A_1174 = arith.constant 16 : i32
      %mul3A_1175 = arith.muli %scan3A_1173, %mul3A_1174 : i32
      %get3A_1176 = arith.constant 1 : i32
      %get3A_1177 = arith.index_cast %get3A_1176 : i32 to index
      %get3A_1178 = arith.index_cast %mul3A_1175 : i32 to index
      %get3A_1179 = tpu.vector_load %arg6[%get3A_1177, %get3A_1178] {strides = array<i32>} : memref<4x16384xf32, #tpu.memory_space<vmem>>, vector<1x16xf32>,
      %get3A_1180 = vector.shape_cast %get3A_1179 : vector<1x16xf32> to vector<16xf32>
      %get3A_1181 = arith.index_cast %mul3A_1175 : i32 to index
      %get3A_1182 = tpu.vector_load %arg5[%get3A_1181] {strides = array<i32>} : memref<16384xf32, #tpu.memory_space<vmem>>, vector<16xf32>,
      %get3A_1183 = vector.shape_cast %get3A_1182 : vector<16xf32> to vector<16xf32>
      %mul3A_1184 = arith.mulf %get3A_1180, %get3A_1183 : vector<16xf32>
      %add3A_1185 = arith.addf %add3A_1171, %mul3A_1184 : vector<16xf32>
      %scan3A_1186 = arith.constant 6 : i32
      %scan3A_1187 = arith.addi %scan3A_1103, %scan3A_1186 : i32
      %mul3A_1188 = arith.constant 16 : i32
      %mul3A_1189 = arith.muli %scan3A_1187, %mul3A_1188 : i32
      %get3A_1190 = arith.constant 1 : i32
      %get3A_1191 = arith.index_cast %get3A_1190 : i32 to index
      %get3A_1192 = arith.index_cast %mul3A_1189 : i32 to index
      %get3A_1193 = tpu.vector_load %arg6[%get3A_1191, %get3A_1192] {strides = array<i32>} : memref<4x16384xf32, #tpu.memory_space<vmem>>, vector<1x16xf32>,
      %get3A_1194 = vector.shape_cast %get3A_1193 : vector<1x16xf32> to vector<16xf32>
      %get3A_1195 = arith.index_cast %mul3A_1189 : i32 to index
      %get3A_1196 = tpu.vector_load %arg5[%get3A_1195] {strides = array<i32>} : memref<16384xf32, #tpu.memory_space<vmem>>, vector<16xf32>,
      %get3A_1197 = vector.shape_cast %get3A_1196 : vector<16xf32> to vector<16xf32>
      %mul3A_1198 = arith.mulf %get3A_1194, %get3A_1197 : vector<16xf32>
      %add3A_1199 = arith.addf %add3A_1185, %mul3A_1198 : vector<16xf32>
      %scan3A_1200 = arith.constant 7 : i32
      %scan3A_1201 = arith.addi %scan3A_1103, %scan3A_1200 : i32
      %mul3A_1202 = arith.constant 16 : i32
      %mul3A_1203 = arith.muli %scan3A_1201, %mul3A_1202 : i32
      %get3A_1204 = arith.constant 1 : i32
      %get3A_1205 = arith.index_cast %get3A_1204 : i32 to index
      %get3A_1206 = arith.index_cast %mul3A_1203 : i32 to index
      %get3A_1207 = tpu.vector_load %arg6[%get3A_1205, %get3A_1206] {strides = array<i32>} : memref<4x16384xf32, #tpu.memory_space<vmem>>, vector<1x16xf32>,
      %get3A_1208 = vector.shape_cast %get3A_1207 : vector<1x16xf32> to vector<16xf32>
      %get3A_1209 = arith.index_cast %mul3A_1203 : i32 to index
      %get3A_1210 = tpu.vector_load %arg5[%get3A_1209] {strides = array<i32>} : memref<16384xf32, #tpu.memory_space<vmem>>, vector<16xf32>,
      %get3A_1211 = vector.shape_cast %get3A_1210 : vector<16xf32> to vector<16xf32>
      %mul3A_1212 = arith.mulf %get3A_1208, %get3A_1211 : vector<16xf32>
      %add3A_1213 = arith.addf %add3A_1199, %mul3A_1212 : vector<16xf32>
      scf.yield %add3A_1213 : vector<16xf32>
    }
    %scan3A_899 = arith.constant 1024 : i32
    %xor3A_900 = arith.constant 1 : i32
    %xor3A_901 = vector.broadcast %xor3A_900 : i32 to vector<16xi32>
    %xor3A_902 = arith.xori %iota3A, %xor3A_901 : vector<16xi32>
    %lt3A_903 = arith.constant 0 : i32
    %lt3A_904 = vector.broadcast %lt3A_903 : i32 to vector<16xi32>
    %lt3A_905 = arith.cmpi slt, %xor3A_902, %lt3A_904 : vector<16xi32>
    %add3A_906 = arith.constant 16 : i32
    %add3A_907 = vector.broadcast %add3A_906 : i32 to vector<16xi32>
    %add3A_908 = arith.addi %xor3A_902, %add3A_907 : vector<16xi32>
    %select_n3A_909 = arith.select %lt3A_905, %add3A_908, %xor3A_902 : vector<16xi1>, vector<16xi32>
    %broadcast_in_dim3A_910 = vector.shape_cast %select_n3A_909 : vector<16xi32> to vector<16x1xi32>
    %gather3A_911 = vector.shape_cast %broadcast_in_dim3A_910 : vector<16x1xi32> to vector<16xi32>
    %gather3A_912 = tpu.dynamic_gather %scan3A_898[%gather3A_911] in [0] : vector<16xf32>, vector<16xi32> -> vector<16xf32>
    %add3A_913 = arith.addf %scan3A_898, %gather3A_912 : vector<16xf32>
    %xor3A_914 = arith.constant 2 : i32
    %xor3A_915 = vector.broadcast %xor3A_914 : i32 to vector<16xi32>
    %xor3A_916 = arith.xori %iota3A, %xor3A_915 : vector<16xi32>
    %lt3A_917 = arith.constant 0 : i32
    %lt3A_918 = vector.broadcast %lt3A_917 : i32 to vector<16xi32>
    %lt3A_919 = arith.cmpi slt, %xor3A_916, %lt3A_918 : vector<16xi32>
    %add3A_920 = arith.constant 16 : i32
    %add3A_921 = vector.broadcast %add3A_920 : i32 to vector<16xi32>
    %add3A_922 = arith.addi %xor3A_916, %add3A_921 : vector<16xi32>
    %select_n3A_923 = arith.select %lt3A_919, %add3A_922, %xor3A_916 : vector<16xi1>, vector<16xi32>
    %broadcast_in_dim3A_924 = vector.shape_cast %select_n3A_923 : vector<16xi32> to vector<16x1xi32>
    %gather3A_925 = vector.shape_cast %broadcast_in_dim3A_924 : vector<16x1xi32> to vector<16xi32>
    %gather3A_926 = tpu.dynamic_gather %add3A_913[%gather3A_925] in [0] : vector<16xf32>, vector<16xi32> -> vector<16xf32>
    %add3A_927 = arith.addf %add3A_913, %gather3A_926 : vector<16xf32>
    %xor3A_928 = arith.constant 4 : i32
    %xor3A_929 = vector.broadcast %xor3A_928 : i32 to vector<16xi32>
    %xor3A_930 = arith.xori %iota3A, %xor3A_929 : vector<16xi32>
    %lt3A_931 = arith.constant 0 : i32
    %lt3A_932 = vector.broadcast %lt3A_931 : i32 to vector<16xi32>
    %lt3A_933 = arith.cmpi slt, %xor3A_930, %lt3A_932 : vector<16xi32>
    %add3A_934 = arith.constant 16 : i32
    %add3A_935 = vector.broadcast %add3A_934 : i32 to vector<16xi32>
    %add3A_936 = arith.addi %xor3A_930, %add3A_935 : vector<16xi32>
    %select_n3A_937 = arith.select %lt3A_933, %add3A_936, %xor3A_930 : vector<16xi1>, vector<16xi32>
    %broadcast_in_dim3A_938 = vector.shape_cast %select_n3A_937 : vector<16xi32> to vector<16x1xi32>
    %gather3A_939 = vector.shape_cast %broadcast_in_dim3A_938 : vector<16x1xi32> to vector<16xi32>
    %gather3A_940 = tpu.dynamic_gather %add3A_927[%gather3A_939] in [0] : vector<16xf32>, vector<16xi32> -> vector<16xf32>
    %add3A_941 = arith.addf %add3A_927, %gather3A_940 : vector<16xf32>
    %xor3A_942 = arith.constant 8 : i32
    %xor3A_943 = vector.broadcast %xor3A_942 : i32 to vector<16xi32>
    %xor3A_944 = arith.xori %iota3A, %xor3A_943 : vector<16xi32>
    %lt3A_945 = arith.constant 0 : i32
    %lt3A_946 = vector.broadcast %lt3A_945 : i32 to vector<16xi32>
    %lt3A_947 = arith.cmpi slt, %xor3A_944, %lt3A_946 : vector<16xi32>
    %add3A_948 = arith.constant 16 : i32
    %add3A_949 = vector.broadcast %add3A_948 : i32 to vector<16xi32>
    %add3A_950 = arith.addi %xor3A_944, %add3A_949 : vector<16xi32>
    %select_n3A_951 = arith.select %lt3A_947, %add3A_950, %xor3A_944 : vector<16xi1>, vector<16xi32>
    %broadcast_in_dim3A_952 = vector.shape_cast %select_n3A_951 : vector<16xi32> to vector<16x1xi32>
    %gather3A_953 = vector.shape_cast %broadcast_in_dim3A_952 : vector<16x1xi32> to vector<16xi32>
    %gather3A_954 = tpu.dynamic_gather %add3A_941[%gather3A_953] in [0] : vector<16xf32>, vector<16xi32> -> vector<16xf32>
    %add3A_955 = arith.addf %add3A_941, %gather3A_954 : vector<16xf32>
    %eq3A_956 = arith.constant 13 : i32
    %eq3A_957 = vector.broadcast %eq3A_956 : i32 to vector<16xi32>
    %eq3A_958 = arith.cmpi eq, %iota3A, %eq3A_957 : vector<16xi32>
    %select_n3A_959 = arith.select %eq3A_958, %add3A_955, %select_n3A_891 : vector<16xi1>, vector<16xf32>
    %broadcast_in_dim3A_960 = arith.constant 0.000000e+00 : f32
    %broadcast_in_dim3A_961 = vector.broadcast %broadcast_in_dim3A_960 : f32 to vector<16xf32>
    %scan3A_962 = arith.constant 0 : i32
    %scan3A_963 = arith.constant 1024 : i32
    %scan3A_964 = arith.addi %scan3A_962, %scan3A_963 : i32
    %scan3A_965 = arith.constant 8 : i32
    %scan3A_966 = scf.for %scan3A_1103 = %scan3A_962 to %scan3A_964 step %scan3A_965 iter_args(%scan3A_1104 = %broadcast_in_dim3A_961) -> (vector<16xf32>)  : i32 {
      %mul3A_1105 = arith.constant 16 : i32
      %mul3A_1106 = arith.muli %scan3A_1103, %mul3A_1105 : i32
      %get3A = arith.constant 2 : i32
      %get3A_1107 = arith.index_cast %get3A : i32 to index
      %get3A_1108 = arith.index_cast %mul3A_1106 : i32 to index
      %get3A_1109 = tpu.vector_load %arg6[%get3A_1107, %get3A_1108] {strides = array<i32>} : memref<4x16384xf32, #tpu.memory_space<vmem>>, vector<1x16xf32>,
      %get3A_1110 = vector.shape_cast %get3A_1109 : vector<1x16xf32> to vector<16xf32>
      %get3A_1111 = arith.index_cast %mul3A_1106 : i32 to index
      %get3A_1112 = tpu.vector_load %arg5[%get3A_1111] {strides = array<i32>} : memref<16384xf32, #tpu.memory_space<vmem>>, vector<16xf32>,
      %get3A_1113 = vector.shape_cast %get3A_1112 : vector<16xf32> to vector<16xf32>
      %mul3A_1114 = arith.mulf %get3A_1110, %get3A_1113 : vector<16xf32>
      %add3A_1115 = arith.addf %scan3A_1104, %mul3A_1114 : vector<16xf32>
      %scan3A_1116 = arith.constant 1 : i32
      %scan3A_1117 = arith.addi %scan3A_1103, %scan3A_1116 : i32
      %mul3A_1118 = arith.constant 16 : i32
      %mul3A_1119 = arith.muli %scan3A_1117, %mul3A_1118 : i32
      %get3A_1120 = arith.constant 2 : i32
      %get3A_1121 = arith.index_cast %get3A_1120 : i32 to index
      %get3A_1122 = arith.index_cast %mul3A_1119 : i32 to index
      %get3A_1123 = tpu.vector_load %arg6[%get3A_1121, %get3A_1122] {strides = array<i32>} : memref<4x16384xf32, #tpu.memory_space<vmem>>, vector<1x16xf32>,
      %get3A_1124 = vector.shape_cast %get3A_1123 : vector<1x16xf32> to vector<16xf32>
      %get3A_1125 = arith.index_cast %mul3A_1119 : i32 to index
      %get3A_1126 = tpu.vector_load %arg5[%get3A_1125] {strides = array<i32>} : memref<16384xf32, #tpu.memory_space<vmem>>, vector<16xf32>,
      %get3A_1127 = vector.shape_cast %get3A_1126 : vector<16xf32> to vector<16xf32>
      %mul3A_1128 = arith.mulf %get3A_1124, %get3A_1127 : vector<16xf32>
      %add3A_1129 = arith.addf %add3A_1115, %mul3A_1128 : vector<16xf32>
      %scan3A_1130 = arith.constant 2 : i32
      %scan3A_1131 = arith.addi %scan3A_1103, %scan3A_1130 : i32
      %mul3A_1132 = arith.constant 16 : i32
      %mul3A_1133 = arith.muli %scan3A_1131, %mul3A_1132 : i32
      %get3A_1134 = arith.constant 2 : i32
      %get3A_1135 = arith.index_cast %get3A_1134 : i32 to index
      %get3A_1136 = arith.index_cast %mul3A_1133 : i32 to index
      %get3A_1137 = tpu.vector_load %arg6[%get3A_1135, %get3A_1136] {strides = array<i32>} : memref<4x16384xf32, #tpu.memory_space<vmem>>, vector<1x16xf32>,
      %get3A_1138 = vector.shape_cast %get3A_1137 : vector<1x16xf32> to vector<16xf32>
      %get3A_1139 = arith.index_cast %mul3A_1133 : i32 to index
      %get3A_1140 = tpu.vector_load %arg5[%get3A_1139] {strides = array<i32>} : memref<16384xf32, #tpu.memory_space<vmem>>, vector<16xf32>,
      %get3A_1141 = vector.shape_cast %get3A_1140 : vector<16xf32> to vector<16xf32>
      %mul3A_1142 = arith.mulf %get3A_1138, %get3A_1141 : vector<16xf32>
      %add3A_1143 = arith.addf %add3A_1129, %mul3A_1142 : vector<16xf32>
      %scan3A_1144 = arith.constant 3 : i32
      %scan3A_1145 = arith.addi %scan3A_1103, %scan3A_1144 : i32
      %mul3A_1146 = arith.constant 16 : i32
      %mul3A_1147 = arith.muli %scan3A_1145, %mul3A_1146 : i32
      %get3A_1148 = arith.constant 2 : i32
      %get3A_1149 = arith.index_cast %get3A_1148 : i32 to index
      %get3A_1150 = arith.index_cast %mul3A_1147 : i32 to index
      %get3A_1151 = tpu.vector_load %arg6[%get3A_1149, %get3A_1150] {strides = array<i32>} : memref<4x16384xf32, #tpu.memory_space<vmem>>, vector<1x16xf32>,
      %get3A_1152 = vector.shape_cast %get3A_1151 : vector<1x16xf32> to vector<16xf32>
      %get3A_1153 = arith.index_cast %mul3A_1147 : i32 to index
      %get3A_1154 = tpu.vector_load %arg5[%get3A_1153] {strides = array<i32>} : memref<16384xf32, #tpu.memory_space<vmem>>, vector<16xf32>,
      %get3A_1155 = vector.shape_cast %get3A_1154 : vector<16xf32> to vector<16xf32>
      %mul3A_1156 = arith.mulf %get3A_1152, %get3A_1155 : vector<16xf32>
      %add3A_1157 = arith.addf %add3A_1143, %mul3A_1156 : vector<16xf32>
      %scan3A_1158 = arith.constant 4 : i32
      %scan3A_1159 = arith.addi %scan3A_1103, %scan3A_1158 : i32
      %mul3A_1160 = arith.constant 16 : i32
      %mul3A_1161 = arith.muli %scan3A_1159, %mul3A_1160 : i32
      %get3A_1162 = arith.constant 2 : i32
      %get3A_1163 = arith.index_cast %get3A_1162 : i32 to index
      %get3A_1164 = arith.index_cast %mul3A_1161 : i32 to index
      %get3A_1165 = tpu.vector_load %arg6[%get3A_1163, %get3A_1164] {strides = array<i32>} : memref<4x16384xf32, #tpu.memory_space<vmem>>, vector<1x16xf32>,
      %get3A_1166 = vector.shape_cast %get3A_1165 : vector<1x16xf32> to vector<16xf32>
      %get3A_1167 = arith.index_cast %mul3A_1161 : i32 to index
      %get3A_1168 = tpu.vector_load %arg5[%get3A_1167] {strides = array<i32>} : memref<16384xf32, #tpu.memory_space<vmem>>, vector<16xf32>,
      %get3A_1169 = vector.shape_cast %get3A_1168 : vector<16xf32> to vector<16xf32>
      %mul3A_1170 = arith.mulf %get3A_1166, %get3A_1169 : vector<16xf32>
      %add3A_1171 = arith.addf %add3A_1157, %mul3A_1170 : vector<16xf32>
      %scan3A_1172 = arith.constant 5 : i32
      %scan3A_1173 = arith.addi %scan3A_1103, %scan3A_1172 : i32
      %mul3A_1174 = arith.constant 16 : i32
      %mul3A_1175 = arith.muli %scan3A_1173, %mul3A_1174 : i32
      %get3A_1176 = arith.constant 2 : i32
      %get3A_1177 = arith.index_cast %get3A_1176 : i32 to index
      %get3A_1178 = arith.index_cast %mul3A_1175 : i32 to index
      %get3A_1179 = tpu.vector_load %arg6[%get3A_1177, %get3A_1178] {strides = array<i32>} : memref<4x16384xf32, #tpu.memory_space<vmem>>, vector<1x16xf32>,
      %get3A_1180 = vector.shape_cast %get3A_1179 : vector<1x16xf32> to vector<16xf32>
      %get3A_1181 = arith.index_cast %mul3A_1175 : i32 to index
      %get3A_1182 = tpu.vector_load %arg5[%get3A_1181] {strides = array<i32>} : memref<16384xf32, #tpu.memory_space<vmem>>, vector<16xf32>,
      %get3A_1183 = vector.shape_cast %get3A_1182 : vector<16xf32> to vector<16xf32>
      %mul3A_1184 = arith.mulf %get3A_1180, %get3A_1183 : vector<16xf32>
      %add3A_1185 = arith.addf %add3A_1171, %mul3A_1184 : vector<16xf32>
      %scan3A_1186 = arith.constant 6 : i32
      %scan3A_1187 = arith.addi %scan3A_1103, %scan3A_1186 : i32
      %mul3A_1188 = arith.constant 16 : i32
      %mul3A_1189 = arith.muli %scan3A_1187, %mul3A_1188 : i32
      %get3A_1190 = arith.constant 2 : i32
      %get3A_1191 = arith.index_cast %get3A_1190 : i32 to index
      %get3A_1192 = arith.index_cast %mul3A_1189 : i32 to index
      %get3A_1193 = tpu.vector_load %arg6[%get3A_1191, %get3A_1192] {strides = array<i32>} : memref<4x16384xf32, #tpu.memory_space<vmem>>, vector<1x16xf32>,
      %get3A_1194 = vector.shape_cast %get3A_1193 : vector<1x16xf32> to vector<16xf32>
      %get3A_1195 = arith.index_cast %mul3A_1189 : i32 to index
      %get3A_1196 = tpu.vector_load %arg5[%get3A_1195] {strides = array<i32>} : memref<16384xf32, #tpu.memory_space<vmem>>, vector<16xf32>,
      %get3A_1197 = vector.shape_cast %get3A_1196 : vector<16xf32> to vector<16xf32>
      %mul3A_1198 = arith.mulf %get3A_1194, %get3A_1197 : vector<16xf32>
      %add3A_1199 = arith.addf %add3A_1185, %mul3A_1198 : vector<16xf32>
      %scan3A_1200 = arith.constant 7 : i32
      %scan3A_1201 = arith.addi %scan3A_1103, %scan3A_1200 : i32
      %mul3A_1202 = arith.constant 16 : i32
      %mul3A_1203 = arith.muli %scan3A_1201, %mul3A_1202 : i32
      %get3A_1204 = arith.constant 2 : i32
      %get3A_1205 = arith.index_cast %get3A_1204 : i32 to index
      %get3A_1206 = arith.index_cast %mul3A_1203 : i32 to index
      %get3A_1207 = tpu.vector_load %arg6[%get3A_1205, %get3A_1206] {strides = array<i32>} : memref<4x16384xf32, #tpu.memory_space<vmem>>, vector<1x16xf32>,
      %get3A_1208 = vector.shape_cast %get3A_1207 : vector<1x16xf32> to vector<16xf32>
      %get3A_1209 = arith.index_cast %mul3A_1203 : i32 to index
      %get3A_1210 = tpu.vector_load %arg5[%get3A_1209] {strides = array<i32>} : memref<16384xf32, #tpu.memory_space<vmem>>, vector<16xf32>,
      %get3A_1211 = vector.shape_cast %get3A_1210 : vector<16xf32> to vector<16xf32>
      %mul3A_1212 = arith.mulf %get3A_1208, %get3A_1211 : vector<16xf32>
      %add3A_1213 = arith.addf %add3A_1199, %mul3A_1212 : vector<16xf32>
      scf.yield %add3A_1213 : vector<16xf32>
    }
    %scan3A_967 = arith.constant 1024 : i32
    %xor3A_968 = arith.constant 1 : i32
    %xor3A_969 = vector.broadcast %xor3A_968 : i32 to vector<16xi32>
    %xor3A_970 = arith.xori %iota3A, %xor3A_969 : vector<16xi32>
    %lt3A_971 = arith.constant 0 : i32
    %lt3A_972 = vector.broadcast %lt3A_971 : i32 to vector<16xi32>
    %lt3A_973 = arith.cmpi slt, %xor3A_970, %lt3A_972 : vector<16xi32>
    %add3A_974 = arith.constant 16 : i32
    %add3A_975 = vector.broadcast %add3A_974 : i32 to vector<16xi32>
    %add3A_976 = arith.addi %xor3A_970, %add3A_975 : vector<16xi32>
    %select_n3A_977 = arith.select %lt3A_973, %add3A_976, %xor3A_970 : vector<16xi1>, vector<16xi32>
    %broadcast_in_dim3A_978 = vector.shape_cast %select_n3A_977 : vector<16xi32> to vector<16x1xi32>
    %gather3A_979 = vector.shape_cast %broadcast_in_dim3A_978 : vector<16x1xi32> to vector<16xi32>
    %gather3A_980 = tpu.dynamic_gather %scan3A_966[%gather3A_979] in [0] : vector<16xf32>, vector<16xi32> -> vector<16xf32>
    %add3A_981 = arith.addf %scan3A_966, %gather3A_980 : vector<16xf32>
    %xor3A_982 = arith.constant 2 : i32
    %xor3A_983 = vector.broadcast %xor3A_982 : i32 to vector<16xi32>
    %xor3A_984 = arith.xori %iota3A, %xor3A_983 : vector<16xi32>
    %lt3A_985 = arith.constant 0 : i32
    %lt3A_986 = vector.broadcast %lt3A_985 : i32 to vector<16xi32>
    %lt3A_987 = arith.cmpi slt, %xor3A_984, %lt3A_986 : vector<16xi32>
    %add3A_988 = arith.constant 16 : i32
    %add3A_989 = vector.broadcast %add3A_988 : i32 to vector<16xi32>
    %add3A_990 = arith.addi %xor3A_984, %add3A_989 : vector<16xi32>
    %select_n3A_991 = arith.select %lt3A_987, %add3A_990, %xor3A_984 : vector<16xi1>, vector<16xi32>
    %broadcast_in_dim3A_992 = vector.shape_cast %select_n3A_991 : vector<16xi32> to vector<16x1xi32>
    %gather3A_993 = vector.shape_cast %broadcast_in_dim3A_992 : vector<16x1xi32> to vector<16xi32>
    %gather3A_994 = tpu.dynamic_gather %add3A_981[%gather3A_993] in [0] : vector<16xf32>, vector<16xi32> -> vector<16xf32>
    %add3A_995 = arith.addf %add3A_981, %gather3A_994 : vector<16xf32>
    %xor3A_996 = arith.constant 4 : i32
    %xor3A_997 = vector.broadcast %xor3A_996 : i32 to vector<16xi32>
    %xor3A_998 = arith.xori %iota3A, %xor3A_997 : vector<16xi32>
    %lt3A_999 = arith.constant 0 : i32
    %lt3A_1000 = vector.broadcast %lt3A_999 : i32 to vector<16xi32>
    %lt3A_1001 = arith.cmpi slt, %xor3A_998, %lt3A_1000 : vector<16xi32>
    %add3A_1002 = arith.constant 16 : i32
    %add3A_1003 = vector.broadcast %add3A_1002 : i32 to vector<16xi32>
    %add3A_1004 = arith.addi %xor3A_998, %add3A_1003 : vector<16xi32>
    %select_n3A_1005 = arith.select %lt3A_1001, %add3A_1004, %xor3A_998 : vector<16xi1>, vector<16xi32>
    %broadcast_in_dim3A_1006 = vector.shape_cast %select_n3A_1005 : vector<16xi32> to vector<16x1xi32>
    %gather3A_1007 = vector.shape_cast %broadcast_in_dim3A_1006 : vector<16x1xi32> to vector<16xi32>
    %gather3A_1008 = tpu.dynamic_gather %add3A_995[%gather3A_1007] in [0] : vector<16xf32>, vector<16xi32> -> vector<16xf32>
    %add3A_1009 = arith.addf %add3A_995, %gather3A_1008 : vector<16xf32>
    %xor3A_1010 = arith.constant 8 : i32
    %xor3A_1011 = vector.broadcast %xor3A_1010 : i32 to vector<16xi32>
    %xor3A_1012 = arith.xori %iota3A, %xor3A_1011 : vector<16xi32>
    %lt3A_1013 = arith.constant 0 : i32
    %lt3A_1014 = vector.broadcast %lt3A_1013 : i32 to vector<16xi32>
    %lt3A_1015 = arith.cmpi slt, %xor3A_1012, %lt3A_1014 : vector<16xi32>
    %add3A_1016 = arith.constant 16 : i32
    %add3A_1017 = vector.broadcast %add3A_1016 : i32 to vector<16xi32>
    %add3A_1018 = arith.addi %xor3A_1012, %add3A_1017 : vector<16xi32>
    %select_n3A_1019 = arith.select %lt3A_1015, %add3A_1018, %xor3A_1012 : vector<16xi1>, vector<16xi32>
    %broadcast_in_dim3A_1020 = vector.shape_cast %select_n3A_1019 : vector<16xi32> to vector<16x1xi32>
    %gather3A_1021 = vector.shape_cast %broadcast_in_dim3A_1020 : vector<16x1xi32> to vector<16xi32>
    %gather3A_1022 = tpu.dynamic_gather %add3A_1009[%gather3A_1021] in [0] : vector<16xf32>, vector<16xi32> -> vector<16xf32>
    %add3A_1023 = arith.addf %add3A_1009, %gather3A_1022 : vector<16xf32>
    %eq3A_1024 = arith.constant 14 : i32
    %eq3A_1025 = vector.broadcast %eq3A_1024 : i32 to vector<16xi32>
    %eq3A_1026 = arith.cmpi eq, %iota3A, %eq3A_1025 : vector<16xi32>
    %select_n3A_1027 = arith.select %eq3A_1026, %add3A_1023, %select_n3A_959 : vector<16xi1>, vector<16xf32>
    %broadcast_in_dim3A_1028 = arith.constant 0.000000e+00 : f32
    %broadcast_in_dim3A_1029 = vector.broadcast %broadcast_in_dim3A_1028 : f32 to vector<16xf32>
    %scan3A_1030 = arith.constant 0 : i32
    %scan3A_1031 = arith.constant 1024 : i32
    %scan3A_1032 = arith.addi %scan3A_1030, %scan3A_1031 : i32
    %scan3A_1033 = arith.constant 8 : i32
    %scan3A_1034 = scf.for %scan3A_1103 = %scan3A_1030 to %scan3A_1032 step %scan3A_1033 iter_args(%scan3A_1104 = %broadcast_in_dim3A_1029) -> (vector<16xf32>)  : i32 {
      %mul3A_1105 = arith.constant 16 : i32
      %mul3A_1106 = arith.muli %scan3A_1103, %mul3A_1105 : i32
      %get3A = arith.constant 3 : i32
      %get3A_1107 = arith.index_cast %get3A : i32 to index
      %get3A_1108 = arith.index_cast %mul3A_1106 : i32 to index
      %get3A_1109 = tpu.vector_load %arg6[%get3A_1107, %get3A_1108] {strides = array<i32>} : memref<4x16384xf32, #tpu.memory_space<vmem>>, vector<1x16xf32>,
      %get3A_1110 = vector.shape_cast %get3A_1109 : vector<1x16xf32> to vector<16xf32>
      %get3A_1111 = arith.index_cast %mul3A_1106 : i32 to index
      %get3A_1112 = tpu.vector_load %arg5[%get3A_1111] {strides = array<i32>} : memref<16384xf32, #tpu.memory_space<vmem>>, vector<16xf32>,
      %get3A_1113 = vector.shape_cast %get3A_1112 : vector<16xf32> to vector<16xf32>
      %mul3A_1114 = arith.mulf %get3A_1110, %get3A_1113 : vector<16xf32>
      %add3A_1115 = arith.addf %scan3A_1104, %mul3A_1114 : vector<16xf32>
      %scan3A_1116 = arith.constant 1 : i32
      %scan3A_1117 = arith.addi %scan3A_1103, %scan3A_1116 : i32
      %mul3A_1118 = arith.constant 16 : i32
      %mul3A_1119 = arith.muli %scan3A_1117, %mul3A_1118 : i32
      %get3A_1120 = arith.constant 3 : i32
      %get3A_1121 = arith.index_cast %get3A_1120 : i32 to index
      %get3A_1122 = arith.index_cast %mul3A_1119 : i32 to index
      %get3A_1123 = tpu.vector_load %arg6[%get3A_1121, %get3A_1122] {strides = array<i32>} : memref<4x16384xf32, #tpu.memory_space<vmem>>, vector<1x16xf32>,
      %get3A_1124 = vector.shape_cast %get3A_1123 : vector<1x16xf32> to vector<16xf32>
      %get3A_1125 = arith.index_cast %mul3A_1119 : i32 to index
      %get3A_1126 = tpu.vector_load %arg5[%get3A_1125] {strides = array<i32>} : memref<16384xf32, #tpu.memory_space<vmem>>, vector<16xf32>,
      %get3A_1127 = vector.shape_cast %get3A_1126 : vector<16xf32> to vector<16xf32>
      %mul3A_1128 = arith.mulf %get3A_1124, %get3A_1127 : vector<16xf32>
      %add3A_1129 = arith.addf %add3A_1115, %mul3A_1128 : vector<16xf32>
      %scan3A_1130 = arith.constant 2 : i32
      %scan3A_1131 = arith.addi %scan3A_1103, %scan3A_1130 : i32
      %mul3A_1132 = arith.constant 16 : i32
      %mul3A_1133 = arith.muli %scan3A_1131, %mul3A_1132 : i32
      %get3A_1134 = arith.constant 3 : i32
      %get3A_1135 = arith.index_cast %get3A_1134 : i32 to index
      %get3A_1136 = arith.index_cast %mul3A_1133 : i32 to index
      %get3A_1137 = tpu.vector_load %arg6[%get3A_1135, %get3A_1136] {strides = array<i32>} : memref<4x16384xf32, #tpu.memory_space<vmem>>, vector<1x16xf32>,
      %get3A_1138 = vector.shape_cast %get3A_1137 : vector<1x16xf32> to vector<16xf32>
      %get3A_1139 = arith.index_cast %mul3A_1133 : i32 to index
      %get3A_1140 = tpu.vector_load %arg5[%get3A_1139] {strides = array<i32>} : memref<16384xf32, #tpu.memory_space<vmem>>, vector<16xf32>,
      %get3A_1141 = vector.shape_cast %get3A_1140 : vector<16xf32> to vector<16xf32>
      %mul3A_1142 = arith.mulf %get3A_1138, %get3A_1141 : vector<16xf32>
      %add3A_1143 = arith.addf %add3A_1129, %mul3A_1142 : vector<16xf32>
      %scan3A_1144 = arith.constant 3 : i32
      %scan3A_1145 = arith.addi %scan3A_1103, %scan3A_1144 : i32
      %mul3A_1146 = arith.constant 16 : i32
      %mul3A_1147 = arith.muli %scan3A_1145, %mul3A_1146 : i32
      %get3A_1148 = arith.constant 3 : i32
      %get3A_1149 = arith.index_cast %get3A_1148 : i32 to index
      %get3A_1150 = arith.index_cast %mul3A_1147 : i32 to index
      %get3A_1151 = tpu.vector_load %arg6[%get3A_1149, %get3A_1150] {strides = array<i32>} : memref<4x16384xf32, #tpu.memory_space<vmem>>, vector<1x16xf32>,
      %get3A_1152 = vector.shape_cast %get3A_1151 : vector<1x16xf32> to vector<16xf32>
      %get3A_1153 = arith.index_cast %mul3A_1147 : i32 to index
      %get3A_1154 = tpu.vector_load %arg5[%get3A_1153] {strides = array<i32>} : memref<16384xf32, #tpu.memory_space<vmem>>, vector<16xf32>,
      %get3A_1155 = vector.shape_cast %get3A_1154 : vector<16xf32> to vector<16xf32>
      %mul3A_1156 = arith.mulf %get3A_1152, %get3A_1155 : vector<16xf32>
      %add3A_1157 = arith.addf %add3A_1143, %mul3A_1156 : vector<16xf32>
      %scan3A_1158 = arith.constant 4 : i32
      %scan3A_1159 = arith.addi %scan3A_1103, %scan3A_1158 : i32
      %mul3A_1160 = arith.constant 16 : i32
      %mul3A_1161 = arith.muli %scan3A_1159, %mul3A_1160 : i32
      %get3A_1162 = arith.constant 3 : i32
      %get3A_1163 = arith.index_cast %get3A_1162 : i32 to index
      %get3A_1164 = arith.index_cast %mul3A_1161 : i32 to index
      %get3A_1165 = tpu.vector_load %arg6[%get3A_1163, %get3A_1164] {strides = array<i32>} : memref<4x16384xf32, #tpu.memory_space<vmem>>, vector<1x16xf32>,
      %get3A_1166 = vector.shape_cast %get3A_1165 : vector<1x16xf32> to vector<16xf32>
      %get3A_1167 = arith.index_cast %mul3A_1161 : i32 to index
      %get3A_1168 = tpu.vector_load %arg5[%get3A_1167] {strides = array<i32>} : memref<16384xf32, #tpu.memory_space<vmem>>, vector<16xf32>,
      %get3A_1169 = vector.shape_cast %get3A_1168 : vector<16xf32> to vector<16xf32>
      %mul3A_1170 = arith.mulf %get3A_1166, %get3A_1169 : vector<16xf32>
      %add3A_1171 = arith.addf %add3A_1157, %mul3A_1170 : vector<16xf32>
      %scan3A_1172 = arith.constant 5 : i32
      %scan3A_1173 = arith.addi %scan3A_1103, %scan3A_1172 : i32
      %mul3A_1174 = arith.constant 16 : i32
      %mul3A_1175 = arith.muli %scan3A_1173, %mul3A_1174 : i32
      %get3A_1176 = arith.constant 3 : i32
      %get3A_1177 = arith.index_cast %get3A_1176 : i32 to index
      %get3A_1178 = arith.index_cast %mul3A_1175 : i32 to index
      %get3A_1179 = tpu.vector_load %arg6[%get3A_1177, %get3A_1178] {strides = array<i32>} : memref<4x16384xf32, #tpu.memory_space<vmem>>, vector<1x16xf32>,
      %get3A_1180 = vector.shape_cast %get3A_1179 : vector<1x16xf32> to vector<16xf32>
      %get3A_1181 = arith.index_cast %mul3A_1175 : i32 to index
      %get3A_1182 = tpu.vector_load %arg5[%get3A_1181] {strides = array<i32>} : memref<16384xf32, #tpu.memory_space<vmem>>, vector<16xf32>,
      %get3A_1183 = vector.shape_cast %get3A_1182 : vector<16xf32> to vector<16xf32>
      %mul3A_1184 = arith.mulf %get3A_1180, %get3A_1183 : vector<16xf32>
      %add3A_1185 = arith.addf %add3A_1171, %mul3A_1184 : vector<16xf32>
      %scan3A_1186 = arith.constant 6 : i32
      %scan3A_1187 = arith.addi %scan3A_1103, %scan3A_1186 : i32
      %mul3A_1188 = arith.constant 16 : i32
      %mul3A_1189 = arith.muli %scan3A_1187, %mul3A_1188 : i32
      %get3A_1190 = arith.constant 3 : i32
      %get3A_1191 = arith.index_cast %get3A_1190 : i32 to index
      %get3A_1192 = arith.index_cast %mul3A_1189 : i32 to index
      %get3A_1193 = tpu.vector_load %arg6[%get3A_1191, %get3A_1192] {strides = array<i32>} : memref<4x16384xf32, #tpu.memory_space<vmem>>, vector<1x16xf32>,
      %get3A_1194 = vector.shape_cast %get3A_1193 : vector<1x16xf32> to vector<16xf32>
      %get3A_1195 = arith.index_cast %mul3A_1189 : i32 to index
      %get3A_1196 = tpu.vector_load %arg5[%get3A_1195] {strides = array<i32>} : memref<16384xf32, #tpu.memory_space<vmem>>, vector<16xf32>,
      %get3A_1197 = vector.shape_cast %get3A_1196 : vector<16xf32> to vector<16xf32>
      %mul3A_1198 = arith.mulf %get3A_1194, %get3A_1197 : vector<16xf32>
      %add3A_1199 = arith.addf %add3A_1185, %mul3A_1198 : vector<16xf32>
      %scan3A_1200 = arith.constant 7 : i32
      %scan3A_1201 = arith.addi %scan3A_1103, %scan3A_1200 : i32
      %mul3A_1202 = arith.constant 16 : i32
      %mul3A_1203 = arith.muli %scan3A_1201, %mul3A_1202 : i32
      %get3A_1204 = arith.constant 3 : i32
      %get3A_1205 = arith.index_cast %get3A_1204 : i32 to index
      %get3A_1206 = arith.index_cast %mul3A_1203 : i32 to index
      %get3A_1207 = tpu.vector_load %arg6[%get3A_1205, %get3A_1206] {strides = array<i32>} : memref<4x16384xf32, #tpu.memory_space<vmem>>, vector<1x16xf32>,
      %get3A_1208 = vector.shape_cast %get3A_1207 : vector<1x16xf32> to vector<16xf32>
      %get3A_1209 = arith.index_cast %mul3A_1203 : i32 to index
      %get3A_1210 = tpu.vector_load %arg5[%get3A_1209] {strides = array<i32>} : memref<16384xf32, #tpu.memory_space<vmem>>, vector<16xf32>,
      %get3A_1211 = vector.shape_cast %get3A_1210 : vector<16xf32> to vector<16xf32>
      %mul3A_1212 = arith.mulf %get3A_1208, %get3A_1211 : vector<16xf32>
      %add3A_1213 = arith.addf %add3A_1199, %mul3A_1212 : vector<16xf32>
      scf.yield %add3A_1213 : vector<16xf32>
    }
    %scan3A_1035 = arith.constant 1024 : i32
    %xor3A_1036 = arith.constant 1 : i32
    %xor3A_1037 = vector.broadcast %xor3A_1036 : i32 to vector<16xi32>
    %xor3A_1038 = arith.xori %iota3A, %xor3A_1037 : vector<16xi32>
    %lt3A_1039 = arith.constant 0 : i32
    %lt3A_1040 = vector.broadcast %lt3A_1039 : i32 to vector<16xi32>
    %lt3A_1041 = arith.cmpi slt, %xor3A_1038, %lt3A_1040 : vector<16xi32>
    %add3A_1042 = arith.constant 16 : i32
    %add3A_1043 = vector.broadcast %add3A_1042 : i32 to vector<16xi32>
    %add3A_1044 = arith.addi %xor3A_1038, %add3A_1043 : vector<16xi32>
    %select_n3A_1045 = arith.select %lt3A_1041, %add3A_1044, %xor3A_1038 : vector<16xi1>, vector<16xi32>
    %broadcast_in_dim3A_1046 = vector.shape_cast %select_n3A_1045 : vector<16xi32> to vector<16x1xi32>
    %gather3A_1047 = vector.shape_cast %broadcast_in_dim3A_1046 : vector<16x1xi32> to vector<16xi32>
    %gather3A_1048 = tpu.dynamic_gather %scan3A_1034[%gather3A_1047] in [0] : vector<16xf32>, vector<16xi32> -> vector<16xf32>
    %add3A_1049 = arith.addf %scan3A_1034, %gather3A_1048 : vector<16xf32>
    %xor3A_1050 = arith.constant 2 : i32
    %xor3A_1051 = vector.broadcast %xor3A_1050 : i32 to vector<16xi32>
    %xor3A_1052 = arith.xori %iota3A, %xor3A_1051 : vector<16xi32>
    %lt3A_1053 = arith.constant 0 : i32
    %lt3A_1054 = vector.broadcast %lt3A_1053 : i32 to vector<16xi32>
    %lt3A_1055 = arith.cmpi slt, %xor3A_1052, %lt3A_1054 : vector<16xi32>
    %add3A_1056 = arith.constant 16 : i32
    %add3A_1057 = vector.broadcast %add3A_1056 : i32 to vector<16xi32>
    %add3A_1058 = arith.addi %xor3A_1052, %add3A_1057 : vector<16xi32>
    %select_n3A_1059 = arith.select %lt3A_1055, %add3A_1058, %xor3A_1052 : vector<16xi1>, vector<16xi32>
    %broadcast_in_dim3A_1060 = vector.shape_cast %select_n3A_1059 : vector<16xi32> to vector<16x1xi32>
    %gather3A_1061 = vector.shape_cast %broadcast_in_dim3A_1060 : vector<16x1xi32> to vector<16xi32>
    %gather3A_1062 = tpu.dynamic_gather %add3A_1049[%gather3A_1061] in [0] : vector<16xf32>, vector<16xi32> -> vector<16xf32>
    %add3A_1063 = arith.addf %add3A_1049, %gather3A_1062 : vector<16xf32>
    %xor3A_1064 = arith.constant 4 : i32
    %xor3A_1065 = vector.broadcast %xor3A_1064 : i32 to vector<16xi32>
    %xor3A_1066 = arith.xori %iota3A, %xor3A_1065 : vector<16xi32>
    %lt3A_1067 = arith.constant 0 : i32
    %lt3A_1068 = vector.broadcast %lt3A_1067 : i32 to vector<16xi32>
    %lt3A_1069 = arith.cmpi slt, %xor3A_1066, %lt3A_1068 : vector<16xi32>
    %add3A_1070 = arith.constant 16 : i32
    %add3A_1071 = vector.broadcast %add3A_1070 : i32 to vector<16xi32>
    %add3A_1072 = arith.addi %xor3A_1066, %add3A_1071 : vector<16xi32>
    %select_n3A_1073 = arith.select %lt3A_1069, %add3A_1072, %xor3A_1066 : vector<16xi1>, vector<16xi32>
    %broadcast_in_dim3A_1074 = vector.shape_cast %select_n3A_1073 : vector<16xi32> to vector<16x1xi32>
    %gather3A_1075 = vector.shape_cast %broadcast_in_dim3A_1074 : vector<16x1xi32> to vector<16xi32>
    %gather3A_1076 = tpu.dynamic_gather %add3A_1063[%gather3A_1075] in [0] : vector<16xf32>, vector<16xi32> -> vector<16xf32>
    %add3A_1077 = arith.addf %add3A_1063, %gather3A_1076 : vector<16xf32>
    %xor3A_1078 = arith.constant 8 : i32
    %xor3A_1079 = vector.broadcast %xor3A_1078 : i32 to vector<16xi32>
    %xor3A_1080 = arith.xori %iota3A, %xor3A_1079 : vector<16xi32>
    %lt3A_1081 = arith.constant 0 : i32
    %lt3A_1082 = vector.broadcast %lt3A_1081 : i32 to vector<16xi32>
    %lt3A_1083 = arith.cmpi slt, %xor3A_1080, %lt3A_1082 : vector<16xi32>
    %add3A_1084 = arith.constant 16 : i32
    %add3A_1085 = vector.broadcast %add3A_1084 : i32 to vector<16xi32>
    %add3A_1086 = arith.addi %xor3A_1080, %add3A_1085 : vector<16xi32>
    %select_n3A_1087 = arith.select %lt3A_1083, %add3A_1086, %xor3A_1080 : vector<16xi1>, vector<16xi32>
    %broadcast_in_dim3A_1088 = vector.shape_cast %select_n3A_1087 : vector<16xi32> to vector<16x1xi32>
    %gather3A_1089 = vector.shape_cast %broadcast_in_dim3A_1088 : vector<16x1xi32> to vector<16xi32>
    %gather3A_1090 = tpu.dynamic_gather %add3A_1077[%gather3A_1089] in [0] : vector<16xf32>, vector<16xi32> -> vector<16xf32>
    %add3A_1091 = arith.addf %add3A_1077, %gather3A_1090 : vector<16xf32>
    %eq3A_1092 = arith.constant 15 : i32
    %eq3A_1093 = vector.broadcast %eq3A_1092 : i32 to vector<16xi32>
    %eq3A_1094 = arith.cmpi eq, %iota3A, %eq3A_1093 : vector<16xi32>
    %select_n3A_1095 = arith.select %eq3A_1094, %add3A_1091, %select_n3A_1027 : vector<16xi1>, vector<16xf32>
    %max3A = arith.constant 9.99999997E-7 : f32
    %max3A_1096 = vector.broadcast %max3A : f32 to vector<16xf32>
    %max3A_1097 = arith.maximumf %select_n3A_1095, %max3A_1096 : vector<16xf32>
    %swap3A = arith.constant 0 : index
    %swap3A_1098 = tpu.vector_load %arg7[%swap3A] {strides = array<i32>} : memref<16xf32, #tpu.memory_space<vmem>>, vector<16xf32>,
    %swap3A_1099 = vector.shape_cast %swap3A_1098 : vector<16xf32> to vector<16xf32>
    %swap3A_1100 = vector.shape_cast %max3A_1097 : vector<16xf32> to vector<16xf32>
    tpu.vector_store %arg7[%swap3A], %swap3A_1100 {strides = array<i32>} : memref<16xf32, #tpu.memory_space<vmem>>, vector<16xf32>,
    %mul3A_1101 = arith.constant 16 : i32
    %mul3A_1102 = arith.muli %add3A, %mul3A_1101 : i32
    "tpu.region"() ({
      %run_scoped3A = tpu.sem_alloc : memref<!tpu.dma_semaphore, #tpu.memory_space<semaphore_mem>>
      %dma_start3A = tpu.memref_slice %arg4[%mul3A_1102] : memref<512xf32, #tpu.memory_space<hbm>> -> memref<16xf32, #tpu.memory_space<hbm>>
      %dma_start3A_1103 = tpu.memref_slice %arg4[%mul3A_1102] : memref<512xf32, #tpu.memory_space<hbm>> -> memref<16xf32, #tpu.memory_space<hbm>>
      tpu.enqueue_dma source(%arg7 : memref<16xf32, #tpu.memory_space<vmem>>) target(%dma_start3A_1103 : memref<16xf32, #tpu.memory_space<hbm>>) target_semaphore(%run_scoped3A : memref<!tpu.dma_semaphore, #tpu.memory_space<semaphore_mem>>)
      %dma_wait3A = tpu.memref_slice %arg4[%mul3A_1102] : memref<512xf32, #tpu.memory_space<hbm>> -> memref<16xf32, #tpu.memory_space<hbm>>
      %dma_wait3A_1104 = tpu.memref_slice %arg4[%mul3A_1102] : memref<512xf32, #tpu.memory_space<hbm>> -> memref<16xf32, #tpu.memory_space<hbm>>
      tpu.wait_dma2 semaphore(%run_scoped3A : memref<!tpu.dma_semaphore, #tpu.memory_space<semaphore_mem>>) src(%arg7 : memref<16xf32, #tpu.memory_space<vmem>>) dst(%dma_wait3A_1104 : memref<16xf32, #tpu.memory_space<hbm>>)
      tpu.yield
    }) : () -> ()
    return
  }
}

module attributes {stable_mosaic.version = 14 : i64} {
  func.func @_flux_body(%arg0: i32, %arg1: memref<2xf32, #tpu.memory_space<smem>>, %arg2: memref<2x16384xf32, #tpu.memory_space<vmem>>, %arg3: memref<1x16384xf32, #tpu.memory_space<vmem>>) attributes {dimension_semantics = [#tpu.dimension_semantics<arbitrary>], iteration_bounds = array<i64: 1>, scalar_prefetch = 0 : i64, scratch_operands = 0 : i64, tpu.core_type = #tpu.core_type<tc>, window_params = [{transform_indices = @transform_0, window_bounds = array<i64: 2>}, {pipeline_mode = #tpu.pipeline_mode<synchronous>, transform_indices = @transform_1, window_bounds = array<i64: 2, 16384>}, {pipeline_mode = #tpu.pipeline_mode<synchronous>, transform_indices = @transform_2, window_bounds = array<i64: 1, 16384>}]} {
    %get3A = arith.constant 0 : index
    %get3A_0 = memref.load %arg1[%get3A] : memref<2xf32, #tpu.memory_space<smem>>
    %add3A = arith.constant 1.200000e+00 : f32
    %add3A_1 = arith.addf %get3A_0, %add3A : f32
    %get3A_2 = arith.constant 1 : index
    %get3A_3 = memref.load %arg1[%get3A_2] : memref<2xf32, #tpu.memory_space<smem>>
    %sub3A = arith.constant 1.000000e+00 : f32
    %sub3A_4 = arith.subf %sub3A, %add3A_1 : f32
    %get3A_5 = arith.constant 0 : index
    %get3A_6 = arith.constant 0 : index
    %get3A_7 = vector.load %arg2[%get3A_5, %get3A_6] : memref<2x16384xf32, #tpu.memory_space<vmem>>, vector<1x16384xf32>
    %get3A_8 = arith.constant 1 : index
    %get3A_9 = arith.constant 0 : index
    %get3A_10 = vector.load %arg2[%get3A_8, %get3A_9] : memref<2x16384xf32, #tpu.memory_space<vmem>>, vector<1x16384xf32>
    %pow3A = vector.broadcast %sub3A_4 : f32 to vector<1x16384xf32>
    %pow3A_11 = math.powf %get3A_10, %pow3A : vector<1x16384xf32>
    %pow3A_12 = vector.broadcast %sub3A_4 : f32 to vector<1x16384xf32>
    %pow3A_13 = math.powf %get3A_7, %pow3A_12 : vector<1x16384xf32>
    %sub3A_14 = arith.subf %pow3A_11, %pow3A_13 : vector<1x16384xf32>
    %mul3A = vector.broadcast %get3A_3 : f32 to vector<1x16384xf32>
    %mul3A_15 = arith.mulf %mul3A, %sub3A_14 : vector<1x16384xf32>
    %div3A = vector.broadcast %sub3A_4 : f32 to vector<1x16384xf32>
    %div3A_16 = arith.divf %mul3A_15, %div3A : vector<1x16384xf32>
    %swap3A = arith.constant 0 : index
    %swap3A_17 = arith.constant 0 : index
    %swap3A_18 = vector.load %arg3[%swap3A, %swap3A_17] : memref<1x16384xf32, #tpu.memory_space<vmem>>, vector<1x16384xf32>
    tpu.vector_store %arg3[%swap3A, %swap3A_17], %div3A_16 {strides = array<i32>} : memref<1x16384xf32, #tpu.memory_space<vmem>>, vector<1x16384xf32>,
    return
  }
  func.func @transform_0(%arg0: i32) -> i32 {
    %c0_i32 = arith.constant 0 : i32
    %c0_i32_0 = arith.constant 0 : i32
    return %c0_i32 : i32
  }
  func.func @transform_1(%arg0: i32) -> (i32, i32) {
    %c0_i32 = arith.constant 0 : i32
    %c0_i32_0 = arith.constant 0 : i32
    %c0_i32_1 = arith.constant 0 : i32
    return %c0_i32, %c0_i32_0 : i32, i32
  }
  func.func @transform_2(%arg0: i32) -> (i32, i32) {
    %c0_i32 = arith.constant 0 : i32
    %c0_i32_0 = arith.constant 0 : i32
    %c0_i32_1 = arith.constant 0 : i32
    return %c0_i32, %c0_i32_0 : i32, i32
  }
}

module attributes {stable_mosaic.version = 14 : i64} {
  func.func @_tc_body(%arg0: i32, %arg1: memref<2xf32, #tpu.memory_space<smem>>, %arg2: memref<2x16384xf32, #tpu.memory_space<vmem>>, %arg3: memref<128x16384xf32, #tpu.memory_space<vmem>>, %arg4: memref<128xf32, #tpu.memory_space<vmem>>, %arg5: memref<1x16384xf32, #tpu.memory_space<vmem>>) attributes {dimension_semantics = [#tpu.dimension_semantics<arbitrary>], iteration_bounds = array<i64: 28>, scalar_prefetch = 0 : i64, scratch_operands = 1 : i64, tpu.core_type = #tpu.core_type<tc>, window_params = [{transform_indices = @transform_0, window_bounds = array<i64: 2>}, {pipeline_mode = #tpu.pipeline_mode<synchronous>, transform_indices = @transform_1, window_bounds = array<i64: 2, 16384>}, {transform_indices = @transform_2, window_bounds = array<i64: 128, 16384>}, {transform_indices = @transform_3, window_bounds = array<i64: 128>}]} {
    %eq3A = arith.constant 0 : i32
    %eq3A_0 = arith.cmpi eq, %arg0, %eq3A : i32
    %convert_element_type3A = arith.extui %eq3A_0 : i1 to i32
    %cond3A = arith.constant 0 : i32
    %cond3A_1 = arith.cmpi ne, %convert_element_type3A, %cond3A : i32
    scf.if %cond3A_1 {
      %get3A_12 = arith.constant 0 : index
      %get3A_13 = memref.load %arg1[%get3A_12] : memref<2xf32, #tpu.memory_space<smem>>
      %add3A = arith.constant 1.200000e+00 : f32
      %add3A_14 = arith.addf %get3A_13, %add3A : f32
      %get3A_15 = arith.constant 1 : index
      %get3A_16 = memref.load %arg1[%get3A_15] : memref<2xf32, #tpu.memory_space<smem>>
      %sub3A = arith.constant 1.000000e+00 : f32
      %sub3A_17 = arith.subf %sub3A, %add3A_14 : f32
      %get3A_18 = arith.constant 0 : index
      %get3A_19 = arith.constant 0 : index
      %get3A_20 = vector.load %arg2[%get3A_18, %get3A_19] : memref<2x16384xf32, #tpu.memory_space<vmem>>, vector<1x16384xf32>
      %get3A_21 = arith.constant 1 : index
      %get3A_22 = arith.constant 0 : index
      %get3A_23 = vector.load %arg2[%get3A_21, %get3A_22] : memref<2x16384xf32, #tpu.memory_space<vmem>>, vector<1x16384xf32>
      %pow3A = vector.broadcast %sub3A_17 : f32 to vector<1x16384xf32>
      %pow3A_24 = math.powf %get3A_23, %pow3A : vector<1x16384xf32>
      %pow3A_25 = vector.broadcast %sub3A_17 : f32 to vector<1x16384xf32>
      %pow3A_26 = math.powf %get3A_20, %pow3A_25 : vector<1x16384xf32>
      %sub3A_27 = arith.subf %pow3A_24, %pow3A_26 : vector<1x16384xf32>
      %mul3A_28 = vector.broadcast %get3A_16 : f32 to vector<1x16384xf32>
      %mul3A_29 = arith.mulf %mul3A_28, %sub3A_27 : vector<1x16384xf32>
      %div3A = vector.broadcast %sub3A_17 : f32 to vector<1x16384xf32>
      %div3A_30 = arith.divf %mul3A_29, %div3A : vector<1x16384xf32>
      %swap3A_31 = arith.constant 0 : index
      %swap3A_32 = arith.constant 0 : index
      %swap3A_33 = vector.load %arg5[%swap3A_31, %swap3A_32] : memref<1x16384xf32, #tpu.memory_space<vmem>>, vector<1x16384xf32>
      tpu.vector_store %arg5[%swap3A_31, %swap3A_32], %div3A_30 {strides = array<i32>} : memref<1x16384xf32, #tpu.memory_space<vmem>>, vector<1x16384xf32>,
    } else {
    }
    %get3A = arith.constant 0 : index
    %get3A_2 = arith.constant 0 : index
    %get3A_3 = vector.load %arg5[%get3A, %get3A_2] : memref<1x16384xf32, #tpu.memory_space<vmem>>, vector<1x16384xf32>
    %get3A_4 = arith.constant 0 : index
    %get3A_5 = arith.constant 0 : index
    %get3A_6 = vector.load %arg3[%get3A_4, %get3A_5] : memref<128x16384xf32, #tpu.memory_space<vmem>>, vector<128x16384xf32>
    %mul3A = vector.broadcast %get3A_3 : vector<1x16384xf32> to vector<128x16384xf32>
    %mul3A_7 = arith.mulf %get3A_6, %mul3A : vector<128x16384xf32>
    %reduce_sum3A = arith.constant dense<0.000000e+00> : vector<128xf32>
    %reduce_sum3A_8 = vector.multi_reduction <add>, %mul3A_7, %reduce_sum3A [1] : vector<128x16384xf32> to vector<128xf32>
    %max3A = arith.constant 9.99999997E-7 : f32
    %max3A_9 = vector.broadcast %max3A : f32 to vector<128xf32>
    %max3A_10 = arith.maximumf %reduce_sum3A_8, %max3A_9 : vector<128xf32>
    %swap3A = arith.constant 0 : index
    %swap3A_11 = vector.load %arg4[%swap3A] : memref<128xf32, #tpu.memory_space<vmem>>, vector<128xf32>
    tpu.vector_store %arg4[%swap3A], %max3A_10 {strides = array<i32>} : memref<128xf32, #tpu.memory_space<vmem>>, vector<128xf32>,
    return
  }
  func.func @transform_0(%arg0: i32) -> i32 {
    %c0_i32 = arith.constant 0 : i32
    %c0_i32_0 = arith.constant 0 : i32
    return %c0_i32 : i32
  }
  func.func @transform_1(%arg0: i32) -> (i32, i32) {
    %c0_i32 = arith.constant 0 : i32
    %c0_i32_0 = arith.constant 0 : i32
    %c0_i32_1 = arith.constant 0 : i32
    return %c0_i32, %c0_i32_0 : i32, i32
  }
  func.func @transform_2(%arg0: i32) -> (i32, i32) {
    %c0_i32 = arith.constant 0 : i32
    %c0_i32_0 = arith.constant 0 : i32
    return %arg0, %c0_i32 : i32, i32
  }
  func.func @transform_3(%arg0: i32) -> i32 {
    %c0_i32 = arith.constant 0 : i32
    return %arg0 : i32
  }
}

</mosaic_0001>

<sc_bundles>
// kernel: kernel.5.cloned.1.call-start
scs
__scs_entry_jumppad:
0x0: {  	(pc) =	sbr.rel $0x88, $3  }
0x1: {  	(tag) =	ssettag $0x0;
	lr =	simm.s32 $0x1  }
0x2: {  	[smem:$0x3F9E] =	sst lr;
	_ =	strace $0xD0000000  }
0x3: {  	_ = 	snop  }
0x4: {  	_ = 	snop  }
0x5: {  	_ = 	snop  }
0x6: {  	_ = 	snop  }
0x7: {  	_ = 	snop  }
__scs_overlays_trampoline_lowered:
0x8: {  	[smem:$0x3FAD] =	sst s0  }
0x9: {  	[smem:$0x3FAE] =	sst s1  }
0xa: {  	[smem:$0x3FAF] =	sst s2  }
0xb: {  	[smem:$0x3FB0] =	sst s3  }
0xc: {  	[smem:$0x3FB1] =	sst s4  }
0xd: {  	[smem:$0x3FB2] =	sst s5  }
0xe: {  	[smem:$0x3FB3] =	sst s6  }
0xf: {  	[smem:$0x3FB4] =	sst s7  }
0x10: {  	[smem:$0x3FB5] =	sst s8  }
0x11: {  	[smem:$0x3FB6] =	sst s9;
	s0 =	simm.s32 @!p0 $0x0  }
0x12: {  	s1 =	sld [smem:$0x3F9C];
	s0 =	simm.s32 @p0 $0x1  }
0x13: {  	[smem:$0x3FB7] =	sst s0;
	s0 =	simm.s32 @!p1 $0x0  }
0x14: {  	s2 =	sld [smem:$0x3F9B];
	s0 =	simm.s32 @p1 $0x1  }
0x15: {  	[smem:$0x3FB8] =	sst s0;
	s0 =	simm.s32 @!p2 $0x0  }
0x16: {  	s3 =	sld [smem:$0x3FDB];
	s0 =	simm.s32 @p2 $0x1  }
0x17: {  	s4 =	simm.s32 $0x1BF5;
	[smem:$0x3FBA] =	sst s0  }
0x18: {  	s0 =	sld [smem:$0x3F9D];
	_ =	swait.ge [sflag:s4], $0x0  }
0x19: {  	s7 =	sld [smem:$0x3F9E]  }
0x1a: {  	s8 =	sadd.s32 $0xFFFFE003, lr  }
0x1b: {  	s9 =	sadd.s32 $0xFFFFFEF7, lr;
	s5 =	simm.s32 $0xFFFFFFFF;
	p2 =	slt.u32 s8, $0xFFFFF086  }
0x1c: {  	p1 =	slt.u32 s9, $0xF7A;
	s5 =	simm.s32 @!p2 $0x0  }
0x1d: {  	s5 =	simm.s32 @p1 $0x1;
	p0 =	seq.s32 s7, s2  }
0x1e: {  	s7 =	smul.u32 @!p0 $0xF7A, s2;
	p2 =	seq.s32 @!p0 s5, $0x0  }
0x1f: {  	s9 =	smul.u32 $0xF7A, s1;
	s8 =	simm.s32 @!p0 $0x1BF5;
	p2 =	por !p2, p0  }
0x20: {  	[sflag:s8] =	ssyncset.s32 @!p0 $0xFFFFF086;
	s6 =	sadd.s32 @!p0 s3, s7;
	s7 =	simm.s32 @!p0 $0x108  }
0x21: {  	s3 =	sadd.s32 s3, s9;
	s6 =	sadd.s32 @!p0 $0x88, s6;
	s7 =	simm.s32 @p2 $0x1082  }
0x22: {  	[simem:s7], [sflag:s8] =	dma.local @!p0 [hbm:s6], $0xF7A  }
0x23: {  	s9 =	sor.u32 $0xD0000000, s2;
	s6 =	simm.s32 $0x108;
	_ =	swait.ge @!p0 [sflag:s8], $0x0  }
0x24: {  	s3 =	sadd.s32 $0x88, s3;
	s6 =	simm.s32 @!p1 $0x1082;
	[sflag:s4] =	ssyncset.s32 $0xFFFFF086  }
0x25: {  	[simem:s6], [sflag:s4] =	dma.local [hbm:s3], $0xF7A  }
0x26: {  	[smem:$0x3F9E] =	sst s1;
	(tag) =	ssettag s2;
	_ =	strace s9  }
0x27: {  	s1 =	sld [smem:$0x3FAE]  }
0x28: {  	s2 =	sld [smem:$0x3FAF]  }
0x29: {  	s4 =	sld [smem:$0x3FB1]  }
0x2a: {  	p0 =	seq.s32 s5, $0x0;
	s5 =	sld [smem:$0x3FB2]  }
0x2b: {  	s6 =	sld [smem:$0x3FB3]  }
0x2c: {  	s7 =	sld [smem:$0x3FB4]  }
0x2d: {  	s3 =	simm.s32 $0x108;
	s8 =	sld [smem:$0x3FB5]  }
0x2e: {  	s3 =	simm.s32 @!p0 $0x1082;
	s9 =	sld [smem:$0x3FB6]  }
0x2f: {  	lr =	sadd.s32 s0, s3;
	s0 =	sld [smem:$0x3FAD]  }
0x30: {  	s3 =	sld [smem:$0x3FB0]  }
0x31: {  	[smem:$0x3FB9] =	sst s10  }
0x32: {  	s10 =	sld [smem:$0x3FB7];
	_ =	sdelay $0x3  }
0x33: {  	p0 =	seq.s32 s10, $0x1;
	s10 =	sld [smem:$0x3FB9];
	_ =	sdelay $0x3  }
0x34: {  	[smem:$0x3FB9] =	sst s10  }
0x35: {  	s10 =	sld [smem:$0x3FB8];
	_ =	sdelay $0x3  }
0x36: {  	p1 =	seq.s32 s10, $0x1;
	s10 =	sld [smem:$0x3FB9];
	_ =	sdelay $0x3  }
0x37: {  	[smem:$0x3FB9] =	sst s10  }
0x38: {  	s10 =	sld [smem:$0x3FBA]  }
0x39: {  	_ = 	snop;
	(pc) =	sbr.ind lr, $3  }
0x3a: {  	_ = 	snop  }
0x3b: {  	_ = 	snop  }
0x3c: {  	p2 =	seq.s32 s10, $0x1;
	s10 =	sld [smem:$0x3FB9]  }
0x3d: {  	_ =	shalt  }
0x3e: {  	_ =	shalt  }
0x3f: {  	_ =	shalt  }
0x40: {  	_ =	shalt  }
0x41: {  	_ =	shalt  }
0x42: {  	_ =	shalt  }
0x43: {  	_ =	shalt  }
0x44: {  	_ =	shalt  }
0x45: {  	_ =	shalt  }
0x46: {  	_ =	shalt  }
0x47: {  	_ =	shalt  }
0x48: {  	_ =	shalt  }
0x49: {  	_ =	shalt  }
0x4a: {  	_ =	shalt  }
0x4b: {  	_ =	shalt  }
0x4c: {  	_ =	shalt  }
0x4d: {  	_ =	shalt  }
0x4e: {  	_ =	shalt  }
0x4f: {  	_ =	shalt  }
0x50: {  	_ =	shalt  }
0x51: {  	_ =	shalt  }
0x52: {  	_ =	shalt  }
0x53: {  	_ =	shalt  }
0x54: {  	_ =	shalt  }
0x55: {  	_ =	shalt  }
0x56: {  	_ =	shalt  }
0x57: {  	_ =	shalt  }
0x58: {  	_ =	shalt  }
0x59: {  	_ =	shalt  }
0x5a: {  	_ =	shalt  }
0x5b: {  	_ =	shalt  }
0x5c: {  	_ =	shalt  }
0x5d: {  	_ =	shalt  }
0x5e: {  	_ =	shalt  }
0x5f: {  	_ =	shalt  }
0x60: {  	_ =	shalt  }
0x61: {  	_ =	shalt  }
0x62: {  	_ =	shalt  }
0x63: {  	_ =	shalt  }
0x64: {  	_ =	shalt  }
0x65: {  	_ =	shalt  }
0x66: {  	_ =	shalt  }
0x67: {  	_ =	shalt  }
0x68: {  	_ =	shalt  }
0x69: {  	_ =	shalt  }
0x6a: {  	_ =	shalt  }
0x6b: {  	_ =	shalt  }
0x6c: {  	_ =	shalt  }
0x6d: {  	_ =	shalt  }
0x6e: {  	_ =	shalt  }
0x6f: {  	_ =	shalt  }
0x70: {  	_ =	shalt  }
0x71: {  	_ =	shalt  }
0x72: {  	_ =	shalt  }
0x73: {  	_ =	shalt  }
0x74: {  	_ =	shalt  }
0x75: {  	_ =	shalt  }
0x76: {  	_ =	shalt  }
0x77: {  	_ =	shalt  }
0x78: {  	_ =	shalt  }
0x79: {  	_ =	shalt  }
0x7a: {  	_ =	shalt  }
0x7b: {  	_ =	shalt  }
0x7c: {  	_ =	shalt  }
0x7d: {  	_ =	shalt  }
0x7e: {  	_ =	shalt  }
0x7f: {  	_ =	shalt  }
0x80: {  	_ =	shalt  }
0x81: {  	_ =	shalt  }
0x82: {  	_ =	shalt  }
0x83: {  	_ =	shalt  }
0x84: {  	_ =	shalt  }
0x85: {  	_ =	shalt  }
0x86: {  	_ =	shalt  }
0x87: {  	_ =	shalt  }
.Lfunc_end0:
.L_simem_size_0:
called_computation_lowered:
.L_overlay_start_0:
0x88: {  	s2 =	sld [smem:$0x3FD9]  }
0x89: {  	s3 =	sld [smem:$0x3FFE];
	_ =	sdelay $0x1  }
0x8a: {  	s1 =	srdreg.scid  }
0x8b: {  	s0 =	sand.u32 $0x1, s1  }
0x8c: {  	s17 =	sshll.u32 s0, $0xA;
	s2 =	sadd.s32 s3, s2  }
0x8d: {  	s2 =	sadd.s32 s2, s17  }
0x8e: {  	[smem:$0x3FC5] =	sst s2  }
0x8f: {  	_ = 	snop  }
0x90: {  	s2 =	sld [smem:$0x3FC7];
	(tm) =	ssettm $0x1  }
0x91: {  	s18 =	sld [smem:$0x3FFB];
	_ =	sdelay $0x3  }
0x92: {  	_ =	strace s18  }
0x93: {  	s3 =	sld [smem:$0x3FFC];
	_ =	sdelay $0x3  }
0x94: {  	_ =	strace s3  }
0x95: {  	s3 =	sld [smem:$0x3FFD];
	_ =	sdelay $0x3  }
0x96: {  	_ =	strace s3  }
0x97: {  	_ =	strace $0x8FFFFFFF  }
0x98: {  	s19 =	sld [smem:$0x3FDB];
	_ =	sdelay $0x1  }
0x99: {  	s4 =	simm.s32 $_scs_section_size  }
0x9a: {  	s5 =	simm.s32 $_size__tile_overlayer_lowered;
	s6 =	simm.s32 $_tile_overlayer_lowered  }
0x9b: {  	s22 =	simm.s32 $0x1BFF;
	s21 =	sshll.u32 s6, $0x1;
	s3 =	sadd.s32 s4, s19  }
0x9c: {  	s7 =	simm.s32 $0x0;
	s20 =	sshll.u32 s5, $0x1;
	s5 =	sadd.s32 s21, s3  }
0x9d: {  	[timem:s7], [sflag:s22] =	dma.local [hbm:s5], s20  }
0x9e: {  	_ =	swait.ge [sflag:s22], s20  }
0x9f: {  	s4 =	ssub.s32 $0x0, s20;
	[sflag:s22] =	ssyncset.done $0x0  }
0xa0: {  	[sflag:s22] =	ssyncadd.s32 s4;
	_ =	sdelay $0x1  }
0xa1: {  	s23 =	simm.s32 $0x1B8B  }
0xa2: {  	_ =	swait.ge [sflag:s23], $0x1  }
0xa3: {  	[sflag:s23] =	ssyncset.done $0x0  }
0xa4: {  	s25 =	simm.s32 $0x1B8E;
	s24 =	sld [smem:$0x3FFE];
	[sflag:s23] =	ssyncadd.s32 $0xFFFFFFFF  }
0xa5: {  	s26 =	simm.s32 $execute0_lowered;
	[smem:$0x3FD2] =	sst s25  }
0xa6: {  	s5 =	sshll.u32 s26, $0x1;
	_ =	strace $0x80000046;
	[dreg:$0x1] =	wrdreg $0xFFFFFFFF  }
0xa7: {  	s28 =	simm.s32 $_size_execute0_lowered;
	s3 =	sadd.s32 s3, s5;
	[dreg:$0x0] =	wrdreg $0x0  }
0xa8: {  	s5 =	sshll.u32 s28, $0x1;
	[dreg:$0x2] =	wrdreg s3  }
0xa9: {  	[dreg:$0x3] =	wrdreg s5  }
0xaa: {  	[dreg:$0x4] =	wrdreg $0xC0  }
0xab: {  	_ =	task [dreg:s7], $0x5FFFF  }
0xac: {  	[dreg:$0x1] =	wrdreg $0xFFFFFFFF  }
0xad: {  	[dreg:$0x0] =	wrdreg $0x60  }
0xae: {  	[dreg:$0x2] =	wrdreg s2  }
0xaf: {  	[dreg:$0x3] =	wrdreg s24  }
0xb0: {  	[dreg:$0x4] =	wrdreg $0x9  }
0xb1: {  	_ =	task.clear_ibuf [dreg:s7], $0x5FFFF;
	_ =	strace $0x90000046  }
0xb2: {  	s29 =	simm.s32 $0x9;
	_ =	strace $0x80000048  }
0xb3: {  	_ =	swait.ge [sflag:s29], $0x1  }
0xb4: {  	[sflag:s29] =	ssyncadd.s32 $0xFFFFFFFF  }
0xb5: {  	_ =	strace $0x90000048  }
0xb6: {  	_ =	sfence  }
0xb7: {  	s30 =	sld [smem:$0x0];
	_ =	sdelay $0x2  }
0xb8: {  	s31 =	sshll.u32 s1, $0xD;
	s1 =	sshrl.u32 s1, $0x2  }
0xb9: {  	s3 =	sand.u32 $0x4000, s31;
	s1 =	sadd.s32 s1, s30  }
0xba: {  	s0 =	sor.u32 s3, s0;
	s1 =	sshll.u32 s1, $0x11  }
0xbb: {  	s0 =	sor.u32 s1, s0  }
0xbc: {  	s0 =	sadd.s32 $0x8F2B, s0  }
0xbd: {  	[sflag:s0] =	ssyncadd.remote.s32 $0x1  }
0xbe: {  	_ =	sfence.sel $0xFFFF  }
0xbf: {  	[dreg:$0x0] =	wrdreg $0xFFFFFFFF;
	(pc) =	sbr.abs _section_cstart, $3  }
0xc0: {  	[dreg:$0x1] =	wrdreg $0xFFFFFFFF  }
0xc1: {  	_ =	task.clear_ibuf [dreg:s7], $0x2FFFF;
	_ =	strace $0x9FFFFFFF  }
0xc2: {  	(tm) =	ssettm $0x7FFFFFFF  }
0xc3: {  	_ =	shalt  }
tec
execute0_lowered:
.L_overlay_start_1:
0x0: {  	(tag) =	ssettag $0x1  }
0x1: {  	s4 =	rddreg [dreg:$0x0]  }
0x2: {  	v0 =	vimm.s32 $0xEFCDAB89;
	v1 =	vimm.s32 $0x67452301;
	s5 =	rddreg [dreg:$0x1];
	v2 =	vimm.s32 $0xDCFE98BA  }
0x3: {  	s0 =	rddreg [dreg:$0x2];
	s1 =	simm.s32 $0x0;
	s3 =	srdreg.scid;
	v3 =	vimm.s32 $0x54761032;
	v4 =	vimm.s32 $0xBA98FEDC;
	v5 =	vimm.s32 $0xFEDCBA98  }
0x4: {  	s2 =	stileid.u32;
	v6 =	vimm.s32 $0x32107654;
	v7 =	vimm.s32 $0x76543210;
	s10 =	simm.s32 $0x1;
	s11 =	simm.s32 $0x200;
	vm0 =	vmmov $0x1  }
0x5: {  	s12 =	simm.s32 $0x400;
	s13 =	simm.s32 $0x4000;
	vm1 =	vmmov $0x3;
	vm2 =	vmmov $0x7;
	s14 =	simm.s32 $0x14000;
	v0 =	vunpack.c.l.s4.s8 v0  }
0x6: {  	s15 =	simm.s32 $0x0;
	v1 =	vunpack.c.l.s4.s8 v1;
	[smem:$0x7FF] =	sst s1;
	s6 =	sand.u32 $0x1, s3;
	v2 =	vunpack.c.l.s4.s8 v2;
	v3 =	vunpack.c.l.s4.s8 v3  }
0x7: {  	s7 =	sshll.u32 s2, $0x5;
	s3 =	sadd.s32 $0xE00, s5;
	v5 =	vunpack.c.l.s4.s8 v5;
	v4 =	vunpack.c.l.s4.s8 v4;
	v6 =	vunpack.c.l.s4.s8 v6;
	s8 =	sshll.u32 s6, $0x4  }
0x8: {  	v7 =	vunpack.c.l.s4.s8 v7;
	_ =	strace $0x80000047;
	s6 =	ssub.s32 $0x2, s6;
	v0 =	vunpack.c.0.s8.s32 v0;
	v1 =	vunpack.c.0.s8.s32 v1;
	s7 =	sor.u32 s8, s7  }
0x9: {  	s9 =	sshrl.u32 s6, $0x1;
	v2 =	vunpack.c.0.s8.s32 v2;
	v3 =	vunpack.c.0.s8.s32 v3;
	v5 =	vunpack.c.0.s8.s32 v5;
	s8 =	sshrl.u32 s7, $0x3;
	s7 =	sshll.u32 s7, $0xB  }
0xa: {  	v4 =	vunpack.c.0.s8.s32 v4;
	v6 =	vunpack.c.0.s8.s32 v6;
	v7 =	vunpack.c.0.s8.s32 v7;
	s9 =	ssub.s32 s6, s9;
	s8 =	sadd.s32 s8, s5;
	s7 =	sadd.s32 s7, s4  }
0xb: {  	v0 =	vcombine.low v1, v0;
	v1 =	vcombine.low v3, v2;
	s9 =	smax.u32 s9, $0x1;
	v3 =	vand.u32 $0xF, v5;
	s4 =	sadd.s32 $0x700000, s7;
	s5 =	sadd.s32 $0x700040, s7  }
0xc: {  	vm3 =	vmmov $0xf;
	v2 =	vcombine.low v6, v4;
	s6 =	sadd.s32 $0x704000, s7;
	s7 =	sadd.s32 $0x704040, s7;
	s8 =	sadd.s32 $0x1600, s8;
	v3 =	vcombine.low v3, v7  }
.LBB2_1:
0xd: {  	[tilespmem:s1], [sflag:$0x1] =	stream.linear.gather [hbm4b:s3+s1], $0x4000, $0x38;
	[tilespmem:$0x14080] =	vst v63  }
0xe: {  	_ =	swait.ge [sflag:s10], $0x4000  }
0xf: {  	[sflag:s10] =	ssyncset.done $0x0  }
0x10: {  	[sflag:s10] =	ssyncadd.s32 $0xFFFFC000  }
0x11: {  	[tilespmem:s13], [sflag:$0x1] =	stream.strided.gather [hbm4b:s4+s11], $0x10000, s12, s11, $0x38;
	[tilespmem:$0x14080] =	vst v63  }
0x12: {  	_ =	swait.ge [sflag:s10], $0x10000  }
0x13: {  	[sflag:s10] =	ssyncset.done $0x0  }
0x14: {  	s17 =	simm.s32 $0x4040;
	[sflag:s10] =	ssyncadd.s32 $0xFFFF0000  }
0x15: {  	s16 =	simm.s32 $0x40;
	v4 =	vld [tilespmem:s17+$0xFFFFFFC0]  }
0x16: {  	v5 =	vld [tilespmem:s16+$0xFFFFFFC0]  }
0x17: {  	v6 =	vld [tilespmem:s17+$0xFFFFFFD0]  }
0x18: {  	v7 =	vld [tilespmem:s16+$0xFFFFFFD0]  }
0x19: {  	v8 =	vld [tilespmem:s17+$0xFFFFFFE0]  }
0x1a: {  	v9 =	vld [tilespmem:s16+$0xFFFFFFE0]  }
0x1b: {  	v10 =	vld [tilespmem:s17+$0xFFFFFFF0];
	v4 =	vmul.f32 v5, v4  }
0x1c: {  	v11 =	vld [tilespmem:s16+$0xFFFFFFF0];
	v5 =	vimm.f32 $0.0e+00  }
0x1d: {  	v12 =	vld [tilespmem:s17+$0x0];
	v6 =	vmul.f32 v7, v6;
	v4 =	vadd.f32 v4, v5  }
0x1e: {  	v13 =	vld [tilespmem:s16+$0x0]  }
0x1f: {  	v7 =	vmul.f32 v9, v8;
	v8 =	vld [tilespmem:s16+$0x10];
	v6 =	vadd.f32 v6, v4  }
0x20: {  	v5 =	vld [tilespmem:s17+$0x10]  }
0x21: {  	v10 =	vmul.f32 v11, v10;
	v4 =	vld [tilespmem:s17+$0x20];
	v9 =	vadd.f32 v7, v6  }
0x22: {  	v7 =	vld [tilespmem:s16+$0x20]  }
0x23: {  	v11 =	vmul.f32 v13, v12;
	v6 =	vld [tilespmem:s17+$0x30];
	v10 =	vadd.f32 v10, v9  }
0x24: {  	s18 =	simm.s32 $0x4240;
	s17 =	simm.s32 $0x0;
	v9 =	vld [tilespmem:s16+$0x30]  }
.LBB2_2:
0x25: {  	v12 =	vld [tilespmem:s18+$0xFFFFFFC0];
	v10 =	vadd.f32 v11, v10;
	v5 =	vmul.f32 v8, v5;
	s16 =	sadd.s32 $0x80, s16  }
0x26: {  	s17 =	sadd.s32 $0x8, s17;
	v8 =	vld [tilespmem:s16+$0xFFFFFFC0]  }
0x27: {  	p0 =	slt.u32 s17, $0x3F8;
	v11 =	vld [tilespmem:s18+$0xFFFFFFD0];
	v5 =	vadd.f32 v5, v10;
	v4 =	vmul.f32 v7, v4  }
0x28: {  	v7 =	vld [tilespmem:s16+$0xFFFFFFD0]  }
0x29: {  	v10 =	vld [tilespmem:s18+$0xFFFFFFE0];
	v4 =	vadd.f32 v4, v5;
	v5 =	vmul.f32 v9, v6  }
0x2a: {  	v6 =	vld [tilespmem:s16+$0xFFFFFFE0]  }
0x2b: {  	v8 =	vmul.f32 v8, v12;
	v9 =	vld [tilespmem:s18+$0xFFFFFFF0];
	v4 =	vadd.f32 v5, v4  }
0x2c: {  	v12 =	vld [tilespmem:s16+$0xFFFFFFF0]  }
0x2d: {  	v4 =	vadd.f32 v8, v4;
	v5 =	vmul.f32 v7, v11;
	v11 =	vld [tilespmem:s18+$0x0]  }
0x2e: {  	v13 =	vld [tilespmem:s16+$0x0]  }
0x2f: {  	v4 =	vadd.f32 v5, v4;
	v6 =	vmul.f32 v6, v10;
	v5 =	vld [tilespmem:s18+$0x10]  }
.Ltmp0:
0x30: {  	v8 =	vld [tilespmem:s16+$0x10];
	(pc) =	sbr.rel @p0 .LBB2_2-.Ltmp0, $4  }
0x31: {  	v6 =	vadd.f32 v6, v4;
	v9 =	vmul.f32 v12, v9;
	v4 =	vld [tilespmem:s18+$0x20]  }
0x32: {  	v7 =	vld [tilespmem:s16+$0x20]  }
0x33: {  	v10 =	vadd.f32 v9, v6;
	v11 =	vmul.f32 v13, v11;
	v6 =	vld [tilespmem:s18+$0x30]  }
0x34: {  	s18 =	sadd.s32 $0x200, s18;
	v9 =	vld [tilespmem:s16+$0x30]  }
0x35: {  	v10 =	vadd.f32 v11, v10;
	v5 =	vmul.f32 v8, v5;
	_ =	sdelay $0x1  }
0x36: {  	v5 =	vadd.f32 v5, v10;
	v4 =	vmul.f32 v7, v4;
	_ =	sdelay $0x1  }
0x37: {  	s17 =	simm.s32 $0x40F0;
	v4 =	vadd.f32 v4, v5;
	v5 =	vmul.f32 v9, v6  }
0x38: {  	s16 =	simm.s32 $0x40;
	v6 =	vld [tilespmem:s17+$0xFFFFFF90]  }
0x39: {  	v4 =	vadd.f32 v5, v4;
	v5 =	vld [tilespmem:s16+$0xFFFFFFC0]  }
0x3a: {  	v7 =	vld [tilespmem:s17+$0xFFFFFFA0]  }
0x3b: {  	v9 =	vld [tilespmem:s16+$0xFFFFFFD0];
	v8 =	vperm.xlane v4, v0  }
0x3c: {  	v10 =	vld [tilespmem:s17+$0xFFFFFFB0]  }
0x3d: {  	v4 =	vadd.f32 v8, v4;
	v8 =	vld [tilespmem:s16+$0xFFFFFFE0]  }
0x3e: {  	v11 =	vld [tilespmem:s17+$0xFFFFFFC0];
	v5 =	vmul.f32 v5, v6  }
0x3f: {  	v13 =	vld [tilespmem:s16+$0xFFFFFFF0];
	v6 =	vimm.f32 $0.0e+00;
	v12 =	vperm.xlane v4, v1  }
0x40: {  	v14 =	vld [tilespmem:s17+$0xFFFFFFD0];
	v7 =	vmul.f32 v9, v7;
	v5 =	vadd.f32 v5, v6  }
0x41: {  	v15 =	vld [tilespmem:s16+$0x0];
	v4 =	vadd.f32 v12, v4  }
0x42: {  	v9 =	vld [tilespmem:s16+$0x10];
	v5 =	vadd.f32 v7, v5;
	v8 =	vmul.f32 v8, v10  }
0x43: {  	v6 =	vld [tilespmem:s17+$0xFFFFFFE0];
	v12 =	vperm.xlane v4, v2  }
0x44: {  	v11 =	vmul.f32 v13, v11;
	v7 =	vld [tilespmem:s17+$0xFFFFFFF0];
	v5 =	vadd.f32 v8, v5  }
0x45: {  	v10 =	vld [tilespmem:s16+$0x20];
	v4 =	vadd.f32 v12, v4  }
0x46: {  	v13 =	vmul.f32 v15, v14;
	v8 =	vld [tilespmem:s17+$0x0];
	v12 =	vadd.f32 v11, v5  }
0x47: {  	s18 =	simm.s32 $0x42F0;
	s17 =	simm.s32 $0x0;
	v11 =	vld [tilespmem:s16+$0x30];
	v5 =	vperm.xlane v4, v3  }
.LBB2_4:
0x48: {  	v14 =	vld [tilespmem:s18+$0xFFFFFF90];
	v12 =	vadd.f32 v13, v12;
	v6 =	vmul.f32 v9, v6;
	s16 =	sadd.s32 $0x80, s16  }
0x49: {  	s17 =	sadd.s32 $0x8, s17;
	v9 =	vld [tilespmem:s16+$0xFFFFFFC0]  }
0x4a: {  	p0 =	slt.u32 s17, $0x3F8;
	v13 =	vld [tilespmem:s18+$0xFFFFFFA0];
	v6 =	vadd.f32 v6, v12;
	v7 =	vmul.f32 v10, v7  }
0x4b: {  	v10 =	vld [tilespmem:s16+$0xFFFFFFD0]  }
0x4c: {  	v12 =	vld [tilespmem:s18+$0xFFFFFFB0];
	v6 =	vadd.f32 v7, v6;
	v7 =	vmul.f32 v11, v8  }
0x4d: {  	v8 =	vld [tilespmem:s16+$0xFFFFFFE0]  }
0x4e: {  	v9 =	vmul.f32 v9, v14;
	v11 =	vld [tilespmem:s18+$0xFFFFFFC0];
	v6 =	vadd.f32 v7, v6  }
0x4f: {  	v7 =	vld [tilespmem:s16+$0xFFFFFFF0]  }
0x50: {  	v6 =	vadd.f32 v9, v6;
	v9 =	vmul.f32 v10, v13;
	v13 =	vld [tilespmem:s18+$0xFFFFFFD0]  }
0x51: {  	v14 =	vld [tilespmem:s16+$0x0]  }
0x52: {  	v10 =	vadd.f32 v9, v6;
	v8 =	vmul.f32 v8, v12;
	v6 =	vld [tilespmem:s18+$0xFFFFFFE0]  }
.Ltmp1:
0x53: {  	v9 =	vld [tilespmem:s16+$0x10];
	(pc) =	sbr.rel @p0 .LBB2_4-.Ltmp1, $4  }
0x54: {  	v8 =	vadd.f32 v8, v10;
	v11 =	vmul.f32 v7, v11;
	v7 =	vld [tilespmem:s18+$0xFFFFFFF0]  }
0x55: {  	v10 =	vld [tilespmem:s16+$0x20]  }
0x56: {  	v12 =	vadd.f32 v11, v8;
	v13 =	vmul.f32 v14, v13;
	v8 =	vld [tilespmem:s18+$0x0]  }
0x57: {  	s18 =	sadd.s32 $0x200, s18;
	v11 =	vld [tilespmem:s16+$0x30]  }
0x58: {  	v12 =	vadd.f32 v13, v12;
	v6 =	vmul.f32 v9, v6;
	_ =	sdelay $0x1  }
0x59: {  	v6 =	vadd.f32 v6, v12;
	v7 =	vmul.f32 v10, v7;
	_ =	sdelay $0x1  }
0x5a: {  	s17 =	simm.s32 $0x4170;
	v6 =	vadd.f32 v7, v6;
	v7 =	vmul.f32 v11, v8  }
0x5b: {  	s16 =	simm.s32 $0x40;
	v8 =	vld [tilespmem:s17+$0xFFFFFF90]  }
0x5c: {  	v6 =	vadd.f32 v7, v6;
	v7 =	vld [tilespmem:s16+$0xFFFFFFC0]  }
0x5d: {  	v9 =	vld [tilespmem:s17+$0xFFFFFFA0]  }
0x5e: {  	v11 =	vld [tilespmem:s16+$0xFFFFFFD0];
	v10 =	vperm.xlane v6, v0  }
0x5f: {  	v12 =	vld [tilespmem:s17+$0xFFFFFFB0]  }
0x60: {  	v6 =	vadd.f32 v10, v6;
	v10 =	vld [tilespmem:s16+$0xFFFFFFE0]  }
0x61: {  	v13 =	vld [tilespmem:s17+$0xFFFFFFC0];
	v7 =	vmul.f32 v7, v8  }
0x62: {  	v15 =	vld [tilespmem:s16+$0xFFFFFFF0];
	v8 =	vimm.f32 $0.0e+00;
	v14 =	vperm.xlane v6, v1  }
0x63: {  	v16 =	vld [tilespmem:s17+$0xFFFFFFD0];
	v9 =	vmul.f32 v11, v9;
	v7 =	vadd.f32 v7, v8  }
0x64: {  	v17 =	vld [tilespmem:s16+$0x0];
	v6 =	vadd.f32 v14, v6  }
0x65: {  	v11 =	vld [tilespmem:s16+$0x10];
	v7 =	vadd.f32 v9, v7;
	v10 =	vmul.f32 v10, v12  }
0x66: {  	v8 =	vld [tilespmem:s17+$0xFFFFFFE0];
	v14 =	vperm.xlane v6, v2  }
0x67: {  	v13 =	vmul.f32 v15, v13;
	v9 =	vld [tilespmem:s17+$0xFFFFFFF0];
	v7 =	vadd.f32 v10, v7  }
0x68: {  	v12 =	vld [tilespmem:s16+$0x20];
	v6 =	vadd.f32 v14, v6  }
0x69: {  	v15 =	vmul.f32 v17, v16;
	v10 =	vld [tilespmem:s17+$0x0];
	v14 =	vadd.f32 v13, v7  }
0x6a: {  	s18 =	simm.s32 $0x4370;
	s17 =	simm.s32 $0x0;
	v13 =	vld [tilespmem:s16+$0x30];
	v7 =	vperm.xlane v6, v3  }
.LBB2_6:
0x6b: {  	v16 =	vld [tilespmem:s18+$0xFFFFFF90];
	v14 =	vadd.f32 v15, v14;
	v8 =	vmul.f32 v11, v8;
	s16 =	sadd.s32 $0x80, s16  }
0x6c: {  	s17 =	sadd.s32 $0x8, s17;
	v11 =	vld [tilespmem:s16+$0xFFFFFFC0]  }
0x6d: {  	p0 =	slt.u32 s17, $0x3F8;
	v15 =	vld [tilespmem:s18+$0xFFFFFFA0];
	v8 =	vadd.f32 v8, v14;
	v9 =	vmul.f32 v12, v9  }
0x6e: {  	v12 =	vld [tilespmem:s16+$0xFFFFFFD0]  }
0x6f: {  	v14 =	vld [tilespmem:s18+$0xFFFFFFB0];
	v8 =	vadd.f32 v9, v8;
	v9 =	vmul.f32 v13, v10  }
0x70: {  	v10 =	vld [tilespmem:s16+$0xFFFFFFE0]  }
0x71: {  	v11 =	vmul.f32 v11, v16;
	v13 =	vld [tilespmem:s18+$0xFFFFFFC0];
	v8 =	vadd.f32 v9, v8  }
0x72: {  	v9 =	vld [tilespmem:s16+$0xFFFFFFF0]  }
0x73: {  	v8 =	vadd.f32 v11, v8;
	v11 =	vmul.f32 v12, v15;
	v15 =	vld [tilespmem:s18+$0xFFFFFFD0]  }
0x74: {  	v16 =	vld [tilespmem:s16+$0x0]  }
0x75: {  	v12 =	vadd.f32 v11, v8;
	v10 =	vmul.f32 v10, v14;
	v8 =	vld [tilespmem:s18+$0xFFFFFFE0]  }
.Ltmp2:
0x76: {  	v11 =	vld [tilespmem:s16+$0x10];
	(pc) =	sbr.rel @p0 .LBB2_6-.Ltmp2, $4  }
0x77: {  	v10 =	vadd.f32 v10, v12;
	v13 =	vmul.f32 v9, v13;
	v9 =	vld [tilespmem:s18+$0xFFFFFFF0]  }
0x78: {  	v12 =	vld [tilespmem:s16+$0x20]  }
0x79: {  	v14 =	vadd.f32 v13, v10;
	v15 =	vmul.f32 v16, v15;
	v10 =	vld [tilespmem:s18+$0x0]  }
0x7a: {  	s18 =	sadd.s32 $0x200, s18;
	v13 =	vld [tilespmem:s16+$0x30]  }
0x7b: {  	v14 =	vadd.f32 v15, v14;
	v8 =	vmul.f32 v11, v8;
	_ =	sdelay $0x1  }
0x7c: {  	v8 =	vadd.f32 v8, v14;
	v9 =	vmul.f32 v12, v9;
	_ =	sdelay $0x1  }
0x7d: {  	s17 =	simm.s32 $0x41F0;
	v8 =	vadd.f32 v9, v8;
	v9 =	vmul.f32 v13, v10  }
0x7e: {  	s16 =	simm.s32 $0x40;
	v10 =	vld [tilespmem:s17+$0xFFFFFF90]  }
0x7f: {  	v8 =	vadd.f32 v9, v8;
	v9 =	vld [tilespmem:s16+$0xFFFFFFC0]  }
0x80: {  	v11 =	vld [tilespmem:s17+$0xFFFFFFA0]  }
0x81: {  	v13 =	vld [tilespmem:s16+$0xFFFFFFD0];
	v12 =	vperm.xlane v8, v0  }
0x82: {  	v14 =	vld [tilespmem:s17+$0xFFFFFFB0]  }
0x83: {  	v8 =	vadd.f32 v12, v8;
	v12 =	vld [tilespmem:s16+$0xFFFFFFE0]  }
0x84: {  	v15 =	vld [tilespmem:s17+$0xFFFFFFC0];
	v9 =	vmul.f32 v9, v10  }
0x85: {  	v17 =	vld [tilespmem:s16+$0xFFFFFFF0];
	v10 =	vimm.f32 $0.0e+00;
	v16 =	vperm.xlane v8, v1  }
0x86: {  	v18 =	vld [tilespmem:s17+$0xFFFFFFD0];
	v9 =	vadd.f32 v9, v10;
	v10 =	vmul.f32 v13, v11  }
0x87: {  	v19 =	vld [tilespmem:s16+$0x0];
	v8 =	vadd.f32 v16, v8  }
0x88: {  	v11 =	vld [tilespmem:s17+$0xFFFFFFE0];
	v9 =	vadd.f32 v10, v9;
	v12 =	vmul.f32 v12, v14  }
0x89: {  	v14 =	vld [tilespmem:s16+$0x10];
	v13 =	vperm.xlane v8, v2  }
0x8a: {  	v15 =	vmul.f32 v17, v15;
	v10 =	vld [tilespmem:s17+$0xFFFFFFF0];
	v9 =	vadd.f32 v12, v9  }
0x8b: {  	v8 =	vadd.f32 v13, v8;
	v13 =	vld [tilespmem:s16+$0x20]  }
0x8c: {  	v17 =	vmul.f32 v19, v18;
	v12 =	vld [tilespmem:s17+$0x0];
	v16 =	vadd.f32 v15, v9  }
0x8d: {  	s18 =	simm.s32 $0x43F0;
	s17 =	simm.s32 $0x0;
	v15 =	vld [tilespmem:s16+$0x30];
	v9 =	vperm.xlane v8, v3  }
.LBB2_8:
0x8e: {  	v18 =	vld [tilespmem:s18+$0xFFFFFF90];
	v16 =	vadd.f32 v17, v16;
	v11 =	vmul.f32 v14, v11;
	s16 =	sadd.s32 $0x80, s16  }
0x8f: {  	s17 =	sadd.s32 $0x8, s17;
	v14 =	vld [tilespmem:s16+$0xFFFFFFC0]  }
0x90: {  	p0 =	slt.u32 s17, $0x3F8;
	v17 =	vld [tilespmem:s18+$0xFFFFFFA0];
	v11 =	vadd.f32 v11, v16;
	v10 =	vmul.f32 v13, v10  }
0x91: {  	v13 =	vld [tilespmem:s16+$0xFFFFFFD0]  }
0x92: {  	v16 =	vld [tilespmem:s18+$0xFFFFFFB0];
	v10 =	vadd.f32 v10, v11;
	v11 =	vmul.f32 v15, v12  }
0x93: {  	v12 =	vld [tilespmem:s16+$0xFFFFFFE0]  }
0x94: {  	v14 =	vmul.f32 v14, v18;
	v15 =	vld [tilespmem:s18+$0xFFFFFFC0];
	v10 =	vadd.f32 v11, v10  }
0x95: {  	v18 =	vld [tilespmem:s16+$0xFFFFFFF0]  }
0x96: {  	v10 =	vadd.f32 v14, v10;
	v11 =	vmul.f32 v13, v17;
	v17 =	vld [tilespmem:s18+$0xFFFFFFD0]  }
0x97: {  	v19 =	vld [tilespmem:s16+$0x0]  }
0x98: {  	v10 =	vadd.f32 v11, v10;
	v12 =	vmul.f32 v12, v16;
	v11 =	vld [tilespmem:s18+$0xFFFFFFE0]  }
.Ltmp3:
0x99: {  	v14 =	vld [tilespmem:s16+$0x10];
	(pc) =	sbr.rel @p0 .LBB2_8-.Ltmp3, $4  }
0x9a: {  	v12 =	vadd.f32 v12, v10;
	v15 =	vmul.f32 v18, v15;
	v10 =	vld [tilespmem:s18+$0xFFFFFFF0]  }
0x9b: {  	v13 =	vld [tilespmem:s16+$0x20]  }
0x9c: {  	v16 =	vadd.f32 v15, v12;
	v17 =	vmul.f32 v19, v17;
	v12 =	vld [tilespmem:s18+$0x0]  }
0x9d: {  	s18 =	sadd.s32 $0x200, s18;
	v15 =	vld [tilespmem:s16+$0x30]  }
0x9e: {  	v16 =	vadd.f32 v17, v16;
	v11 =	vmul.f32 v14, v11  }
0x9f: {  	[tilespmem:s13], [sflag:$0x1] =	stream.strided.gather [hbm4b:s5+s11], $0x10000, s12, s11, $0x38;
	[tilespmem:$0x14080] =	vst v63  }
0xa0: {  	_ =	swait.ge [sflag:s10], $0x10000;
	v11 =	vadd.f32 v11, v16;
	v10 =	vmul.f32 v13, v10  }
0xa1: {  	[sflag:s10] =	ssyncset.done $0x0  }
0xa2: {  	s17 =	simm.s32 $0x4040;
	[sflag:s10] =	ssyncadd.s32 $0xFFFF0000;
	v10 =	vadd.f32 v10, v11;
	v11 =	vmul.f32 v15, v12  }
0xa3: {  	s16 =	simm.s32 $0x40;
	v12 =	vld [tilespmem:s17+$0xFFFFFFC0]  }
0xa4: {  	v10 =	vadd.f32 v11, v10;
	v11 =	vld [tilespmem:s16+$0xFFFFFFC0]  }
0xa5: {  	v13 =	vld [tilespmem:s17+$0xFFFFFFD0]  }
0xa6: {  	v15 =	vld [tilespmem:s16+$0xFFFFFFD0];
	v14 =	vperm.xlane v10, v0  }
0xa7: {  	v16 =	vld [tilespmem:s17+$0xFFFFFFE0]  }
0xa8: {  	v10 =	vadd.f32 v14, v10;
	v14 =	vld [tilespmem:s16+$0xFFFFFFE0]  }
0xa9: {  	v17 =	vld [tilespmem:s17+$0xFFFFFFF0];
	v11 =	vmul.f32 v11, v12  }
0xaa: {  	v19 =	vld [tilespmem:s16+$0xFFFFFFF0];
	v12 =	vimm.f32 $0.0e+00;
	v18 =	vperm.xlane v10, v1  }
0xab: {  	v20 =	vld [tilespmem:s17+$0x0];
	v13 =	vmul.f32 v15, v13;
	v11 =	vadd.f32 v11, v12  }
0xac: {  	v21 =	vld [tilespmem:s16+$0x0];
	v10 =	vadd.f32 v18, v10  }
0xad: {  	v15 =	vld [tilespmem:s16+$0x10];
	v11 =	vadd.f32 v13, v11;
	v14 =	vmul.f32 v14, v16  }
0xae: {  	v12 =	vld [tilespmem:s17+$0x10];
	v18 =	vperm.xlane v10, v2  }
0xaf: {  	v17 =	vmul.f32 v19, v17;
	v13 =	vld [tilespmem:s17+$0x20];
	v11 =	vadd.f32 v14, v11  }
0xb0: {  	v16 =	vld [tilespmem:s16+$0x20];
	v10 =	vadd.f32 v18, v10  }
0xb1: {  	v19 =	vmul.f32 v21, v20;
	v14 =	vld [tilespmem:s17+$0x30];
	v18 =	vadd.f32 v17, v11  }
0xb2: {  	s18 =	simm.s32 $0x4240;
	s17 =	simm.s32 $0x0;
	v17 =	vld [tilespmem:s16+$0x30];
	v11 =	vperm.xlane v10, v3  }
.LBB2_10:
0xb3: {  	v20 =	vld [tilespmem:s18+$0xFFFFFFC0];
	v18 =	vadd.f32 v19, v18;
	v12 =	vmul.f32 v15, v12;
	s16 =	sadd.s32 $0x80, s16  }
0xb4: {  	s17 =	sadd.s32 $0x8, s17;
	v15 =	vld [tilespmem:s16+$0xFFFFFFC0]  }
0xb5: {  	p0 =	slt.u32 s17, $0x3F8;
	v19 =	vld [tilespmem:s18+$0xFFFFFFD0];
	v12 =	vadd.f32 v12, v18;
	v13 =	vmul.f32 v16, v13  }
0xb6: {  	v16 =	vld [tilespmem:s16+$0xFFFFFFD0]  }
0xb7: {  	v18 =	vld [tilespmem:s18+$0xFFFFFFE0];
	v12 =	vadd.f32 v13, v12;
	v13 =	vmul.f32 v17, v14  }
0xb8: {  	v14 =	vld [tilespmem:s16+$0xFFFFFFE0]  }
0xb9: {  	v15 =	vmul.f32 v15, v20;
	v17 =	vld [tilespmem:s18+$0xFFFFFFF0];
	v12 =	vadd.f32 v13, v12  }
0xba: {  	v13 =	vld [tilespmem:s16+$0xFFFFFFF0]  }
0xbb: {  	v12 =	vadd.f32 v15, v12;
	v15 =	vmul.f32 v16, v19;
	v19 =	vld [tilespmem:s18+$0x0]  }
0xbc: {  	v20 =	vld [tilespmem:s16+$0x0]  }
0xbd: {  	v16 =	vadd.f32 v15, v12;
	v14 =	vmul.f32 v14, v18;
	v12 =	vld [tilespmem:s18+$0x10]  }
.Ltmp4:
0xbe: {  	v15 =	vld [tilespmem:s16+$0x10];
	(pc) =	sbr.rel @p0 .LBB2_10-.Ltmp4, $4  }
0xbf: {  	v14 =	vadd.f32 v14, v16;
	v17 =	vmul.f32 v13, v17;
	v13 =	vld [tilespmem:s18+$0x20]  }
0xc0: {  	v16 =	vld [tilespmem:s16+$0x20]  }
0xc1: {  	v18 =	vadd.f32 v17, v14;
	v19 =	vmul.f32 v20, v19;
	v14 =	vld [tilespmem:s18+$0x30]  }
0xc2: {  	s18 =	sadd.s32 $0x200, s18;
	v17 =	vld [tilespmem:s16+$0x30]  }
0xc3: {  	v18 =	vadd.f32 v19, v18;
	v12 =	vmul.f32 v15, v12;
	_ =	sdelay $0x1  }
0xc4: {  	v12 =	vadd.f32 v12, v18;
	v13 =	vmul.f32 v16, v13;
	_ =	sdelay $0x1  }
0xc5: {  	s17 =	simm.s32 $0x40F0;
	v12 =	vadd.f32 v13, v12;
	v13 =	vmul.f32 v17, v14  }
0xc6: {  	s16 =	simm.s32 $0x40;
	v14 =	vld [tilespmem:s17+$0xFFFFFF90]  }
0xc7: {  	v12 =	vadd.f32 v13, v12;
	v13 =	vld [tilespmem:s16+$0xFFFFFFC0]  }
0xc8: {  	v15 =	vld [tilespmem:s17+$0xFFFFFFA0]  }
0xc9: {  	v17 =	vld [tilespmem:s16+$0xFFFFFFD0];
	v16 =	vperm.xlane v12, v0  }
0xca: {  	v18 =	vld [tilespmem:s17+$0xFFFFFFB0]  }
0xcb: {  	v12 =	vadd.f32 v16, v12;
	v16 =	vld [tilespmem:s16+$0xFFFFFFE0]  }
0xcc: {  	v19 =	vld [tilespmem:s17+$0xFFFFFFC0];
	v13 =	vmul.f32 v13, v14  }
0xcd: {  	v21 =	vld [tilespmem:s16+$0xFFFFFFF0];
	v14 =	vimm.f32 $0.0e+00;
	v20 =	vperm.xlane v12, v1  }
0xce: {  	v22 =	vld [tilespmem:s17+$0xFFFFFFD0];
	v15 =	vmul.f32 v17, v15;
	v13 =	vadd.f32 v13, v14  }
0xcf: {  	v23 =	vld [tilespmem:s16+$0x0];
	v12 =	vadd.f32 v20, v12  }
0xd0: {  	v17 =	vld [tilespmem:s16+$0x10];
	v13 =	vadd.f32 v15, v13;
	v16 =	vmul.f32 v16, v18  }
0xd1: {  	v14 =	vld [tilespmem:s17+$0xFFFFFFE0];
	v20 =	vperm.xlane v12, v2  }
0xd2: {  	v19 =	vmul.f32 v21, v19;
	v15 =	vld [tilespmem:s17+$0xFFFFFFF0];
	v13 =	vadd.f32 v16, v13  }
0xd3: {  	v18 =	vld [tilespmem:s16+$0x20];
	v12 =	vadd.f32 v20, v12  }
0xd4: {  	v21 =	vmul.f32 v23, v22;
	v16 =	vld [tilespmem:s17+$0x0];
	v20 =	vadd.f32 v19, v13  }
0xd5: {  	s18 =	simm.s32 $0x42F0;
	s17 =	simm.s32 $0x0;
	v19 =	vld [tilespmem:s16+$0x30];
	v13 =	vperm.xlane v12, v3  }
.LBB2_12:
0xd6: {  	v22 =	vld [tilespmem:s18+$0xFFFFFF90];
	v20 =	vadd.f32 v21, v20;
	v14 =	vmul.f32 v17, v14;
	s16 =	sadd.s32 $0x80, s16  }
0xd7: {  	s17 =	sadd.s32 $0x8, s17;
	v17 =	vld [tilespmem:s16+$0xFFFFFFC0]  }
0xd8: {  	p0 =	slt.u32 s17, $0x3F8;
	v21 =	vld [tilespmem:s18+$0xFFFFFFA0];
	v14 =	vadd.f32 v14, v20;
	v15 =	vmul.f32 v18, v15  }
0xd9: {  	v18 =	vld [tilespmem:s16+$0xFFFFFFD0]  }
0xda: {  	v20 =	vld [tilespmem:s18+$0xFFFFFFB0];
	v14 =	vadd.f32 v15, v14;
	v15 =	vmul.f32 v19, v16  }
0xdb: {  	v16 =	vld [tilespmem:s16+$0xFFFFFFE0]  }
0xdc: {  	v17 =	vmul.f32 v17, v22;
	v19 =	vld [tilespmem:s18+$0xFFFFFFC0];
	v14 =	vadd.f32 v15, v14  }
0xdd: {  	v15 =	vld [tilespmem:s16+$0xFFFFFFF0]  }
0xde: {  	v14 =	vadd.f32 v17, v14;
	v17 =	vmul.f32 v18, v21;
	v21 =	vld [tilespmem:s18+$0xFFFFFFD0]  }
0xdf: {  	v22 =	vld [tilespmem:s16+$0x0]  }
0xe0: {  	v18 =	vadd.f32 v17, v14;
	v16 =	vmul.f32 v16, v20;
	v14 =	vld [tilespmem:s18+$0xFFFFFFE0]  }
.Ltmp5:
0xe1: {  	v17 =	vld [tilespmem:s16+$0x10];
	(pc) =	sbr.rel @p0 .LBB2_12-.Ltmp5, $4  }
0xe2: {  	v16 =	vadd.f32 v16, v18;
	v19 =	vmul.f32 v15, v19;
	v15 =	vld [tilespmem:s18+$0xFFFFFFF0]  }
0xe3: {  	v18 =	vld [tilespmem:s16+$0x20]  }
0xe4: {  	v20 =	vadd.f32 v19, v16;
	v21 =	vmul.f32 v22, v21;
	v16 =	vld [tilespmem:s18+$0x0]  }
0xe5: {  	s18 =	sadd.s32 $0x200, s18;
	v19 =	vld [tilespmem:s16+$0x30]  }
0xe6: {  	v20 =	vadd.f32 v21, v20;
	v14 =	vmul.f32 v17, v14;
	_ =	sdelay $0x1  }
0xe7: {  	v14 =	vadd.f32 v14, v20;
	v15 =	vmul.f32 v18, v15;
	_ =	sdelay $0x1  }
0xe8: {  	s17 =	simm.s32 $0x4170;
	v14 =	vadd.f32 v15, v14;
	v15 =	vmul.f32 v19, v16  }
0xe9: {  	s16 =	simm.s32 $0x40;
	v16 =	vld [tilespmem:s17+$0xFFFFFF90]  }
0xea: {  	v14 =	vadd.f32 v15, v14;
	v15 =	vld [tilespmem:s16+$0xFFFFFFC0]  }
0xeb: {  	v17 =	vld [tilespmem:s17+$0xFFFFFFA0]  }
0xec: {  	v19 =	vld [tilespmem:s16+$0xFFFFFFD0];
	v18 =	vperm.xlane v14, v0  }
0xed: {  	v20 =	vld [tilespmem:s17+$0xFFFFFFB0]  }
0xee: {  	v14 =	vadd.f32 v18, v14;
	v18 =	vld [tilespmem:s16+$0xFFFFFFE0]  }
0xef: {  	v21 =	vld [tilespmem:s17+$0xFFFFFFC0];
	v15 =	vmul.f32 v15, v16  }
0xf0: {  	v23 =	vld [tilespmem:s16+$0xFFFFFFF0];
	v16 =	vimm.f32 $0.0e+00;
	v22 =	vperm.xlane v14, v1  }
0xf1: {  	v24 =	vld [tilespmem:s17+$0xFFFFFFD0];
	v17 =	vmul.f32 v19, v17;
	v15 =	vadd.f32 v15, v16  }
0xf2: {  	v25 =	vld [tilespmem:s16+$0x0];
	v14 =	vadd.f32 v22, v14  }
0xf3: {  	v19 =	vld [tilespmem:s16+$0x10];
	v15 =	vadd.f32 v17, v15;
	v18 =	vmul.f32 v18, v20  }
0xf4: {  	v16 =	vld [tilespmem:s17+$0xFFFFFFE0];
	v22 =	vperm.xlane v14, v2  }
0xf5: {  	v21 =	vmul.f32 v23, v21;
	v17 =	vld [tilespmem:s17+$0xFFFFFFF0];
	v15 =	vadd.f32 v18, v15  }
0xf6: {  	v20 =	vld [tilespmem:s16+$0x20];
	v14 =	vadd.f32 v22, v14  }
0xf7: {  	v23 =	vmul.f32 v25, v24;
	v18 =	vld [tilespmem:s17+$0x0];
	v22 =	vadd.f32 v21, v15  }
0xf8: {  	s18 =	simm.s32 $0x4370;
	s17 =	simm.s32 $0x0;
	v21 =	vld [tilespmem:s16+$0x30];
	v15 =	vperm.xlane v14, v3  }
.LBB2_14:
0xf9: {  	v24 =	vld [tilespmem:s18+$0xFFFFFF90];
	v22 =	vadd.f32 v23, v22;
	v16 =	vmul.f32 v19, v16;
	s16 =	sadd.s32 $0x80, s16  }
0xfa: {  	s17 =	sadd.s32 $0x8, s17;
	v19 =	vld [tilespmem:s16+$0xFFFFFFC0]  }
0xfb: {  	p0 =	slt.u32 s17, $0x3F8;
	v23 =	vld [tilespmem:s18+$0xFFFFFFA0];
	v16 =	vadd.f32 v16, v22;
	v17 =	vmul.f32 v20, v17  }
0xfc: {  	v20 =	vld [tilespmem:s16+$0xFFFFFFD0]  }
0xfd: {  	v22 =	vld [tilespmem:s18+$0xFFFFFFB0];
	v16 =	vadd.f32 v17, v16;
	v17 =	vmul.f32 v21, v18  }
0xfe: {  	v18 =	vld [tilespmem:s16+$0xFFFFFFE0]  }
0xff: {  	v19 =	vmul.f32 v19, v24;
	v21 =	vld [tilespmem:s18+$0xFFFFFFC0];
	v16 =	vadd.f32 v17, v16  }
0x100: {  	v17 =	vld [tilespmem:s16+$0xFFFFFFF0]  }
0x101: {  	v16 =	vadd.f32 v19, v16;
	v19 =	vmul.f32 v20, v23;
	v23 =	vld [tilespmem:s18+$0xFFFFFFD0]  }
0x102: {  	v24 =	vld [tilespmem:s16+$0x0]  }
0x103: {  	v20 =	vadd.f32 v19, v16;
	v18 =	vmul.f32 v18, v22;
	v16 =	vld [tilespmem:s18+$0xFFFFFFE0]  }
.Ltmp6:
0x104: {  	v19 =	vld [tilespmem:s16+$0x10];
	(pc) =	sbr.rel @p0 .LBB2_14-.Ltmp6, $4  }
0x105: {  	v18 =	vadd.f32 v18, v20;
	v21 =	vmul.f32 v17, v21;
	v17 =	vld [tilespmem:s18+$0xFFFFFFF0]  }
0x106: {  	v20 =	vld [tilespmem:s16+$0x20]  }
0x107: {  	v22 =	vadd.f32 v21, v18;
	v23 =	vmul.f32 v24, v23;
	v18 =	vld [tilespmem:s18+$0x0]  }
0x108: {  	s18 =	sadd.s32 $0x200, s18;
	v21 =	vld [tilespmem:s16+$0x30]  }
0x109: {  	v22 =	vadd.f32 v23, v22;
	v16 =	vmul.f32 v19, v16;
	_ =	sdelay $0x1  }
0x10a: {  	v16 =	vadd.f32 v16, v22;
	v17 =	vmul.f32 v20, v17;
	_ =	sdelay $0x1  }
0x10b: {  	s17 =	simm.s32 $0x41F0;
	v16 =	vadd.f32 v17, v16;
	v17 =	vmul.f32 v21, v18  }
0x10c: {  	s16 =	simm.s32 $0x40;
	v18 =	vld [tilespmem:s17+$0xFFFFFF90]  }
0x10d: {  	v16 =	vadd.f32 v17, v16;
	v17 =	vld [tilespmem:s16+$0xFFFFFFC0]  }
0x10e: {  	v19 =	vld [tilespmem:s17+$0xFFFFFFA0]  }
0x10f: {  	v21 =	vld [tilespmem:s16+$0xFFFFFFD0];
	v20 =	vperm.xlane v16, v0  }
0x110: {  	v22 =	vld [tilespmem:s17+$0xFFFFFFB0]  }
0x111: {  	v16 =	vadd.f32 v20, v16;
	v20 =	vld [tilespmem:s16+$0xFFFFFFE0]  }
0x112: {  	v23 =	vld [tilespmem:s17+$0xFFFFFFC0];
	v17 =	vmul.f32 v17, v18  }
0x113: {  	v25 =	vld [tilespmem:s16+$0xFFFFFFF0];
	v18 =	vimm.f32 $0.0e+00;
	v24 =	vperm.xlane v16, v1  }
0x114: {  	v26 =	vld [tilespmem:s17+$0xFFFFFFD0];
	v17 =	vadd.f32 v17, v18;
	v18 =	vmul.f32 v21, v19  }
0x115: {  	v27 =	vld [tilespmem:s16+$0x0];
	v16 =	vadd.f32 v24, v16  }
0x116: {  	v19 =	vld [tilespmem:s17+$0xFFFFFFE0];
	v17 =	vadd.f32 v18, v17;
	v20 =	vmul.f32 v20, v22  }
0x117: {  	v22 =	vld [tilespmem:s16+$0x10];
	v21 =	vperm.xlane v16, v2  }
0x118: {  	v23 =	vmul.f32 v25, v23;
	v18 =	vld [tilespmem:s17+$0xFFFFFFF0];
	v17 =	vadd.f32 v20, v17  }
0x119: {  	v16 =	vadd.f32 v21, v16;
	v21 =	vld [tilespmem:s16+$0x20]  }
0x11a: {  	v25 =	vmul.f32 v27, v26;
	v20 =	vld [tilespmem:s17+$0x0];
	v24 =	vadd.f32 v23, v17  }
0x11b: {  	s18 =	simm.s32 $0x43F0;
	s17 =	simm.s32 $0x0;
	v23 =	vld [tilespmem:s16+$0x30];
	v17 =	vperm.xlane v16, v3  }
.LBB2_16:
0x11c: {  	v26 =	vld [tilespmem:s18+$0xFFFFFF90];
	v24 =	vadd.f32 v25, v24;
	v19 =	vmul.f32 v22, v19;
	s16 =	sadd.s32 $0x80, s16  }
0x11d: {  	s17 =	sadd.s32 $0x8, s17;
	v22 =	vld [tilespmem:s16+$0xFFFFFFC0]  }
0x11e: {  	p0 =	slt.u32 s17, $0x3F8;
	v25 =	vld [tilespmem:s18+$0xFFFFFFA0];
	v19 =	vadd.f32 v19, v24;
	v18 =	vmul.f32 v21, v18  }
0x11f: {  	v21 =	vld [tilespmem:s16+$0xFFFFFFD0]  }
0x120: {  	v24 =	vld [tilespmem:s18+$0xFFFFFFB0];
	v18 =	vadd.f32 v18, v19;
	v19 =	vmul.f32 v23, v20  }
0x121: {  	v20 =	vld [tilespmem:s16+$0xFFFFFFE0]  }
0x122: {  	v22 =	vmul.f32 v22, v26;
	v23 =	vld [tilespmem:s18+$0xFFFFFFC0];
	v18 =	vadd.f32 v19, v18  }
0x123: {  	v26 =	vld [tilespmem:s16+$0xFFFFFFF0]  }
0x124: {  	v18 =	vadd.f32 v22, v18;
	v19 =	vmul.f32 v21, v25;
	v25 =	vld [tilespmem:s18+$0xFFFFFFD0]  }
0x125: {  	v27 =	vld [tilespmem:s16+$0x0]  }
0x126: {  	v18 =	vadd.f32 v19, v18;
	v20 =	vmul.f32 v20, v24;
	v19 =	vld [tilespmem:s18+$0xFFFFFFE0]  }
.Ltmp7:
0x127: {  	v22 =	vld [tilespmem:s16+$0x10];
	(pc) =	sbr.rel @p0 .LBB2_16-.Ltmp7, $4  }
0x128: {  	v20 =	vadd.f32 v20, v18;
	v23 =	vmul.f32 v26, v23;
	v18 =	vld [tilespmem:s18+$0xFFFFFFF0]  }
0x129: {  	v21 =	vld [tilespmem:s16+$0x20]  }
0x12a: {  	v24 =	vadd.f32 v23, v20;
	v25 =	vmul.f32 v27, v25;
	v20 =	vld [tilespmem:s18+$0x0]  }
0x12b: {  	s18 =	sadd.s32 $0x200, s18;
	v23 =	vld [tilespmem:s16+$0x30]  }
0x12c: {  	v24 =	vadd.f32 v25, v24;
	v19 =	vmul.f32 v22, v19  }
0x12d: {  	[tilespmem:s13], [sflag:$0x1] =	stream.strided.gather [hbm4b:s6+s11], $0x10000, s12, s11, $0x38;
	[tilespmem:$0x14080] =	vst v63  }
0x12e: {  	_ =	swait.ge [sflag:s10], $0x10000;
	v19 =	vadd.f32 v19, v24;
	v18 =	vmul.f32 v21, v18  }
0x12f: {  	[sflag:s10] =	ssyncset.done $0x0  }
0x130: {  	s17 =	simm.s32 $0x4040;
	[sflag:s10] =	ssyncadd.s32 $0xFFFF0000;
	v18 =	vadd.f32 v18, v19;
	v19 =	vmul.f32 v23, v20  }
0x131: {  	s16 =	simm.s32 $0x40;
	v20 =	vld [tilespmem:s17+$0xFFFFFFC0]  }
0x132: {  	v18 =	vadd.f32 v19, v18;
	v19 =	vld [tilespmem:s16+$0xFFFFFFC0]  }
0x133: {  	v21 =	vld [tilespmem:s17+$0xFFFFFFD0]  }
0x134: {  	v23 =	vld [tilespmem:s16+$0xFFFFFFD0];
	v22 =	vperm.xlane v18, v0  }
0x135: {  	v24 =	vld [tilespmem:s17+$0xFFFFFFE0]  }
0x136: {  	v18 =	vadd.f32 v22, v18;
	v22 =	vld [tilespmem:s16+$0xFFFFFFE0]  }
0x137: {  	v25 =	vld [tilespmem:s17+$0xFFFFFFF0];
	v19 =	vmul.f32 v19, v20  }
0x138: {  	v27 =	vld [tilespmem:s16+$0xFFFFFFF0];
	v20 =	vimm.f32 $0.0e+00;
	v26 =	vperm.xlane v18, v1  }
0x139: {  	v28 =	vld [tilespmem:s17+$0x0];
	v21 =	vmul.f32 v23, v21;
	v19 =	vadd.f32 v19, v20  }
0x13a: {  	v29 =	vld [tilespmem:s16+$0x0];
	v18 =	vadd.f32 v26, v18  }
0x13b: {  	v23 =	vld [tilespmem:s16+$0x10];
	v19 =	vadd.f32 v21, v19;
	v22 =	vmul.f32 v22, v24  }
0x13c: {  	v20 =	vld [tilespmem:s17+$0x10];
	v26 =	vperm.xlane v18, v2  }
0x13d: {  	v25 =	vmul.f32 v27, v25;
	v21 =	vld [tilespmem:s17+$0x20];
	v19 =	vadd.f32 v22, v19  }
0x13e: {  	v24 =	vld [tilespmem:s16+$0x20];
	v18 =	vadd.f32 v26, v18  }
0x13f: {  	v27 =	vmul.f32 v29, v28;
	v22 =	vld [tilespmem:s17+$0x30];
	v26 =	vadd.f32 v25, v19  }
0x140: {  	s18 =	simm.s32 $0x4240;
	s17 =	simm.s32 $0x0;
	v25 =	vld [tilespmem:s16+$0x30];
	v19 =	vperm.xlane v18, v3  }
.LBB2_18:
0x141: {  	v28 =	vld [tilespmem:s18+$0xFFFFFFC0];
	v26 =	vadd.f32 v27, v26;
	v20 =	vmul.f32 v23, v20;
	s16 =	sadd.s32 $0x80, s16  }
0x142: {  	s17 =	sadd.s32 $0x8, s17;
	v23 =	vld [tilespmem:s16+$0xFFFFFFC0]  }
0x143: {  	p0 =	slt.u32 s17, $0x3F8;
	v27 =	vld [tilespmem:s18+$0xFFFFFFD0];
	v20 =	vadd.f32 v20, v26;
	v21 =	vmul.f32 v24, v21  }
0x144: {  	v24 =	vld [tilespmem:s16+$0xFFFFFFD0]  }
0x145: {  	v26 =	vld [tilespmem:s18+$0xFFFFFFE0];
	v20 =	vadd.f32 v21, v20;
	v21 =	vmul.f32 v25, v22  }
0x146: {  	v22 =	vld [tilespmem:s16+$0xFFFFFFE0]  }
0x147: {  	v23 =	vmul.f32 v23, v28;
	v25 =	vld [tilespmem:s18+$0xFFFFFFF0];
	v20 =	vadd.f32 v21, v20  }
0x148: {  	v21 =	vld [tilespmem:s16+$0xFFFFFFF0]  }
0x149: {  	v20 =	vadd.f32 v23, v20;
	v23 =	vmul.f32 v24, v27;
	v27 =	vld [tilespmem:s18+$0x0]  }
0x14a: {  	v28 =	vld [tilespmem:s16+$0x0]  }
0x14b: {  	v24 =	vadd.f32 v23, v20;
	v22 =	vmul.f32 v22, v26;
	v20 =	vld [tilespmem:s18+$0x10]  }
.Ltmp8:
0x14c: {  	v23 =	vld [tilespmem:s16+$0x10];
	(pc) =	sbr.rel @p0 .LBB2_18-.Ltmp8, $4  }
0x14d: {  	v22 =	vadd.f32 v22, v24;
	v25 =	vmul.f32 v21, v25;
	v21 =	vld [tilespmem:s18+$0x20]  }
0x14e: {  	v24 =	vld [tilespmem:s16+$0x20]  }
0x14f: {  	v26 =	vadd.f32 v25, v22;
	v27 =	vmul.f32 v28, v27;
	v22 =	vld [tilespmem:s18+$0x30]  }
0x150: {  	s18 =	sadd.s32 $0x200, s18;
	v25 =	vld [tilespmem:s16+$0x30]  }
0x151: {  	v26 =	vadd.f32 v27, v26;
	v20 =	vmul.f32 v23, v20;
	_ =	sdelay $0x1  }
0x152: {  	v20 =	vadd.f32 v20, v26;
	v21 =	vmul.f32 v24, v21;
	_ =	sdelay $0x1  }
0x153: {  	s17 =	simm.s32 $0x40F0;
	v20 =	vadd.f32 v21, v20;
	v21 =	vmul.f32 v25, v22  }
0x154: {  	s16 =	simm.s32 $0x40;
	v22 =	vld [tilespmem:s17+$0xFFFFFF90]  }
0x155: {  	v20 =	vadd.f32 v21, v20;
	v21 =	vld [tilespmem:s16+$0xFFFFFFC0]  }
0x156: {  	v23 =	vld [tilespmem:s17+$0xFFFFFFA0]  }
0x157: {  	v25 =	vld [tilespmem:s16+$0xFFFFFFD0];
	v24 =	vperm.xlane v20, v0  }
0x158: {  	v26 =	vld [tilespmem:s17+$0xFFFFFFB0]  }
0x159: {  	v20 =	vadd.f32 v24, v20;
	v24 =	vld [tilespmem:s16+$0xFFFFFFE0]  }
0x15a: {  	v27 =	vld [tilespmem:s17+$0xFFFFFFC0];
	v21 =	vmul.f32 v21, v22  }
0x15b: {  	v29 =	vld [tilespmem:s16+$0xFFFFFFF0];
	v22 =	vimm.f32 $0.0e+00;
	v28 =	vperm.xlane v20, v1  }
0x15c: {  	v30 =	vld [tilespmem:s17+$0xFFFFFFD0];
	v23 =	vmul.f32 v25, v23;
	v21 =	vadd.f32 v21, v22  }
0x15d: {  	v31 =	vld [tilespmem:s16+$0x0];
	v20 =	vadd.f32 v28, v20  }
0x15e: {  	v25 =	vld [tilespmem:s16+$0x10];
	v21 =	vadd.f32 v23, v21;
	v24 =	vmul.f32 v24, v26  }
0x15f: {  	v22 =	vld [tilespmem:s17+$0xFFFFFFE0];
	v28 =	vperm.xlane v20, v2  }
0x160: {  	v27 =	vmul.f32 v29, v27;
	v23 =	vld [tilespmem:s17+$0xFFFFFFF0];
	v21 =	vadd.f32 v24, v21  }
0x161: {  	v26 =	vld [tilespmem:s16+$0x20];
	v20 =	vadd.f32 v28, v20  }
0x162: {  	v29 =	vmul.f32 v31, v30;
	v24 =	vld [tilespmem:s17+$0x0];
	v28 =	vadd.f32 v27, v21  }
0x163: {  	s18 =	simm.s32 $0x42F0;
	s17 =	simm.s32 $0x0;
	v27 =	vld [tilespmem:s16+$0x30];
	v21 =	vperm.xlane v20, v3  }
.LBB2_20:
0x164: {  	v30 =	vld [tilespmem:s18+$0xFFFFFF90];
	v28 =	vadd.f32 v29, v28;
	v22 =	vmul.f32 v25, v22;
	s16 =	sadd.s32 $0x80, s16  }
0x165: {  	s17 =	sadd.s32 $0x8, s17;
	v25 =	vld [tilespmem:s16+$0xFFFFFFC0]  }
0x166: {  	p0 =	slt.u32 s17, $0x3F8;
	v29 =	vld [tilespmem:s18+$0xFFFFFFA0];
	v22 =	vadd.f32 v22, v28;
	v23 =	vmul.f32 v26, v23  }
0x167: {  	v26 =	vld [tilespmem:s16+$0xFFFFFFD0]  }
0x168: {  	v28 =	vld [tilespmem:s18+$0xFFFFFFB0];
	v22 =	vadd.f32 v23, v22;
	v23 =	vmul.f32 v27, v24  }
0x169: {  	v24 =	vld [tilespmem:s16+$0xFFFFFFE0]  }
0x16a: {  	v25 =	vmul.f32 v25, v30;
	v27 =	vld [tilespmem:s18+$0xFFFFFFC0];
	v22 =	vadd.f32 v23, v22  }
0x16b: {  	v23 =	vld [tilespmem:s16+$0xFFFFFFF0]  }
0x16c: {  	v22 =	vadd.f32 v25, v22;
	v25 =	vmul.f32 v26, v29;
	v29 =	vld [tilespmem:s18+$0xFFFFFFD0]  }
0x16d: {  	v30 =	vld [tilespmem:s16+$0x0]  }
0x16e: {  	v26 =	vadd.f32 v25, v22;
	v24 =	vmul.f32 v24, v28;
	v22 =	vld [tilespmem:s18+$0xFFFFFFE0]  }
.Ltmp9:
0x16f: {  	v25 =	vld [tilespmem:s16+$0x10];
	(pc) =	sbr.rel @p0 .LBB2_20-.Ltmp9, $4  }
0x170: {  	v24 =	vadd.f32 v24, v26;
	v27 =	vmul.f32 v23, v27;
	v23 =	vld [tilespmem:s18+$0xFFFFFFF0]  }
0x171: {  	v26 =	vld [tilespmem:s16+$0x20]  }
0x172: {  	v28 =	vadd.f32 v27, v24;
	v29 =	vmul.f32 v30, v29;
	v24 =	vld [tilespmem:s18+$0x0]  }
0x173: {  	s18 =	sadd.s32 $0x200, s18;
	v27 =	vld [tilespmem:s16+$0x30]  }
0x174: {  	v28 =	vadd.f32 v29, v28;
	v22 =	vmul.f32 v25, v22;
	_ =	sdelay $0x1  }
0x175: {  	v22 =	vadd.f32 v22, v28;
	v23 =	vmul.f32 v26, v23;
	_ =	sdelay $0x1  }
0x176: {  	s17 =	simm.s32 $0x4170;
	v22 =	vadd.f32 v23, v22;
	v23 =	vmul.f32 v27, v24  }
0x177: {  	s16 =	simm.s32 $0x40;
	v24 =	vld [tilespmem:s17+$0xFFFFFF90]  }
0x178: {  	v22 =	vadd.f32 v23, v22;
	v23 =	vld [tilespmem:s16+$0xFFFFFFC0]  }
0x179: {  	v25 =	vld [tilespmem:s17+$0xFFFFFFA0]  }
0x17a: {  	v27 =	vld [tilespmem:s16+$0xFFFFFFD0];
	v26 =	vperm.xlane v22, v0  }
0x17b: {  	v28 =	vld [tilespmem:s17+$0xFFFFFFB0]  }
0x17c: {  	v22 =	vadd.f32 v26, v22;
	v26 =	vld [tilespmem:s16+$0xFFFFFFE0]  }
0x17d: {  	v29 =	vld [tilespmem:s17+$0xFFFFFFC0];
	v23 =	vmul.f32 v23, v24  }
0x17e: {  	v31 =	vld [tilespmem:s16+$0xFFFFFFF0];
	v24 =	vimm.f32 $0.0e+00;
	v30 =	vperm.xlane v22, v1  }
0x17f: {  	v32 =	vld [tilespmem:s17+$0xFFFFFFD0];
	v25 =	vmul.f32 v27, v25;
	v23 =	vadd.f32 v23, v24  }
0x180: {  	v33 =	vld [tilespmem:s16+$0x0];
	v22 =	vadd.f32 v30, v22  }
0x181: {  	v27 =	vld [tilespmem:s16+$0x10];
	v23 =	vadd.f32 v25, v23;
	v26 =	vmul.f32 v26, v28  }
0x182: {  	v24 =	vld [tilespmem:s17+$0xFFFFFFE0];
	v30 =	vperm.xlane v22, v2  }
0x183: {  	v29 =	vmul.f32 v31, v29;
	v25 =	vld [tilespmem:s17+$0xFFFFFFF0];
	v23 =	vadd.f32 v26, v23  }
0x184: {  	v28 =	vld [tilespmem:s16+$0x20];
	v22 =	vadd.f32 v30, v22  }
0x185: {  	v31 =	vmul.f32 v33, v32;
	v26 =	vld [tilespmem:s17+$0x0];
	v30 =	vadd.f32 v29, v23  }
0x186: {  	s18 =	simm.s32 $0x4370;
	s17 =	simm.s32 $0x0;
	v29 =	vld [tilespmem:s16+$0x30];
	v23 =	vperm.xlane v22, v3  }
.LBB2_22:
0x187: {  	v32 =	vld [tilespmem:s18+$0xFFFFFF90];
	v30 =	vadd.f32 v31, v30;
	v24 =	vmul.f32 v27, v24;
	s16 =	sadd.s32 $0x80, s16  }
0x188: {  	s17 =	sadd.s32 $0x8, s17;
	v27 =	vld [tilespmem:s16+$0xFFFFFFC0]  }
0x189: {  	p0 =	slt.u32 s17, $0x3F8;
	v31 =	vld [tilespmem:s18+$0xFFFFFFA0];
	v24 =	vadd.f32 v24, v30;
	v25 =	vmul.f32 v28, v25  }
0x18a: {  	v28 =	vld [tilespmem:s16+$0xFFFFFFD0]  }
0x18b: {  	v30 =	vld [tilespmem:s18+$0xFFFFFFB0];
	v24 =	vadd.f32 v25, v24;
	v25 =	vmul.f32 v29, v26  }
0x18c: {  	v26 =	vld [tilespmem:s16+$0xFFFFFFE0]  }
0x18d: {  	v27 =	vmul.f32 v27, v32;
	v29 =	vld [tilespmem:s18+$0xFFFFFFC0];
	v24 =	vadd.f32 v25, v24  }
0x18e: {  	v25 =	vld [tilespmem:s16+$0xFFFFFFF0]  }
0x18f: {  	v24 =	vadd.f32 v27, v24;
	v27 =	vmul.f32 v28, v31;
	v31 =	vld [tilespmem:s18+$0xFFFFFFD0]  }
0x190: {  	v32 =	vld [tilespmem:s16+$0x0]  }
0x191: {  	v28 =	vadd.f32 v27, v24;
	v26 =	vmul.f32 v26, v30;
	v24 =	vld [tilespmem:s18+$0xFFFFFFE0]  }
.Ltmp10:
0x192: {  	v27 =	vld [tilespmem:s16+$0x10];
	(pc) =	sbr.rel @p0 .LBB2_22-.Ltmp10, $4  }
0x193: {  	v26 =	vadd.f32 v26, v28;
	v29 =	vmul.f32 v25, v29;
	v25 =	vld [tilespmem:s18+$0xFFFFFFF0]  }
0x194: {  	v28 =	vld [tilespmem:s16+$0x20]  }
0x195: {  	v30 =	vadd.f32 v29, v26;
	v31 =	vmul.f32 v32, v31;
	v26 =	vld [tilespmem:s18+$0x0]  }
0x196: {  	s18 =	sadd.s32 $0x200, s18;
	v29 =	vld [tilespmem:s16+$0x30]  }
0x197: {  	v30 =	vadd.f32 v31, v30;
	v24 =	vmul.f32 v27, v24;
	_ =	sdelay $0x1  }
0x198: {  	v24 =	vadd.f32 v24, v30;
	v25 =	vmul.f32 v28, v25;
	_ =	sdelay $0x1  }
0x199: {  	s17 =	simm.s32 $0x41F0;
	v24 =	vadd.f32 v25, v24;
	v25 =	vmul.f32 v29, v26  }
0x19a: {  	s16 =	simm.s32 $0x40;
	v26 =	vld [tilespmem:s17+$0xFFFFFF90]  }
0x19b: {  	v24 =	vadd.f32 v25, v24;
	v25 =	vld [tilespmem:s16+$0xFFFFFFC0]  }
0x19c: {  	v27 =	vld [tilespmem:s17+$0xFFFFFFA0]  }
0x19d: {  	v29 =	vld [tilespmem:s16+$0xFFFFFFD0];
	v28 =	vperm.xlane v24, v0  }
0x19e: {  	v30 =	vld [tilespmem:s17+$0xFFFFFFB0]  }
0x19f: {  	v24 =	vadd.f32 v28, v24;
	v28 =	vld [tilespmem:s16+$0xFFFFFFE0]  }
0x1a0: {  	v31 =	vld [tilespmem:s17+$0xFFFFFFC0];
	v25 =	vmul.f32 v25, v26  }
0x1a1: {  	v33 =	vld [tilespmem:s16+$0xFFFFFFF0];
	v26 =	vimm.f32 $0.0e+00;
	v32 =	vperm.xlane v24, v1  }
0x1a2: {  	v34 =	vld [tilespmem:s17+$0xFFFFFFD0];
	v25 =	vadd.f32 v25, v26;
	v26 =	vmul.f32 v29, v27  }
0x1a3: {  	v35 =	vld [tilespmem:s16+$0x0];
	v24 =	vadd.f32 v32, v24  }
0x1a4: {  	v27 =	vld [tilespmem:s17+$0xFFFFFFE0];
	v25 =	vadd.f32 v26, v25;
	v28 =	vmul.f32 v28, v30  }
0x1a5: {  	v30 =	vld [tilespmem:s16+$0x10];
	v29 =	vperm.xlane v24, v2  }
0x1a6: {  	v31 =	vmul.f32 v33, v31;
	v26 =	vld [tilespmem:s17+$0xFFFFFFF0];
	v25 =	vadd.f32 v28, v25  }
0x1a7: {  	v24 =	vadd.f32 v29, v24;
	v29 =	vld [tilespmem:s16+$0x20]  }
0x1a8: {  	v33 =	vmul.f32 v35, v34;
	v28 =	vld [tilespmem:s17+$0x0];
	v32 =	vadd.f32 v31, v25  }
0x1a9: {  	s18 =	simm.s32 $0x43F0;
	s17 =	simm.s32 $0x0;
	v31 =	vld [tilespmem:s16+$0x30];
	v25 =	vperm.xlane v24, v3  }
.LBB2_24:
0x1aa: {  	v34 =	vld [tilespmem:s18+$0xFFFFFF90];
	v32 =	vadd.f32 v33, v32;
	v27 =	vmul.f32 v30, v27;
	s16 =	sadd.s32 $0x80, s16  }
0x1ab: {  	s17 =	sadd.s32 $0x8, s17;
	v30 =	vld [tilespmem:s16+$0xFFFFFFC0]  }
0x1ac: {  	p0 =	slt.u32 s17, $0x3F8;
	v33 =	vld [tilespmem:s18+$0xFFFFFFA0];
	v27 =	vadd.f32 v27, v32;
	v26 =	vmul.f32 v29, v26  }
0x1ad: {  	v29 =	vld [tilespmem:s16+$0xFFFFFFD0]  }
0x1ae: {  	v32 =	vld [tilespmem:s18+$0xFFFFFFB0];
	v26 =	vadd.f32 v26, v27;
	v27 =	vmul.f32 v31, v28  }
0x1af: {  	v28 =	vld [tilespmem:s16+$0xFFFFFFE0]  }
0x1b0: {  	v30 =	vmul.f32 v30, v34;
	v31 =	vld [tilespmem:s18+$0xFFFFFFC0];
	v26 =	vadd.f32 v27, v26  }
0x1b1: {  	v34 =	vld [tilespmem:s16+$0xFFFFFFF0]  }
0x1b2: {  	v26 =	vadd.f32 v30, v26;
	v27 =	vmul.f32 v29, v33;
	v33 =	vld [tilespmem:s18+$0xFFFFFFD0]  }
0x1b3: {  	v35 =	vld [tilespmem:s16+$0x0]  }
0x1b4: {  	v26 =	vadd.f32 v27, v26;
	v28 =	vmul.f32 v28, v32;
	v27 =	vld [tilespmem:s18+$0xFFFFFFE0]  }
.Ltmp11:
0x1b5: {  	v30 =	vld [tilespmem:s16+$0x10];
	(pc) =	sbr.rel @p0 .LBB2_24-.Ltmp11, $4  }
0x1b6: {  	v28 =	vadd.f32 v28, v26;
	v31 =	vmul.f32 v34, v31;
	v26 =	vld [tilespmem:s18+$0xFFFFFFF0]  }
0x1b7: {  	v29 =	vld [tilespmem:s16+$0x20]  }
0x1b8: {  	v32 =	vadd.f32 v31, v28;
	v33 =	vmul.f32 v35, v33;
	v28 =	vld [tilespmem:s18+$0x0]  }
0x1b9: {  	s18 =	sadd.s32 $0x200, s18;
	v31 =	vld [tilespmem:s16+$0x30]  }
0x1ba: {  	v32 =	vadd.f32 v33, v32;
	v27 =	vmul.f32 v30, v27  }
0x1bb: {  	[tilespmem:s13], [sflag:$0x1] =	stream.strided.gather [hbm4b:s7+s11], $0x10000, s12, s11, $0x38;
	[tilespmem:$0x14080] =	vst v63  }
0x1bc: {  	_ =	swait.ge [sflag:s10], $0x10000;
	v27 =	vadd.f32 v27, v32;
	v26 =	vmul.f32 v29, v26  }
0x1bd: {  	[sflag:s10] =	ssyncset.done $0x0  }
0x1be: {  	s17 =	simm.s32 $0x4040;
	[sflag:s10] =	ssyncadd.s32 $0xFFFF0000;
	v26 =	vadd.f32 v26, v27;
	v27 =	vmul.f32 v31, v28  }
0x1bf: {  	s16 =	simm.s32 $0x40;
	v28 =	vld [tilespmem:s17+$0xFFFFFFC0]  }
0x1c0: {  	v26 =	vadd.f32 v27, v26;
	v27 =	vld [tilespmem:s16+$0xFFFFFFC0]  }
0x1c1: {  	v29 =	vld [tilespmem:s17+$0xFFFFFFD0]  }
0x1c2: {  	v31 =	vld [tilespmem:s16+$0xFFFFFFD0];
	v30 =	vperm.xlane v26, v0  }
0x1c3: {  	v62 =	vld [tilespmem:s17+$0xFFFFFFE0]  }
0x1c4: {  	v26 =	vadd.f32 v30, v26;
	v30 =	vld [tilespmem:s16+$0xFFFFFFE0]  }
0x1c5: {  	v63 =	vld [tilespmem:s17+$0xFFFFFFF0];
	v27 =	vmul.f32 v27, v28  }
0x1c6: {  	v35 =	vld [tilespmem:s16+$0xFFFFFFF0];
	v28 =	vimm.f32 $0.0e+00;
	v34 =	vperm.xlane v26, v1  }
0x1c7: {  	v36 =	vld [tilespmem:s17+$0x0];
	v29 =	vmul.f32 v31, v29;
	v27 =	vadd.f32 v27, v28  }
0x1c8: {  	v37 =	vld [tilespmem:s16+$0x0];
	v26 =	vadd.f32 v34, v26  }
0x1c9: {  	v31 =	vld [tilespmem:s16+$0x10];
	v27 =	vadd.f32 v29, v27;
	v30 =	vmul.f32 v30, v62  }
0x1ca: {  	v28 =	vld [tilespmem:s17+$0x10];
	v34 =	vperm.xlane v26, v2  }
0x1cb: {  	v32 =	vld [tilespmem:s16+$0x20];
	v33 =	vmul.f32 v35, v63;
	v27 =	vadd.f32 v30, v27  }
0x1cc: {  	v29 =	vld [tilespmem:s17+$0x20];
	v26 =	vadd.f32 v34, v26  }
0x1cd: {  	v35 =	vmul.f32 v37, v36;
	v30 =	vld [tilespmem:s17+$0x30];
	v34 =	vadd.f32 v33, v27  }
0x1ce: {  	s18 =	simm.s32 $0x4240;
	s17 =	simm.s32 $0x0;
	v33 =	vld [tilespmem:s16+$0x30];
	v27 =	vperm.xlane v26, v3  }
.LBB2_26:
0x1cf: {  	v36 =	vld [tilespmem:s18+$0xFFFFFFC0];
	v34 =	vadd.f32 v35, v34;
	v28 =	vmul.f32 v31, v28;
	s16 =	sadd.s32 $0x80, s16  }
0x1d0: {  	s17 =	sadd.s32 $0x8, s17;
	v31 =	vld [tilespmem:s16+$0xFFFFFFC0]  }
0x1d1: {  	p0 =	slt.u32 s17, $0x3F8;
	v35 =	vld [tilespmem:s18+$0xFFFFFFD0];
	v28 =	vadd.f32 v28, v34;
	v29 =	vmul.f32 v32, v29  }
0x1d2: {  	v32 =	vld [tilespmem:s16+$0xFFFFFFD0]  }
0x1d3: {  	v34 =	vld [tilespmem:s18+$0xFFFFFFE0];
	v28 =	vadd.f32 v29, v28;
	v29 =	vmul.f32 v33, v30  }
0x1d4: {  	v30 =	vld [tilespmem:s16+$0xFFFFFFE0]  }
0x1d5: {  	v31 =	vmul.f32 v31, v36;
	v33 =	vld [tilespmem:s18+$0xFFFFFFF0];
	v28 =	vadd.f32 v29, v28  }
0x1d6: {  	v29 =	vld [tilespmem:s16+$0xFFFFFFF0]  }
0x1d7: {  	v28 =	vadd.f32 v31, v28;
	v31 =	vmul.f32 v32, v35;
	v35 =	vld [tilespmem:s18+$0x0]  }
0x1d8: {  	v36 =	vld [tilespmem:s16+$0x0]  }
0x1d9: {  	v32 =	vadd.f32 v31, v28;
	v30 =	vmul.f32 v30, v34;
	v28 =	vld [tilespmem:s18+$0x10]  }
.Ltmp12:
0x1da: {  	v31 =	vld [tilespmem:s16+$0x10];
	(pc) =	sbr.rel @p0 .LBB2_26-.Ltmp12, $4  }
0x1db: {  	v30 =	vadd.f32 v30, v32;
	v33 =	vmul.f32 v29, v33;
	v29 =	vld [tilespmem:s18+$0x20]  }
0x1dc: {  	v32 =	vld [tilespmem:s16+$0x20]  }
0x1dd: {  	v34 =	vadd.f32 v33, v30;
	v35 =	vmul.f32 v36, v35;
	v30 =	vld [tilespmem:s18+$0x30]  }
0x1de: {  	s18 =	sadd.s32 $0x200, s18;
	v33 =	vld [tilespmem:s16+$0x30]  }
0x1df: {  	v34 =	vadd.f32 v35, v34;
	v28 =	vmul.f32 v31, v28;
	_ =	sdelay $0x1  }
0x1e0: {  	v28 =	vadd.f32 v28, v34;
	v29 =	vmul.f32 v32, v29;
	_ =	sdelay $0x1  }
0x1e1: {  	s17 =	simm.s32 $0x40F0;
	v28 =	vadd.f32 v29, v28;
	v29 =	vmul.f32 v33, v30  }
0x1e2: {  	s16 =	simm.s32 $0x40;
	v30 =	vld [tilespmem:s17+$0xFFFFFF90]  }
0x1e3: {  	v28 =	vadd.f32 v29, v28;
	v29 =	vld [tilespmem:s16+$0xFFFFFFC0]  }
0x1e4: {  	v31 =	vld [tilespmem:s17+$0xFFFFFFA0]  }
0x1e5: {  	v60 =	vld [tilespmem:s16+$0xFFFFFFD0];
	v59 =	vperm.xlane v28, v0  }
0x1e6: {  	v61 =	vld [tilespmem:s17+$0xFFFFFFB0]  }
0x1e7: {  	v62 =	vld [tilespmem:s16+$0xFFFFFFE0];
	v28 =	vadd.f32 v59, v28  }
0x1e8: {  	v63 =	vld [tilespmem:s17+$0xFFFFFFC0];
	v29 =	vmul.f32 v29, v30  }
0x1e9: {  	v37 =	vld [tilespmem:s16+$0xFFFFFFF0];
	v30 =	vimm.f32 $0.0e+00;
	v36 =	vperm.xlane v28, v1  }
0x1ea: {  	v38 =	vld [tilespmem:s17+$0xFFFFFFD0];
	v31 =	vmul.f32 v60, v31;
	v29 =	vadd.f32 v29, v30  }
0x1eb: {  	v39 =	vld [tilespmem:s16+$0x0];
	v28 =	vadd.f32 v36, v28  }
0x1ec: {  	v33 =	vld [tilespmem:s16+$0x10];
	v32 =	vmul.f32 v62, v61;
	v29 =	vadd.f32 v31, v29  }
0x1ed: {  	v30 =	vld [tilespmem:s17+$0xFFFFFFE0];
	v36 =	vperm.xlane v28, v2  }
0x1ee: {  	v34 =	vld [tilespmem:s16+$0x20];
	v35 =	vmul.f32 v37, v63;
	v29 =	vadd.f32 v32, v29  }
0x1ef: {  	v31 =	vld [tilespmem:s17+$0xFFFFFFF0];
	v28 =	vadd.f32 v36, v28  }
0x1f0: {  	v37 =	vmul.f32 v39, v38;
	v32 =	vld [tilespmem:s17+$0x0];
	v36 =	vadd.f32 v35, v29  }
0x1f1: {  	s18 =	simm.s32 $0x42F0;
	s17 =	simm.s32 $0x0;
	v35 =	vld [tilespmem:s16+$0x30];
	v29 =	vperm.xlane v28, v3  }
.LBB2_28:
0x1f2: {  	v38 =	vld [tilespmem:s18+$0xFFFFFF90];
	v36 =	vadd.f32 v37, v36;
	v30 =	vmul.f32 v33, v30;
	s16 =	sadd.s32 $0x80, s16  }
0x1f3: {  	s17 =	sadd.s32 $0x8, s17;
	v33 =	vld [tilespmem:s16+$0xFFFFFFC0]  }
0x1f4: {  	p0 =	slt.u32 s17, $0x3F8;
	v37 =	vld [tilespmem:s18+$0xFFFFFFA0];
	v30 =	vadd.f32 v30, v36;
	v31 =	vmul.f32 v34, v31  }
0x1f5: {  	v34 =	vld [tilespmem:s16+$0xFFFFFFD0]  }
0x1f6: {  	v36 =	vld [tilespmem:s18+$0xFFFFFFB0];
	v30 =	vadd.f32 v31, v30;
	v31 =	vmul.f32 v35, v32  }
0x1f7: {  	v32 =	vld [tilespmem:s16+$0xFFFFFFE0]  }
0x1f8: {  	v33 =	vmul.f32 v33, v38;
	v35 =	vld [tilespmem:s18+$0xFFFFFFC0];
	v30 =	vadd.f32 v31, v30  }
0x1f9: {  	v31 =	vld [tilespmem:s16+$0xFFFFFFF0]  }
0x1fa: {  	v30 =	vadd.f32 v33, v30;
	v33 =	vmul.f32 v34, v37;
	v37 =	vld [tilespmem:s18+$0xFFFFFFD0]  }
0x1fb: {  	v38 =	vld [tilespmem:s16+$0x0]  }
0x1fc: {  	v34 =	vadd.f32 v33, v30;
	v32 =	vmul.f32 v32, v36;
	v30 =	vld [tilespmem:s18+$0xFFFFFFE0]  }
.Ltmp13:
0x1fd: {  	v33 =	vld [tilespmem:s16+$0x10];
	(pc) =	sbr.rel @p0 .LBB2_28-.Ltmp13, $4  }
0x1fe: {  	v32 =	vadd.f32 v32, v34;
	v35 =	vmul.f32 v31, v35;
	v31 =	vld [tilespmem:s18+$0xFFFFFFF0]  }
0x1ff: {  	v34 =	vld [tilespmem:s16+$0x20]  }
0x200: {  	v36 =	vadd.f32 v35, v32;
	v37 =	vmul.f32 v38, v37;
	v32 =	vld [tilespmem:s18+$0x0]  }
0x201: {  	s18 =	sadd.s32 $0x200, s18;
	v35 =	vld [tilespmem:s16+$0x30]  }
0x202: {  	v36 =	vadd.f32 v37, v36;
	v30 =	vmul.f32 v33, v30;
	_ =	sdelay $0x1  }
0x203: {  	v30 =	vadd.f32 v30, v36;
	v31 =	vmul.f32 v34, v31;
	_ =	sdelay $0x1  }
0x204: {  	s17 =	simm.s32 $0x4170;
	v30 =	vadd.f32 v31, v30;
	v31 =	vmul.f32 v35, v32  }
0x205: {  	s16 =	simm.s32 $0x40;
	v56 =	vld [tilespmem:s17+$0xFFFFFF90]  }
0x206: {  	v30 =	vadd.f32 v31, v30;
	v31 =	vld [tilespmem:s16+$0xFFFFFFC0]  }
0x207: {  	v57 =	vld [tilespmem:s17+$0xFFFFFFA0]  }
0x208: {  	v59 =	vld [tilespmem:s16+$0xFFFFFFD0];
	v58 =	vperm.xlane v30, v0  }
0x209: {  	v60 =	vld [tilespmem:s17+$0xFFFFFFB0]  }
0x20a: {  	v61 =	vld [tilespmem:s16+$0xFFFFFFE0];
	v30 =	vadd.f32 v58, v30  }
0x20b: {  	v62 =	vld [tilespmem:s17+$0xFFFFFFC0];
	v31 =	vmul.f32 v31, v56  }
0x20c: {  	v63 =	vimm.f32 $0.0e+00;
	v39 =	vld [tilespmem:s16+$0xFFFFFFF0];
	v38 =	vperm.xlane v30, v1  }
0x20d: {  	v40 =	vld [tilespmem:s17+$0xFFFFFFD0];
	v33 =	vmul.f32 v59, v57;
	v31 =	vadd.f32 v31, v63  }
0x20e: {  	v41 =	vld [tilespmem:s16+$0x0];
	v30 =	vadd.f32 v38, v30  }
0x20f: {  	v32 =	vld [tilespmem:s17+$0xFFFFFFE0];
	v34 =	vmul.f32 v61, v60;
	v31 =	vadd.f32 v33, v31  }
0x210: {  	v35 =	vld [tilespmem:s16+$0x10];
	v38 =	vperm.xlane v30, v2  }
0x211: {  	v36 =	vld [tilespmem:s16+$0x20];
	v37 =	vmul.f32 v39, v62;
	v31 =	vadd.f32 v34, v31  }
0x212: {  	v33 =	vld [tilespmem:s17+$0xFFFFFFF0];
	v30 =	vadd.f32 v38, v30  }
0x213: {  	v39 =	vmul.f32 v41, v40;
	v34 =	vld [tilespmem:s17+$0x0];
	v38 =	vadd.f32 v37, v31  }
0x214: {  	s18 =	simm.s32 $0x4370;
	s17 =	simm.s32 $0x0;
	v37 =	vld [tilespmem:s16+$0x30];
	v31 =	vperm.xlane v30, v3  }
.LBB2_30:
0x215: {  	v40 =	vld [tilespmem:s18+$0xFFFFFF90];
	v38 =	vadd.f32 v39, v38;
	v32 =	vmul.f32 v35, v32;
	s16 =	sadd.s32 $0x80, s16  }
0x216: {  	s17 =	sadd.s32 $0x8, s17;
	v35 =	vld [tilespmem:s16+$0xFFFFFFC0]  }
0x217: {  	p0 =	slt.u32 s17, $0x3F8;
	v39 =	vld [tilespmem:s18+$0xFFFFFFA0];
	v32 =	vadd.f32 v32, v38;
	v33 =	vmul.f32 v36, v33  }
0x218: {  	v36 =	vld [tilespmem:s16+$0xFFFFFFD0]  }
0x219: {  	v38 =	vld [tilespmem:s18+$0xFFFFFFB0];
	v32 =	vadd.f32 v33, v32;
	v33 =	vmul.f32 v37, v34  }
0x21a: {  	v34 =	vld [tilespmem:s16+$0xFFFFFFE0]  }
0x21b: {  	v35 =	vmul.f32 v35, v40;
	v37 =	vld [tilespmem:s18+$0xFFFFFFC0];
	v32 =	vadd.f32 v33, v32  }
0x21c: {  	v33 =	vld [tilespmem:s16+$0xFFFFFFF0]  }
0x21d: {  	v32 =	vadd.f32 v35, v32;
	v35 =	vmul.f32 v36, v39;
	v39 =	vld [tilespmem:s18+$0xFFFFFFD0]  }
0x21e: {  	v40 =	vld [tilespmem:s16+$0x0]  }
0x21f: {  	v36 =	vadd.f32 v35, v32;
	v34 =	vmul.f32 v34, v38;
	v32 =	vld [tilespmem:s18+$0xFFFFFFE0]  }
.Ltmp14:
0x220: {  	v35 =	vld [tilespmem:s16+$0x10];
	(pc) =	sbr.rel @p0 .LBB2_30-.Ltmp14, $4  }
0x221: {  	v34 =	vadd.f32 v34, v36;
	v37 =	vmul.f32 v33, v37;
	v33 =	vld [tilespmem:s18+$0xFFFFFFF0]  }
0x222: {  	v36 =	vld [tilespmem:s16+$0x20]  }
0x223: {  	v38 =	vadd.f32 v37, v34;
	v39 =	vmul.f32 v40, v39;
	v34 =	vld [tilespmem:s18+$0x0]  }
0x224: {  	s18 =	sadd.s32 $0x200, s18;
	v37 =	vld [tilespmem:s16+$0x30]  }
0x225: {  	v38 =	vadd.f32 v39, v38;
	v32 =	vmul.f32 v35, v32;
	_ =	sdelay $0x1  }
0x226: {  	v32 =	vadd.f32 v32, v38;
	v33 =	vmul.f32 v36, v33;
	_ =	sdelay $0x1  }
0x227: {  	s17 =	simm.s32 $0x41F0;
	v32 =	vadd.f32 v33, v32;
	v54 =	vmul.f32 v37, v34  }
0x228: {  	s16 =	simm.s32 $0x40;
	v55 =	vld [tilespmem:s17+$0xFFFFFF90]  }
0x229: {  	v56 =	vld [tilespmem:s16+$0xFFFFFFC0];
	v32 =	vadd.f32 v54, v32  }
0x22a: {  	v57 =	vld [tilespmem:s17+$0xFFFFFFA0]  }
0x22b: {  	v59 =	vld [tilespmem:s16+$0xFFFFFFD0];
	v58 =	vperm.xlane v32, v0  }
0x22c: {  	v60 =	vld [tilespmem:s17+$0xFFFFFFB0]  }
0x22d: {  	v61 =	vld [tilespmem:s16+$0xFFFFFFE0];
	v32 =	vadd.f32 v58, v32  }
0x22e: {  	v62 =	vld [tilespmem:s17+$0xFFFFFFC0];
	v33 =	vmul.f32 v56, v55  }
0x22f: {  	v63 =	vimm.f32 $0.0e+00;
	v41 =	vld [tilespmem:s16+$0xFFFFFFF0];
	v40 =	vperm.xlane v32, v1  }
0x230: {  	v42 =	vld [tilespmem:s17+$0xFFFFFFD0];
	v35 =	vmul.f32 v59, v57;
	v33 =	vadd.f32 v33, v63  }
0x231: {  	v43 =	vld [tilespmem:s16+$0x0];
	v32 =	vadd.f32 v40, v32  }
0x232: {  	v34 =	vld [tilespmem:s17+$0xFFFFFFE0];
	v36 =	vmul.f32 v61, v60;
	v33 =	vadd.f32 v35, v33  }
0x233: {  	v37 =	vld [tilespmem:s16+$0x10];
	v40 =	vperm.xlane v32, v2  }
0x234: {  	v38 =	vld [tilespmem:s16+$0x20];
	v39 =	vmul.f32 v41, v62;
	v33 =	vadd.f32 v36, v33  }
0x235: {  	v35 =	vld [tilespmem:s17+$0xFFFFFFF0];
	v32 =	vadd.f32 v40, v32  }
0x236: {  	v41 =	vmul.f32 v43, v42;
	v36 =	vld [tilespmem:s17+$0x0];
	v40 =	vadd.f32 v39, v33  }
0x237: {  	s18 =	simm.s32 $0x43F0;
	s17 =	simm.s32 $0x0;
	v39 =	vld [tilespmem:s16+$0x30];
	v33 =	vperm.xlane v32, v3  }
.LBB2_32:
0x238: {  	v42 =	vld [tilespmem:s18+$0xFFFFFF90];
	v40 =	vadd.f32 v41, v40;
	v34 =	vmul.f32 v37, v34;
	s16 =	sadd.s32 $0x80, s16  }
0x239: {  	s17 =	sadd.s32 $0x8, s17;
	v37 =	vld [tilespmem:s16+$0xFFFFFFC0]  }
0x23a: {  	p0 =	slt.u32 s17, $0x3F8;
	v41 =	vld [tilespmem:s18+$0xFFFFFFA0];
	v34 =	vadd.f32 v34, v40;
	v35 =	vmul.f32 v38, v35  }
0x23b: {  	v38 =	vld [tilespmem:s16+$0xFFFFFFD0]  }
0x23c: {  	v40 =	vld [tilespmem:s18+$0xFFFFFFB0];
	v34 =	vadd.f32 v35, v34;
	v35 =	vmul.f32 v39, v36  }
0x23d: {  	v36 =	vld [tilespmem:s16+$0xFFFFFFE0]  }
0x23e: {  	v37 =	vmul.f32 v37, v42;
	v39 =	vld [tilespmem:s18+$0xFFFFFFC0];
	v34 =	vadd.f32 v35, v34  }
0x23f: {  	v35 =	vld [tilespmem:s16+$0xFFFFFFF0]  }
0x240: {  	v34 =	vadd.f32 v37, v34;
	v37 =	vmul.f32 v38, v41;
	v41 =	vld [tilespmem:s18+$0xFFFFFFD0]  }
0x241: {  	v42 =	vld [tilespmem:s16+$0x0]  }
0x242: {  	v38 =	vadd.f32 v37, v34;
	v36 =	vmul.f32 v36, v40;
	v34 =	vld [tilespmem:s18+$0xFFFFFFE0]  }
.Ltmp15:
0x243: {  	v37 =	vld [tilespmem:s16+$0x10];
	(pc) =	sbr.rel @p0 .LBB2_32-.Ltmp15, $4  }
0x244: {  	v36 =	vadd.f32 v36, v38;
	v39 =	vmul.f32 v35, v39;
	v35 =	vld [tilespmem:s18+$0xFFFFFFF0]  }
0x245: {  	v38 =	vld [tilespmem:s16+$0x20]  }
0x246: {  	v40 =	vadd.f32 v39, v36;
	v41 =	vmul.f32 v42, v41;
	v36 =	vld [tilespmem:s18+$0x0]  }
0x247: {  	s18 =	sadd.s32 $0x200, s18;
	v39 =	vld [tilespmem:s16+$0x30]  }
0x248: {  	v40 =	vadd.f32 v41, v40;
	v34 =	vmul.f32 v37, v34;
	_ =	sdelay $0x1  }
0x249: {  	v34 =	vadd.f32 v34, v40;
	v35 =	vmul.f32 v38, v35;
	_ =	sdelay $0x1  }
0x24a: {  	v34 =	vadd.f32 v35, v34;
	v56 =	vmul.f32 v39, v36  }
0x24b: {  	v4 =	vadd.f32 v5, v4;
	v5 =	vadd.f32 v7, v6  }
0x24c: {  	v58 =	vadd.f32 v9, v8;
	v57 =	vadd.f32 v56, v34  }
0x24d: {  	v4 =	vsel vm0, v4, v5;
	v5 =	vadd.f32 v11, v10  }
0x24e: {  	v59 =	vadd.f32 v13, v12;
	v4 =	vsel vm1, v4, v58;
	v60 =	vperm.xlane v57, v0  }
0x24f: {  	v4 =	vsel vm2, v4, v5;
	v5 =	vadd.f32 v15, v14  }
0x250: {  	vm4 =	vmmov $0x1f;
	v4 =	vsel vm3, v4, v59;
	v6 =	vadd.f32 v60, v57  }
0x251: {  	v4 =	vsel vm4, v4, v5;
	v5 =	vadd.f32 v17, v16  }
0x252: {  	v61 =	vadd.f32 v19, v18;
	vm4 =	vmmov $0x3f;
	v8 =	vperm.xlane v6, v1  }
0x253: {  	v4 =	vsel vm4, v4, v5;
	vm4 =	vmmov $0x7f;
	v5 =	vadd.f32 v21, v20  }
0x254: {  	v4 =	vsel vm4, v4, v61;
	vm4 =	vmmov $0xff;
	v6 =	vadd.f32 v8, v6  }
0x255: {  	v4 =	vsel vm4, v4, v5;
	v5 =	vadd.f32 v23, v22  }
0x256: {  	v62 =	vadd.f32 v25, v24;
	vm4 =	vmmov $0x1ff;
	v8 =	vperm.xlane v6, v2  }
0x257: {  	v4 =	vsel vm4, v4, v5;
	vm4 =	vmmov $0x3ff;
	v5 =	vadd.f32 v27, v26  }
0x258: {  	v4 =	vsel vm4, v4, v62;
	vm4 =	vmmov $0x7ff;
	v6 =	vadd.f32 v8, v6  }
0x259: {  	v4 =	vsel vm4, v4, v5;
	v5 =	vadd.f32 v29, v28  }
0x25a: {  	v63 =	vadd.f32 v31, v30;
	vm4 =	vmmov $0xfff;
	v8 =	vperm.xlane v6, v3  }
0x25b: {  	v4 =	vsel vm4, v4, v5;
	vm4 =	vmmov $0x1fff;
	v5 =	vadd.f32 v33, v32  }
0x25c: {  	v4 =	vsel vm4, v4, v63;
	vm4 =	vmmov $0x3fff;
	v6 =	vadd.f32 v8, v6  }
0x25d: {  	v4 =	vsel vm4, v4, v5;
	vm4 =	vmmov $0x7fff  }
0x25e: {  	s15 =	sadd.s32 $0x1, s15;
	v4 =	vsel vm4, v4, v6  }
0x25f: {  	p0 =	sne.s32 s15, s9;
	v4 =	vmax.f32 v4, $9.999999970e-07  }
.Ltmp16:
0x260: {  	[tilespmem:$0x14000] =	vst v4;
	(pc) =	sbr.rel @p0 .LBB2_1-.Ltmp16, $4  }
0x261: {  	[hbm4b:s8+s1] =	stream.linear.scatter [tilespmem:s14], [sflag:$0x1], $0x10, $0x38;
	[tilespmem:$0x14080] =	vst v63  }
0x262: {  	_ =	swait.ge [sflag:s10], $0x10  }
0x263: {  	[sflag:s10] =	ssyncset.done $0x0  }
0x264: {  	[sflag:s10] =	ssyncadd.s32 $0xFFFFFFF0  }
0x265: {  	_ =	sfence.sel $0x180000  }
0x266: {  	[bflag:$0x0] =	sbarrier.arrive $0xFFFF  }
0x267: {  	p0 =	sne.s32 s2, $0x0;
	_ =	strace $0x90000047  }
0x268: {  	s0 =	sadd.s32 @!p0 $0x100000, s0;
	[bflag:$0x2] =	sbarrier.arrive $0xFFFF  }
0x269: {  	[sflag:s0] =	ssyncadd.tile.s32 @!p0 $0x1;
	_ =	shalt  }
.Lfunc_end2:
_tile_overlayer_lowered:
.L_overlay_start_2:
0x26a: {  	(tag) =	ssettag $0x2  }
0x26b: {  	s0 =	rddreg [dreg:$0x0];
	s2 =	stileid.u32  }
0x26c: {  	s1 =	rddreg [dreg:$0x1];
	p0 =	sne.s32 s2, $0x0  }
0x26d: {  	s3 =	rddreg [dreg:$0x2];
	[bflag:$0x3] =	sbarrier.arrive $0xFFFF;
	s2 =	simm.s32 @!p0 $0x1C01  }
0x26e: {  	[timem:s3], [sflag:s2] =	dma.local @!p0 [hbm:s0], s1  }
0x26f: {  	s0 =	simm.s32 @!p0 $0x1  }
0x270: {  	_ =	swait.ge @!p0 [sflag:s0], s1  }
0x271: {  	s1 =	ssub.s32 @!p0 $0x0, s1;
	[sflag:s0] =	ssyncset.done @!p0 $0x0  }
0x272: {  	[sflag:s0] =	ssyncadd.s32 @!p0 s1  }
0x273: {  	[bflag:$0x3] =	sbarrier.arrive $0xFFFF  }
0x274: {  	_ =	shalt  }

</sc_bundles>
